<compile_context>
chip_gen: v7x
topology: tpu7x:2x2x1
jax: 0.10.2.dev20260603
libtpu: 0.0.44.dev20260713+nightly
codegen_flags: <defaults>
</compile_context>

<pallas_src>
import functools

import jax
import jax.numpy as jnp
from jax import lax
from jax.experimental import pallas as pl
from jax.experimental.pallas import tpu as pltpu
from jax.experimental.pallas import tpu_sc as plsc

N = 10000
D = 128
H = 128
C = 40
E = 320000

NP = 10112
RPT = NP // 16
CH = 128
NW = 32
NCH = 80
NCH2 = NCH // 2
EPAD = NW * NCH * CH

BN = 400
GRID = N // BN

_mesh = plsc.VectorSubcoreMesh(core_axis_name="c", subcore_axis_name="s")


@functools.partial(
    pl.kernel,
    mesh=_mesh,
    out_type=jax.ShapeDtypeStruct((2, NP, H), jnp.float32),
    scratch_types=[
        pltpu.VMEM_SHARED((NP, H), jnp.float32),
        pltpu.VMEM((NCH, CH), jnp.int32),
        pltpu.VMEM((CH, H), jnp.float32),
        pltpu.SemaphoreType.DMA,
    ],
)
def _deg_kernel(dsts_hbm, zeros_hbm, ones_hbm, out_hbm, dacc, dst_v, ones_v, sem):
    c = lax.axis_index("c")
    s = lax.axis_index("s")
    wid = s * 2 + c
    row0 = s * RPT
    pltpu.sync_copy(zeros_hbm.at[pl.ds(row0, RPT)], dacc.at[pl.ds(row0, RPT)])
    pltpu.sync_copy(dsts_hbm.at[wid], dst_v)
    pltpu.sync_copy(ones_hbm, ones_v)
    plsc.subcore_barrier()

    def body(g, carry):
        for k in range(8):
            pltpu.async_copy(ones_v, dacc.at[dst_v.at[g * 8 + k]], sem, add=True)
        for k in range(8):
            pltpu.make_async_copy(ones_v, dacc.at[dst_v.at[g * 8 + k]], sem).wait()
        return carry

    lax.fori_loop(0, NCH // 8, body, 0)
    plsc.subcore_barrier()
    pltpu.sync_copy(dacc.at[pl.ds(row0, RPT)], out_hbm.at[c].at[pl.ds(row0, RPT)])


@functools.partial(
    pl.kernel,
    mesh=_mesh,
    out_type=jax.ShapeDtypeStruct((2, NP, H), jnp.float32),
    scratch_types=[
        pltpu.VMEM_SHARED((NP, H), jnp.float32),
        pltpu.VMEM((NCH // 2, CH), jnp.int32),
        pltpu.VMEM((NCH // 2, CH), jnp.int32),
        pltpu.VMEM((2, CH), jnp.int32),
        pltpu.VMEM((2, CH), jnp.int32),
        pltpu.VMEM((CH, H), jnp.float32),
        pltpu.VMEM((CH, H), jnp.float32),
        pltpu.SemaphoreType.DMA,
        pltpu.SemaphoreType.DMA,
    ],
)
def _agg_kernel(hs_hbm, srcs_hbm, dsts_hbm, zeros_hbm, out_hbm,
                acc, src16_v, dst16_v, src_st, dst_st, rows_a, rows_b,
                sem_a, sem_b):
    c = lax.axis_index("c")
    s = lax.axis_index("s")
    wid = s * 2 + c
    row0 = s * RPT
    pltpu.sync_copy(zeros_hbm.at[pl.ds(row0, RPT)], acc.at[pl.ds(row0, RPT)])
    pltpu.sync_copy(srcs_hbm.at[wid], src16_v)
    pltpu.sync_copy(dsts_hbm.at[wid], dst16_v)
    plsc.subcore_barrier()

    def cvt(r, half, p):
        for g in range(4):
            sw = src16_v[r, pl.ds(half * 64 + g * 16, 16)]
            dw = dst16_v[r, pl.ds(half * 64 + g * 16, 16)]
            src_st[p, pl.ds(g * 32, 16)] = jnp.bitwise_and(sw, 0xFFFF)
            src_st[p, pl.ds(g * 32 + 16, 16)] = lax.shift_right_logical(sw, 16)
            dst_st[p, pl.ds(g * 32, 16)] = jnp.bitwise_and(dw, 0xFFFF)
            dst_st[p, pl.ds(g * 32 + 16, 16)] = lax.shift_right_logical(dw, 16)

    cvt(0, 0, 0)
    pltpu.async_copy(hs_hbm.at[src_st.at[0]], rows_a, sem_a)

    def body(jj, carry):
        cvt(jj, 1, 1)
        pltpu.make_async_copy(hs_hbm.at[src_st.at[0]], rows_a, sem_a).wait()
        pltpu.async_copy(hs_hbm.at[src_st.at[1]], rows_b, sem_b)
        pltpu.sync_copy(rows_a, acc.at[dst_st.at[0]], add=True)

        @pl.when(jj + 1 < NCH2)
        def _next_even():
            cvt(jj + 1, 0, 0)

        pltpu.make_async_copy(hs_hbm.at[src_st.at[1]], rows_b, sem_b).wait()

        @pl.when(jj + 1 < NCH2)
        def _issue():
            pltpu.async_copy(hs_hbm.at[src_st.at[0]], rows_a, sem_a)

        pltpu.sync_copy(rows_b, acc.at[dst_st.at[1]], add=True)
        return carry

    lax.fori_loop(0, NCH2, body, 0)
    plsc.subcore_barrier()
    pltpu.sync_copy(acc.at[pl.ds(row0, RPT)], out_hbm.at[c].at[pl.ds(row0, RPT)])


def _mm1_body(deg_ref, x_ref, w_ref, hs_ref, dinv_ref):
    d = deg_ref[...]
    deg = d[0, :, 0] + d[1, :, 0] + 1.0
    dinv = lax.rsqrt(deg)
    h = jnp.dot(x_ref[...], w_ref[...], preferred_element_type=jnp.float32)
    hs_ref[...] = h * dinv[:, None]
    dinv_ref[...] = dinv[:, None]


_mm1 = pl.pallas_call(
    _mm1_body,
    grid=(GRID,),
    in_specs=[
        pl.BlockSpec((2, BN, H), lambda i: (0, i, 0)),
        pl.BlockSpec((BN, D), lambda i: (i, 0)),
        pl.BlockSpec((D, H), lambda i: (0, 0)),
    ],
    out_specs=[
        pl.BlockSpec((BN, H), lambda i: (i, 0)),
        pl.BlockSpec((BN, 1), lambda i: (i, 0)),
    ],
    out_shape=[
        jax.ShapeDtypeStruct((N, H), jnp.float32),
        jax.ShapeDtypeStruct((N, 1), jnp.float32),
    ],
)


def _fuse2_body(p_ref, hs_ref, dinv_ref, b_ref, w_ref, out_ref):
    pp = p_ref[...]
    acc = pp[0] + pp[1] + hs_ref[...]
    dinv = dinv_ref[...]
    t = acc * dinv + b_ref[...]
    r = jnp.maximum(t, 0.0)
    out_ref[...] = jnp.dot(r, w_ref[...], preferred_element_type=jnp.float32) * dinv


_fuse2 = pl.pallas_call(
    _fuse2_body,
    grid=(GRID,),
    in_specs=[
        pl.BlockSpec((2, BN, H), lambda i: (0, i, 0)),
        pl.BlockSpec((BN, H), lambda i: (i, 0)),
        pl.BlockSpec((BN, 1), lambda i: (i, 0)),
        pl.BlockSpec((1, H), lambda i: (0, 0)),
        pl.BlockSpec((H, H), lambda i: (0, 0)),
    ],
    out_specs=pl.BlockSpec((BN, H), lambda i: (i, 0)),
    out_shape=jax.ShapeDtypeStruct((N, H), jnp.float32),
)


def _fuse3_body(p_ref, hs_ref, dinv_ref, b_ref, w_ref, bc_ref, out_ref):
    pp = p_ref[...]
    acc = pp[0] + pp[1] + hs_ref[...]
    t = acc * dinv_ref[...] + b_ref[...]
    out_ref[...] = (
        jnp.dot(t, w_ref[...], preferred_element_type=jnp.float32) + bc_ref[...]
    )


_fuse3 = pl.pallas_call(
    _fuse3_body,
    grid=(GRID,),
    in_specs=[
        pl.BlockSpec((2, BN, H), lambda i: (0, i, 0)),
        pl.BlockSpec((BN, H), lambda i: (i, 0)),
        pl.BlockSpec((BN, 1), lambda i: (i, 0)),
        pl.BlockSpec((1, H), lambda i: (0, 0)),
        pl.BlockSpec((H, C), lambda i: (0, 0)),
        pl.BlockSpec((1, C), lambda i: (0, 0)),
    ],
    out_specs=pl.BlockSpec((BN, C), lambda i: (i, 0)),
    out_shape=jax.ShapeDtypeStruct((N, C), jnp.float32),
)


def kernel(x, edge_index, W1, b1, W2, b2, Wc, bc):
    src = edge_index[0]
    dst = edge_index[1]
    pad = EPAD - E
    pad_src = jnp.arange(pad, dtype=jnp.int32) % N
    pad_dst = N + jnp.arange(pad, dtype=jnp.int32) % (NP - N)
    srcp = jnp.concatenate([src, pad_src]).reshape(NW, NCH, CH)
    dstp = jnp.concatenate([dst, pad_dst]).reshape(NW, NCH, CH)
    srcp16 = (srcp[:, :, 0::2] | (srcp[:, :, 1::2] << 16)).reshape(NW, NCH // 2, CH)
    dstp16 = (dstp[:, :, 0::2] | (dstp[:, :, 1::2] << 16)).reshape(NW, NCH // 2, CH)
    zeros_acc = jnp.zeros((NP, H), jnp.float32)
    ones_blk = jnp.ones((CH, H), jnp.float32)

    degp = _deg_kernel(dstp, zeros_acc, ones_blk)
    hs1, dinv = _mm1(degp, x, W1)
    p1 = _agg_kernel(hs1, srcp16, dstp16, zeros_acc)
    hs2 = _fuse2(p1, hs1, dinv, b1.reshape(1, H), W2)
    p2 = _agg_kernel(hs2, srcp16, dstp16, zeros_acc)
    logits = _fuse3(p2, hs2, dinv, b2.reshape(1, H), Wc, bc.reshape(1, C))
    return logits

# --- scband reference (transcript-rebuilt; emitter-appended) ---
"""Pipeline reference for scband-gcnnet-22471268892724 (READ-ONLY COPY).

The authoritative reference and input builder live on the scoring server;
editing this copy changes nothing except your own understanding.
"""

import jax, jax.numpy as jnp
import numpy as np

N = 10000
E = 320000
D = 128
H = 128
C = 40


def gcn_conv(x, edge_index, W, b):
    # PyG GCNConv: linear transform, add self-loops, symmetric normalization, scatter-add
    n = x.shape[0]
    loop = jnp.arange(n, dtype=edge_index.dtype)
    src = jnp.concatenate([edge_index[0], loop])
    dst = jnp.concatenate([edge_index[1], loop])
    deg = jnp.zeros((n,), dtype=x.dtype).at[dst].add(1.0)
    deg_inv_sqrt = jnp.where(deg > 0, jax.lax.rsqrt(deg), 0.0)
    norm = deg_inv_sqrt[src] * deg_inv_sqrt[dst]
    h = x @ W
    msg = h[src] * norm[:, None]
    out = jnp.zeros((n, W.shape[1]), dtype=x.dtype).at[dst].add(msg)
    return out + b


def setup_inputs(seed: int = 0) -> dict:
    key = jax.random.key(seed)
    ks = jax.random.split(key, 8)
    x = jax.random.normal(ks[0], (N, D), dtype=jnp.float32)
    edge_index = jax.random.randint(ks[1], (2, E), 0, N, dtype=jnp.int32)
    W1 = jax.random.normal(ks[2], (D, H), dtype=jnp.float32) * 0.05
    b1 = jnp.zeros((H,), dtype=jnp.float32)
    W2 = jax.random.normal(ks[3], (H, H), dtype=jnp.float32) * 0.05
    b2 = jnp.zeros((H,), dtype=jnp.float32)
    Wc = jax.random.normal(ks[4], (H, C), dtype=jnp.float32) * 0.05
    bc = jnp.zeros((C,), dtype=jnp.float32)
    return {"x": x, "edge_index": edge_index, "W1": W1, "b1": b1, "W2": W2, "b2": b2, "Wc": Wc, "bc": bc}


def reference(x, edge_index, W1, b1, W2, b2, Wc, bc):
    # K=2 GCN layers; relu after all but last conv; dropout=None
    h = gcn_conv(x, edge_index, W1, b1)
    h = jax.nn.relu(h)
    h = gcn_conv(h, edge_index, W2, b2)
    logits = h @ Wc + bc
    return logits

if __name__ == "__main__":
    import jax
    _d = setup_inputs()
    print(jax.jit(kernel)(*tuple(_d.values())))

</pallas_src>

<mosaic_0001>
#map = affine_map<(d0, d1) -> (0, 0, 0)>
#map1 = affine_map<(d0, d1) -> (0, 0)>
module attributes {stable_mosaic.version = 14 : i64} {
  func.func @_deg_kernel(%arg0: i32, %arg1: i32, %arg2: memref<32x80x128xi32, #tpu.memory_space<hbm>>, %arg3: memref<10112x128xf32, #tpu.memory_space<hbm>>, %arg4: memref<128x128xf32, #tpu.memory_space<hbm>>, %arg5: memref<2x10112x128xf32, #tpu.memory_space<hbm>>, %arg6: memref<10112x128xf32, #tpu.memory_space<vmem_shared>>, %arg7: memref<80x128xi32, #tpu.memory_space<vmem>>, %arg8: memref<128x128xf32, #tpu.memory_space<vmem>>, %arg9: memref<!tpu.dma_semaphore, #tpu.memory_space<semaphore_mem>>) attributes {dimension_semantics = [#tpu.dimension_semantics<core_parallel>, #tpu.dimension_semantics<subcore_parallel>], iteration_bounds = array<i64: 2, 16>, scalar_prefetch = 0 : i64, scratch_operands = 4 : i64, tpu.core_type = #tpu.core_type<sc_vector_subcore>, window_params = [{transform_indices = #map}, {transform_indices = #map1}, {transform_indices = #map1}, {transform_indices = #map}]} {
    %mul3A = arith.constant 2 : i32
    %mul3A_0 = arith.muli %arg1, %mul3A : i32
    %add3A = arith.addi %mul3A_0, %arg0 : i32
    %mul3A_1 = arith.constant 632 : i32
    %mul3A_2 = arith.muli %arg1, %mul3A_1 : i32
    "tpu.region"() ({
      %run_scoped3A = tpu.sem_alloc : memref<!tpu.dma_semaphore, #tpu.memory_space<semaphore_mem>>
      %dma_start3A = arith.constant 0 : i32
      %dma_start3A_9 = tpu.memref_slice %arg6[%mul3A_2, %dma_start3A] : memref<10112x128xf32, #tpu.memory_space<vmem_shared>> -> memref<632x128xf32, #tpu.memory_space<vmem_shared>>
      %dma_start3A_10 = arith.constant 0 : i32
      %dma_start3A_11 = tpu.memref_slice %arg3[%mul3A_2, %dma_start3A_10] : memref<10112x128xf32, #tpu.memory_space<hbm>> -> memref<632x128xf32, #tpu.memory_space<hbm>>
      tpu.enqueue_dma source(%dma_start3A_11 : memref<632x128xf32, #tpu.memory_space<hbm>>) target(%dma_start3A_9 : memref<632x128xf32, #tpu.memory_space<vmem_shared>>) target_semaphore(%run_scoped3A : memref<!tpu.dma_semaphore, #tpu.memory_space<semaphore_mem>>)
      %dma_wait3A = arith.constant 0 : i32
      %dma_wait3A_12 = tpu.memref_slice %arg6[%mul3A_2, %dma_wait3A] : memref<10112x128xf32, #tpu.memory_space<vmem_shared>> -> memref<632x128xf32, #tpu.memory_space<vmem_shared>>
      %dma_wait3A_13 = arith.constant 0 : i32
      %dma_wait3A_14 = tpu.memref_slice %arg3[%mul3A_2, %dma_wait3A_13] : memref<10112x128xf32, #tpu.memory_space<hbm>> -> memref<632x128xf32, #tpu.memory_space<hbm>>
      tpu.wait_dma2 semaphore(%run_scoped3A : memref<!tpu.dma_semaphore, #tpu.memory_space<semaphore_mem>>) src(%dma_wait3A_14 : memref<632x128xf32, #tpu.memory_space<hbm>>) dst(%dma_wait3A_12 : memref<632x128xf32, #tpu.memory_space<vmem_shared>>)
      tpu.yield
    }) : () -> ()
    "tpu.region"() ({
      %run_scoped3A = tpu.sem_alloc : memref<!tpu.dma_semaphore, #tpu.memory_space<semaphore_mem>>
      %dma_start3A = arith.constant 0 : i32
      %dma_start3A_9 = arith.constant 0 : i32
      %dma_start3A_10 = tpu.memref_slice %arg2[%add3A, %dma_start3A, %dma_start3A_9] : memref<32x80x128xi32, #tpu.memory_space<hbm>> -> memref<1x80x128xi32, #tpu.memory_space<hbm>>
      %dma_start3A_11 = tpu.memref_squeeze %dma_start3A_10 : memref<1x80x128xi32, #tpu.memory_space<hbm>> -> memref<80x128xi32, #tpu.memory_space<hbm>>
      %dma_start3A_12 = arith.constant 0 : i32
      %dma_start3A_13 = arith.constant 0 : i32
      %dma_start3A_14 = tpu.memref_slice %arg2[%add3A, %dma_start3A_12, %dma_start3A_13] : memref<32x80x128xi32, #tpu.memory_space<hbm>> -> memref<1x80x128xi32, #tpu.memory_space<hbm>>
      %dma_start3A_15 = tpu.memref_squeeze %dma_start3A_14 : memref<1x80x128xi32, #tpu.memory_space<hbm>> -> memref<80x128xi32, #tpu.memory_space<hbm>>
      tpu.enqueue_dma source(%dma_start3A_15 : memref<80x128xi32, #tpu.memory_space<hbm>>) target(%arg7 : memref<80x128xi32, #tpu.memory_space<vmem>>) target_semaphore(%run_scoped3A : memref<!tpu.dma_semaphore, #tpu.memory_space<semaphore_mem>>)
      %dma_wait3A = arith.constant 0 : i32
      %dma_wait3A_16 = arith.constant 0 : i32
      %dma_wait3A_17 = tpu.memref_slice %arg2[%add3A, %dma_wait3A, %dma_wait3A_16] : memref<32x80x128xi32, #tpu.memory_space<hbm>> -> memref<1x80x128xi32, #tpu.memory_space<hbm>>
      %dma_wait3A_18 = tpu.memref_squeeze %dma_wait3A_17 : memref<1x80x128xi32, #tpu.memory_space<hbm>> -> memref<80x128xi32, #tpu.memory_space<hbm>>
      %dma_wait3A_19 = arith.constant 0 : i32
      %dma_wait3A_20 = arith.constant 0 : i32
      %dma_wait3A_21 = tpu.memref_slice %arg2[%add3A, %dma_wait3A_19, %dma_wait3A_20] : memref<32x80x128xi32, #tpu.memory_space<hbm>> -> memref<1x80x128xi32, #tpu.memory_space<hbm>>
      %dma_wait3A_22 = tpu.memref_squeeze %dma_wait3A_21 : memref<1x80x128xi32, #tpu.memory_space<hbm>> -> memref<80x128xi32, #tpu.memory_space<hbm>>
      tpu.wait_dma2 semaphore(%run_scoped3A : memref<!tpu.dma_semaphore, #tpu.memory_space<semaphore_mem>>) src(%dma_wait3A_22 : memref<80x128xi32, #tpu.memory_space<hbm>>) dst(%arg7 : memref<80x128xi32, #tpu.memory_space<vmem>>)
      tpu.yield
    }) : () -> ()
    "tpu.region"() ({
      %run_scoped3A = tpu.sem_alloc : memref<!tpu.dma_semaphore, #tpu.memory_space<semaphore_mem>>
      tpu.enqueue_dma source(%arg4 : memref<128x128xf32, #tpu.memory_space<hbm>>) target(%arg8 : memref<128x128xf32, #tpu.memory_space<vmem>>) target_semaphore(%run_scoped3A : memref<!tpu.dma_semaphore, #tpu.memory_space<semaphore_mem>>)
      tpu.wait_dma2 semaphore(%run_scoped3A : memref<!tpu.dma_semaphore, #tpu.memory_space<semaphore_mem>>) src(%arg4 : memref<128x128xf32, #tpu.memory_space<hbm>>) dst(%arg8 : memref<128x128xf32, #tpu.memory_space<vmem>>)
      tpu.yield
    }) : () -> ()
    %barrier3A = arith.constant 0 : index
    tpu.barrier barrier_id(%barrier3A)
    %scan3A = arith.constant 0 : i32
    %scan3A_3 = arith.constant 0 : i32
    %scan3A_4 = arith.constant 10 : i32
    %scan3A_5 = arith.addi %scan3A_3, %scan3A_4 : i32
    %scan3A_6 = arith.constant 1 : i32
    scf.for %scan3A_9 = %scan3A_3 to %scan3A_5 step %scan3A_6  : i32 {
      %mul3A_10 = arith.constant 8 : i32
      %mul3A_11 = arith.muli %scan3A_9, %mul3A_10 : i32
      %add3A_12 = arith.constant 0 : i32
      %add3A_13 = arith.addi %mul3A_11, %add3A_12 : i32
      %dma_start3A = arith.constant 0 : i32
      %dma_start3A_14 = tpu.memref_slice %arg7[%add3A_13, %dma_start3A] : memref<80x128xi32, #tpu.memory_space<vmem>> -> memref<1x128xi32, #tpu.memory_space<vmem>>
      %dma_start3A_15 = tpu.memref_squeeze %dma_start3A_14 : memref<1x128xi32, #tpu.memory_space<vmem>> -> memref<128xi32, #tpu.memory_space<vmem>>
      %dma_start3A_16 = arith.constant 0 : i32
      %dma_start3A_17 = arith.constant 0 : i32
      %dma_start3A_18 = tpu.memref_slice %arg6[%dma_start3A_16, %dma_start3A_17] : memref<10112x128xf32, #tpu.memory_space<vmem_shared>> -> memref<10112x128xf32, #tpu.memory_space<vmem_shared>>
      tpu.enqueue_indirect_dma source(%arg8 : memref<128x128xf32, #tpu.memory_space<vmem>>) target(%dma_start3A_18 : memref<10112x128xf32, #tpu.memory_space<vmem_shared>>) offsets(%dma_start3A_15 : memref<128xi32, #tpu.memory_space<vmem>>) semaphore(%arg9 : memref<!tpu.dma_semaphore, #tpu.memory_space<semaphore_mem>>) {add = true}
      %mul3A_19 = arith.constant 8 : i32
      %mul3A_20 = arith.muli %scan3A_9, %mul3A_19 : i32
      %add3A_21 = arith.constant 1 : i32
      %add3A_22 = arith.addi %mul3A_20, %add3A_21 : i32
      %dma_start3A_23 = arith.constant 0 : i32
      %dma_start3A_24 = tpu.memref_slice %arg7[%add3A_22, %dma_start3A_23] : memref<80x128xi32, #tpu.memory_space<vmem>> -> memref<1x128xi32, #tpu.memory_space<vmem>>
      %dma_start3A_25 = tpu.memref_squeeze %dma_start3A_24 : memref<1x128xi32, #tpu.memory_space<vmem>> -> memref<128xi32, #tpu.memory_space<vmem>>
      %dma_start3A_26 = arith.constant 0 : i32
      %dma_start3A_27 = arith.constant 0 : i32
      %dma_start3A_28 = tpu.memref_slice %arg6[%dma_start3A_26, %dma_start3A_27] : memref<10112x128xf32, #tpu.memory_space<vmem_shared>> -> memref<10112x128xf32, #tpu.memory_space<vmem_shared>>
      tpu.enqueue_indirect_dma source(%arg8 : memref<128x128xf32, #tpu.memory_space<vmem>>) target(%dma_start3A_28 : memref<10112x128xf32, #tpu.memory_space<vmem_shared>>) offsets(%dma_start3A_25 : memref<128xi32, #tpu.memory_space<vmem>>) semaphore(%arg9 : memref<!tpu.dma_semaphore, #tpu.memory_space<semaphore_mem>>) {add = true}
      %mul3A_29 = arith.constant 8 : i32
      %mul3A_30 = arith.muli %scan3A_9, %mul3A_29 : i32
      %add3A_31 = arith.constant 2 : i32
      %add3A_32 = arith.addi %mul3A_30, %add3A_31 : i32
      %dma_start3A_33 = arith.constant 0 : i32
      %dma_start3A_34 = tpu.memref_slice %arg7[%add3A_32, %dma_start3A_33] : memref<80x128xi32, #tpu.memory_space<vmem>> -> memref<1x128xi32, #tpu.memory_space<vmem>>
      %dma_start3A_35 = tpu.memref_squeeze %dma_start3A_34 : memref<1x128xi32, #tpu.memory_space<vmem>> -> memref<128xi32, #tpu.memory_space<vmem>>
      %dma_start3A_36 = arith.constant 0 : i32
      %dma_start3A_37 = arith.constant 0 : i32
      %dma_start3A_38 = tpu.memref_slice %arg6[%dma_start3A_36, %dma_start3A_37] : memref<10112x128xf32, #tpu.memory_space<vmem_shared>> -> memref<10112x128xf32, #tpu.memory_space<vmem_shared>>
      tpu.enqueue_indirect_dma source(%arg8 : memref<128x128xf32, #tpu.memory_space<vmem>>) target(%dma_start3A_38 : memref<10112x128xf32, #tpu.memory_space<vmem_shared>>) offsets(%dma_start3A_35 : memref<128xi32, #tpu.memory_space<vmem>>) semaphore(%arg9 : memref<!tpu.dma_semaphore, #tpu.memory_space<semaphore_mem>>) {add = true}
      %mul3A_39 = arith.constant 8 : i32
      %mul3A_40 = arith.muli %scan3A_9, %mul3A_39 : i32
      %add3A_41 = arith.constant 3 : i32
      %add3A_42 = arith.addi %mul3A_40, %add3A_41 : i32
      %dma_start3A_43 = arith.constant 0 : i32
      %dma_start3A_44 = tpu.memref_slice %arg7[%add3A_42, %dma_start3A_43] : memref<80x128xi32, #tpu.memory_space<vmem>> -> memref<1x128xi32, #tpu.memory_space<vmem>>
      %dma_start3A_45 = tpu.memref_squeeze %dma_start3A_44 : memref<1x128xi32, #tpu.memory_space<vmem>> -> memref<128xi32, #tpu.memory_space<vmem>>
      %dma_start3A_46 = arith.constant 0 : i32
      %dma_start3A_47 = arith.constant 0 : i32
      %dma_start3A_48 = tpu.memref_slice %arg6[%dma_start3A_46, %dma_start3A_47] : memref<10112x128xf32, #tpu.memory_space<vmem_shared>> -> memref<10112x128xf32, #tpu.memory_space<vmem_shared>>
      tpu.enqueue_indirect_dma source(%arg8 : memref<128x128xf32, #tpu.memory_space<vmem>>) target(%dma_start3A_48 : memref<10112x128xf32, #tpu.memory_space<vmem_shared>>) offsets(%dma_start3A_45 : memref<128xi32, #tpu.memory_space<vmem>>) semaphore(%arg9 : memref<!tpu.dma_semaphore, #tpu.memory_space<semaphore_mem>>) {add = true}
      %mul3A_49 = arith.constant 8 : i32
      %mul3A_50 = arith.muli %scan3A_9, %mul3A_49 : i32
      %add3A_51 = arith.constant 4 : i32
      %add3A_52 = arith.addi %mul3A_50, %add3A_51 : i32
      %dma_start3A_53 = arith.constant 0 : i32
      %dma_start3A_54 = tpu.memref_slice %arg7[%add3A_52, %dma_start3A_53] : memref<80x128xi32, #tpu.memory_space<vmem>> -> memref<1x128xi32, #tpu.memory_space<vmem>>
      %dma_start3A_55 = tpu.memref_squeeze %dma_start3A_54 : memref<1x128xi32, #tpu.memory_space<vmem>> -> memref<128xi32, #tpu.memory_space<vmem>>
      %dma_start3A_56 = arith.constant 0 : i32
      %dma_start3A_57 = arith.constant 0 : i32
      %dma_start3A_58 = tpu.memref_slice %arg6[%dma_start3A_56, %dma_start3A_57] : memref<10112x128xf32, #tpu.memory_space<vmem_shared>> -> memref<10112x128xf32, #tpu.memory_space<vmem_shared>>
      tpu.enqueue_indirect_dma source(%arg8 : memref<128x128xf32, #tpu.memory_space<vmem>>) target(%dma_start3A_58 : memref<10112x128xf32, #tpu.memory_space<vmem_shared>>) offsets(%dma_start3A_55 : memref<128xi32, #tpu.memory_space<vmem>>) semaphore(%arg9 : memref<!tpu.dma_semaphore, #tpu.memory_space<semaphore_mem>>) {add = true}
      %mul3A_59 = arith.constant 8 : i32
      %mul3A_60 = arith.muli %scan3A_9, %mul3A_59 : i32
      %add3A_61 = arith.constant 5 : i32
      %add3A_62 = arith.addi %mul3A_60, %add3A_61 : i32
      %dma_start3A_63 = arith.constant 0 : i32
      %dma_start3A_64 = tpu.memref_slice %arg7[%add3A_62, %dma_start3A_63] : memref<80x128xi32, #tpu.memory_space<vmem>> -> memref<1x128xi32, #tpu.memory_space<vmem>>
      %dma_start3A_65 = tpu.memref_squeeze %dma_start3A_64 : memref<1x128xi32, #tpu.memory_space<vmem>> -> memref<128xi32, #tpu.memory_space<vmem>>
      %dma_start3A_66 = arith.constant 0 : i32
      %dma_start3A_67 = arith.constant 0 : i32
      %dma_start3A_68 = tpu.memref_slice %arg6[%dma_start3A_66, %dma_start3A_67] : memref<10112x128xf32, #tpu.memory_space<vmem_shared>> -> memref<10112x128xf32, #tpu.memory_space<vmem_shared>>
      tpu.enqueue_indirect_dma source(%arg8 : memref<128x128xf32, #tpu.memory_space<vmem>>) target(%dma_start3A_68 : memref<10112x128xf32, #tpu.memory_space<vmem_shared>>) offsets(%dma_start3A_65 : memref<128xi32, #tpu.memory_space<vmem>>) semaphore(%arg9 : memref<!tpu.dma_semaphore, #tpu.memory_space<semaphore_mem>>) {add = true}
      %mul3A_69 = arith.constant 8 : i32
      %mul3A_70 = arith.muli %scan3A_9, %mul3A_69 : i32
      %add3A_71 = arith.constant 6 : i32
      %add3A_72 = arith.addi %mul3A_70, %add3A_71 : i32
      %dma_start3A_73 = arith.constant 0 : i32
      %dma_start3A_74 = tpu.memref_slice %arg7[%add3A_72, %dma_start3A_73] : memref<80x128xi32, #tpu.memory_space<vmem>> -> memref<1x128xi32, #tpu.memory_space<vmem>>
      %dma_start3A_75 = tpu.memref_squeeze %dma_start3A_74 : memref<1x128xi32, #tpu.memory_space<vmem>> -> memref<128xi32, #tpu.memory_space<vmem>>
      %dma_start3A_76 = arith.constant 0 : i32
      %dma_start3A_77 = arith.constant 0 : i32
      %dma_start3A_78 = tpu.memref_slice %arg6[%dma_start3A_76, %dma_start3A_77] : memref<10112x128xf32, #tpu.memory_space<vmem_shared>> -> memref<10112x128xf32, #tpu.memory_space<vmem_shared>>
      tpu.enqueue_indirect_dma source(%arg8 : memref<128x128xf32, #tpu.memory_space<vmem>>) target(%dma_start3A_78 : memref<10112x128xf32, #tpu.memory_space<vmem_shared>>) offsets(%dma_start3A_75 : memref<128xi32, #tpu.memory_space<vmem>>) semaphore(%arg9 : memref<!tpu.dma_semaphore, #tpu.memory_space<semaphore_mem>>) {add = true}
      %mul3A_79 = arith.constant 8 : i32
      %mul3A_80 = arith.muli %scan3A_9, %mul3A_79 : i32
      %add3A_81 = arith.constant 7 : i32
      %add3A_82 = arith.addi %mul3A_80, %add3A_81 : i32
      %dma_start3A_83 = arith.constant 0 : i32
      %dma_start3A_84 = tpu.memref_slice %arg7[%add3A_82, %dma_start3A_83] : memref<80x128xi32, #tpu.memory_space<vmem>> -> memref<1x128xi32, #tpu.memory_space<vmem>>
      %dma_start3A_85 = tpu.memref_squeeze %dma_start3A_84 : memref<1x128xi32, #tpu.memory_space<vmem>> -> memref<128xi32, #tpu.memory_space<vmem>>
      %dma_start3A_86 = arith.constant 0 : i32
      %dma_start3A_87 = arith.constant 0 : i32
      %dma_start3A_88 = tpu.memref_slice %arg6[%dma_start3A_86, %dma_start3A_87] : memref<10112x128xf32, #tpu.memory_space<vmem_shared>> -> memref<10112x128xf32, #tpu.memory_space<vmem_shared>>
      tpu.enqueue_indirect_dma source(%arg8 : memref<128x128xf32, #tpu.memory_space<vmem>>) target(%dma_start3A_88 : memref<10112x128xf32, #tpu.memory_space<vmem_shared>>) offsets(%dma_start3A_85 : memref<128xi32, #tpu.memory_space<vmem>>) semaphore(%arg9 : memref<!tpu.dma_semaphore, #tpu.memory_space<semaphore_mem>>) {add = true}
      %mul3A_89 = arith.constant 8 : i32
      %mul3A_90 = arith.muli %scan3A_9, %mul3A_89 : i32
      %add3A_91 = arith.constant 0 : i32
      %add3A_92 = arith.addi %mul3A_90, %add3A_91 : i32
      %dma_wait3A = arith.constant 0 : i32
      %dma_wait3A_93 = tpu.memref_slice %arg7[%add3A_92, %dma_wait3A] : memref<80x128xi32, #tpu.memory_space<vmem>> -> memref<1x128xi32, #tpu.memory_space<vmem>>
      %dma_wait3A_94 = tpu.memref_squeeze %dma_wait3A_93 : memref<1x128xi32, #tpu.memory_space<vmem>> -> memref<128xi32, #tpu.memory_space<vmem>>
      %dma_wait3A_95 = arith.constant 0 : i32
      %dma_wait3A_96 = arith.constant 0 : i32
      %dma_wait3A_97 = tpu.memref_slice %arg6[%dma_wait3A_95, %dma_wait3A_96] : memref<10112x128xf32, #tpu.memory_space<vmem_shared>> -> memref<10112x128xf32, #tpu.memory_space<vmem_shared>>
      tpu.wait_indirect_dma semaphore(%arg9 : memref<!tpu.dma_semaphore, #tpu.memory_space<semaphore_mem>>) src(%arg8 : memref<128x128xf32, #tpu.memory_space<vmem>>) dst(%dma_wait3A_97 : memref<10112x128xf32, #tpu.memory_space<vmem_shared>>)
      %mul3A_98 = arith.constant 8 : i32
      %mul3A_99 = arith.muli %scan3A_9, %mul3A_98 : i32
      %add3A_100 = arith.constant 1 : i32
      %add3A_101 = arith.addi %mul3A_99, %add3A_100 : i32
      %dma_wait3A_102 = arith.constant 0 : i32
      %dma_wait3A_103 = tpu.memref_slice %arg7[%add3A_101, %dma_wait3A_102] : memref<80x128xi32, #tpu.memory_space<vmem>> -> memref<1x128xi32, #tpu.memory_space<vmem>>
      %dma_wait3A_104 = tpu.memref_squeeze %dma_wait3A_103 : memref<1x128xi32, #tpu.memory_space<vmem>> -> memref<128xi32, #tpu.memory_space<vmem>>
      %dma_wait3A_105 = arith.constant 0 : i32
      %dma_wait3A_106 = arith.constant 0 : i32
      %dma_wait3A_107 = tpu.memref_slice %arg6[%dma_wait3A_105, %dma_wait3A_106] : memref<10112x128xf32, #tpu.memory_space<vmem_shared>> -> memref<10112x128xf32, #tpu.memory_space<vmem_shared>>
      tpu.wait_indirect_dma semaphore(%arg9 : memref<!tpu.dma_semaphore, #tpu.memory_space<semaphore_mem>>) src(%arg8 : memref<128x128xf32, #tpu.memory_space<vmem>>) dst(%dma_wait3A_107 : memref<10112x128xf32, #tpu.memory_space<vmem_shared>>)
      %mul3A_108 = arith.constant 8 : i32
      %mul3A_109 = arith.muli %scan3A_9, %mul3A_108 : i32
      %add3A_110 = arith.constant 2 : i32
      %add3A_111 = arith.addi %mul3A_109, %add3A_110 : i32
      %dma_wait3A_112 = arith.constant 0 : i32
      %dma_wait3A_113 = tpu.memref_slice %arg7[%add3A_111, %dma_wait3A_112] : memref<80x128xi32, #tpu.memory_space<vmem>> -> memref<1x128xi32, #tpu.memory_space<vmem>>
      %dma_wait3A_114 = tpu.memref_squeeze %dma_wait3A_113 : memref<1x128xi32, #tpu.memory_space<vmem>> -> memref<128xi32, #tpu.memory_space<vmem>>
      %dma_wait3A_115 = arith.constant 0 : i32
      %dma_wait3A_116 = arith.constant 0 : i32
      %dma_wait3A_117 = tpu.memref_slice %arg6[%dma_wait3A_115, %dma_wait3A_116] : memref<10112x128xf32, #tpu.memory_space<vmem_shared>> -> memref<10112x128xf32, #tpu.memory_space<vmem_shared>>
      tpu.wait_indirect_dma semaphore(%arg9 : memref<!tpu.dma_semaphore, #tpu.memory_space<semaphore_mem>>) src(%arg8 : memref<128x128xf32, #tpu.memory_space<vmem>>) dst(%dma_wait3A_117 : memref<10112x128xf32, #tpu.memory_space<vmem_shared>>)
      %mul3A_118 = arith.constant 8 : i32
      %mul3A_119 = arith.muli %scan3A_9, %mul3A_118 : i32
      %add3A_120 = arith.constant 3 : i32
      %add3A_121 = arith.addi %mul3A_119, %add3A_120 : i32
      %dma_wait3A_122 = arith.constant 0 : i32
      %dma_wait3A_123 = tpu.memref_slice %arg7[%add3A_121, %dma_wait3A_122] : memref<80x128xi32, #tpu.memory_space<vmem>> -> memref<1x128xi32, #tpu.memory_space<vmem>>
      %dma_wait3A_124 = tpu.memref_squeeze %dma_wait3A_123 : memref<1x128xi32, #tpu.memory_space<vmem>> -> memref<128xi32, #tpu.memory_space<vmem>>
      %dma_wait3A_125 = arith.constant 0 : i32
      %dma_wait3A_126 = arith.constant 0 : i32
      %dma_wait3A_127 = tpu.memref_slice %arg6[%dma_wait3A_125, %dma_wait3A_126] : memref<10112x128xf32, #tpu.memory_space<vmem_shared>> -> memref<10112x128xf32, #tpu.memory_space<vmem_shared>>
      tpu.wait_indirect_dma semaphore(%arg9 : memref<!tpu.dma_semaphore, #tpu.memory_space<semaphore_mem>>) src(%arg8 : memref<128x128xf32, #tpu.memory_space<vmem>>) dst(%dma_wait3A_127 : memref<10112x128xf32, #tpu.memory_space<vmem_shared>>)
      %mul3A_128 = arith.constant 8 : i32
      %mul3A_129 = arith.muli %scan3A_9, %mul3A_128 : i32
      %add3A_130 = arith.constant 4 : i32
      %add3A_131 = arith.addi %mul3A_129, %add3A_130 : i32
      %dma_wait3A_132 = arith.constant 0 : i32
      %dma_wait3A_133 = tpu.memref_slice %arg7[%add3A_131, %dma_wait3A_132] : memref<80x128xi32, #tpu.memory_space<vmem>> -> memref<1x128xi32, #tpu.memory_space<vmem>>
      %dma_wait3A_134 = tpu.memref_squeeze %dma_wait3A_133 : memref<1x128xi32, #tpu.memory_space<vmem>> -> memref<128xi32, #tpu.memory_space<vmem>>
      %dma_wait3A_135 = arith.constant 0 : i32
      %dma_wait3A_136 = arith.constant 0 : i32
      %dma_wait3A_137 = tpu.memref_slice %arg6[%dma_wait3A_135, %dma_wait3A_136] : memref<10112x128xf32, #tpu.memory_space<vmem_shared>> -> memref<10112x128xf32, #tpu.memory_space<vmem_shared>>
      tpu.wait_indirect_dma semaphore(%arg9 : memref<!tpu.dma_semaphore, #tpu.memory_space<semaphore_mem>>) src(%arg8 : memref<128x128xf32, #tpu.memory_space<vmem>>) dst(%dma_wait3A_137 : memref<10112x128xf32, #tpu.memory_space<vmem_shared>>)
      %mul3A_138 = arith.constant 8 : i32
      %mul3A_139 = arith.muli %scan3A_9, %mul3A_138 : i32
      %add3A_140 = arith.constant 5 : i32
      %add3A_141 = arith.addi %mul3A_139, %add3A_140 : i32
      %dma_wait3A_142 = arith.constant 0 : i32
      %dma_wait3A_143 = tpu.memref_slice %arg7[%add3A_141, %dma_wait3A_142] : memref<80x128xi32, #tpu.memory_space<vmem>> -> memref<1x128xi32, #tpu.memory_space<vmem>>
      %dma_wait3A_144 = tpu.memref_squeeze %dma_wait3A_143 : memref<1x128xi32, #tpu.memory_space<vmem>> -> memref<128xi32, #tpu.memory_space<vmem>>
      %dma_wait3A_145 = arith.constant 0 : i32
      %dma_wait3A_146 = arith.constant 0 : i32
      %dma_wait3A_147 = tpu.memref_slice %arg6[%dma_wait3A_145, %dma_wait3A_146] : memref<10112x128xf32, #tpu.memory_space<vmem_shared>> -> memref<10112x128xf32, #tpu.memory_space<vmem_shared>>
      tpu.wait_indirect_dma semaphore(%arg9 : memref<!tpu.dma_semaphore, #tpu.memory_space<semaphore_mem>>) src(%arg8 : memref<128x128xf32, #tpu.memory_space<vmem>>) dst(%dma_wait3A_147 : memref<10112x128xf32, #tpu.memory_space<vmem_shared>>)
      %mul3A_148 = arith.constant 8 : i32
      %mul3A_149 = arith.muli %scan3A_9, %mul3A_148 : i32
      %add3A_150 = arith.constant 6 : i32
      %add3A_151 = arith.addi %mul3A_149, %add3A_150 : i32
      %dma_wait3A_152 = arith.constant 0 : i32
      %dma_wait3A_153 = tpu.memref_slice %arg7[%add3A_151, %dma_wait3A_152] : memref<80x128xi32, #tpu.memory_space<vmem>> -> memref<1x128xi32, #tpu.memory_space<vmem>>
      %dma_wait3A_154 = tpu.memref_squeeze %dma_wait3A_153 : memref<1x128xi32, #tpu.memory_space<vmem>> -> memref<128xi32, #tpu.memory_space<vmem>>
      %dma_wait3A_155 = arith.constant 0 : i32
      %dma_wait3A_156 = arith.constant 0 : i32
      %dma_wait3A_157 = tpu.memref_slice %arg6[%dma_wait3A_155, %dma_wait3A_156] : memref<10112x128xf32, #tpu.memory_space<vmem_shared>> -> memref<10112x128xf32, #tpu.memory_space<vmem_shared>>
      tpu.wait_indirect_dma semaphore(%arg9 : memref<!tpu.dma_semaphore, #tpu.memory_space<semaphore_mem>>) src(%arg8 : memref<128x128xf32, #tpu.memory_space<vmem>>) dst(%dma_wait3A_157 : memref<10112x128xf32, #tpu.memory_space<vmem_shared>>)
      %mul3A_158 = arith.constant 8 : i32
      %mul3A_159 = arith.muli %scan3A_9, %mul3A_158 : i32
      %add3A_160 = arith.constant 7 : i32
      %add3A_161 = arith.addi %mul3A_159, %add3A_160 : i32
      %dma_wait3A_162 = arith.constant 0 : i32
      %dma_wait3A_163 = tpu.memref_slice %arg7[%add3A_161, %dma_wait3A_162] : memref<80x128xi32, #tpu.memory_space<vmem>> -> memref<1x128xi32, #tpu.memory_space<vmem>>
      %dma_wait3A_164 = tpu.memref_squeeze %dma_wait3A_163 : memref<1x128xi32, #tpu.memory_space<vmem>> -> memref<128xi32, #tpu.memory_space<vmem>>
      %dma_wait3A_165 = arith.constant 0 : i32
      %dma_wait3A_166 = arith.constant 0 : i32
      %dma_wait3A_167 = tpu.memref_slice %arg6[%dma_wait3A_165, %dma_wait3A_166] : memref<10112x128xf32, #tpu.memory_space<vmem_shared>> -> memref<10112x128xf32, #tpu.memory_space<vmem_shared>>
      tpu.wait_indirect_dma semaphore(%arg9 : memref<!tpu.dma_semaphore, #tpu.memory_space<semaphore_mem>>) src(%arg8 : memref<128x128xf32, #tpu.memory_space<vmem>>) dst(%dma_wait3A_167 : memref<10112x128xf32, #tpu.memory_space<vmem_shared>>)
    }
    %scan3A_7 = arith.constant 10 : i32
    %barrier3A_8 = arith.constant 0 : index
    tpu.barrier barrier_id(%barrier3A_8)
    "tpu.region"() ({
      %run_scoped3A = tpu.sem_alloc : memref<!tpu.dma_semaphore, #tpu.memory_space<semaphore_mem>>
      %dma_start3A = arith.constant 0 : i32
      %dma_start3A_9 = arith.constant 0 : i32
      %dma_start3A_10 = tpu.memref_slice %arg5[%arg0, %dma_start3A, %dma_start3A_9] : memref<2x10112x128xf32, #tpu.memory_space<hbm>> -> memref<1x10112x128xf32, #tpu.memory_space<hbm>>
      %dma_start3A_11 = tpu.memref_squeeze %dma_start3A_10 : memref<1x10112x128xf32, #tpu.memory_space<hbm>> -> memref<10112x128xf32, #tpu.memory_space<hbm>>
      %dma_start3A_12 = arith.constant 0 : i32
      %dma_start3A_13 = tpu.memref_slice %dma_start3A_11[%mul3A_2, %dma_start3A_12] : memref<10112x128xf32, #tpu.memory_space<hbm>> -> memref<632x128xf32, #tpu.memory_space<hbm>>
      %dma_start3A_14 = arith.constant 0 : i32
      %dma_start3A_15 = tpu.memref_slice %arg6[%mul3A_2, %dma_start3A_14] : memref<10112x128xf32, #tpu.memory_space<vmem_shared>> -> memref<632x128xf32, #tpu.memory_space<vmem_shared>>
      tpu.enqueue_dma source(%dma_start3A_15 : memref<632x128xf32, #tpu.memory_space<vmem_shared>>) target(%dma_start3A_13 : memref<632x128xf32, #tpu.memory_space<hbm>>) target_semaphore(%run_scoped3A : memref<!tpu.dma_semaphore, #tpu.memory_space<semaphore_mem>>)
      %dma_wait3A = arith.constant 0 : i32
      %dma_wait3A_16 = arith.constant 0 : i32
      %dma_wait3A_17 = tpu.memref_slice %arg5[%arg0, %dma_wait3A, %dma_wait3A_16] : memref<2x10112x128xf32, #tpu.memory_space<hbm>> -> memref<1x10112x128xf32, #tpu.memory_space<hbm>>
      %dma_wait3A_18 = tpu.memref_squeeze %dma_wait3A_17 : memref<1x10112x128xf32, #tpu.memory_space<hbm>> -> memref<10112x128xf32, #tpu.memory_space<hbm>>
      %dma_wait3A_19 = arith.constant 0 : i32
      %dma_wait3A_20 = tpu.memref_slice %dma_wait3A_18[%mul3A_2, %dma_wait3A_19] : memref<10112x128xf32, #tpu.memory_space<hbm>> -> memref<632x128xf32, #tpu.memory_space<hbm>>
      %dma_wait3A_21 = arith.constant 0 : i32
      %dma_wait3A_22 = tpu.memref_slice %arg6[%mul3A_2, %dma_wait3A_21] : memref<10112x128xf32, #tpu.memory_space<vmem_shared>> -> memref<632x128xf32, #tpu.memory_space<vmem_shared>>
      tpu.wait_dma2 semaphore(%run_scoped3A : memref<!tpu.dma_semaphore, #tpu.memory_space<semaphore_mem>>) src(%dma_wait3A_22 : memref<632x128xf32, #tpu.memory_space<vmem_shared>>) dst(%dma_wait3A_20 : memref<632x128xf32, #tpu.memory_space<hbm>>)
      tpu.yield
    }) : () -> ()
    return
  }
}

#map = affine_map<(d0, d1) -> (0, 0)>
#map1 = affine_map<(d0, d1) -> (0, 0, 0)>
module attributes {stable_mosaic.version = 14 : i64} {
  func.func @_agg_kernel(%arg0: i32, %arg1: i32, %arg2: memref<10000x128xf32, #tpu.memory_space<hbm>>, %arg3: memref<32x40x128xi32, #tpu.memory_space<hbm>>, %arg4: memref<32x40x128xi32, #tpu.memory_space<hbm>>, %arg5: memref<10112x128xf32, #tpu.memory_space<hbm>>, %arg6: memref<2x10112x128xf32, #tpu.memory_space<hbm>>, %arg7: memref<10112x128xf32, #tpu.memory_space<vmem_shared>>, %arg8: memref<40x128xi32, #tpu.memory_space<vmem>>, %arg9: memref<40x128xi32, #tpu.memory_space<vmem>>, %arg10: memref<2x128xi32, #tpu.memory_space<vmem>>, %arg11: memref<2x128xi32, #tpu.memory_space<vmem>>, %arg12: memref<128x128xf32, #tpu.memory_space<vmem>>, %arg13: memref<128x128xf32, #tpu.memory_space<vmem>>, %arg14: memref<!tpu.dma_semaphore, #tpu.memory_space<semaphore_mem>>, %arg15: memref<!tpu.dma_semaphore, #tpu.memory_space<semaphore_mem>>) attributes {dimension_semantics = [#tpu.dimension_semantics<core_parallel>, #tpu.dimension_semantics<subcore_parallel>], iteration_bounds = array<i64: 2, 16>, scalar_prefetch = 0 : i64, scratch_operands = 9 : i64, tpu.core_type = #tpu.core_type<sc_vector_subcore>, window_params = [{transform_indices = #map}, {transform_indices = #map1}, {transform_indices = #map1}, {transform_indices = #map}, {transform_indices = #map1}]} {
    %mul3A = arith.constant 2 : i32
    %mul3A_0 = arith.muli %arg1, %mul3A : i32
    %add3A = arith.addi %mul3A_0, %arg0 : i32
    %mul3A_1 = arith.constant 632 : i32
    %mul3A_2 = arith.muli %arg1, %mul3A_1 : i32
    "tpu.region"() ({
      %run_scoped3A = tpu.sem_alloc : memref<!tpu.dma_semaphore, #tpu.memory_space<semaphore_mem>>
      %dma_start3A_195 = arith.constant 0 : i32
      %dma_start3A_196 = tpu.memref_slice %arg7[%mul3A_2, %dma_start3A_195] : memref<10112x128xf32, #tpu.memory_space<vmem_shared>> -> memref<632x128xf32, #tpu.memory_space<vmem_shared>>
      %dma_start3A_197 = arith.constant 0 : i32
      %dma_start3A_198 = tpu.memref_slice %arg5[%mul3A_2, %dma_start3A_197] : memref<10112x128xf32, #tpu.memory_space<hbm>> -> memref<632x128xf32, #tpu.memory_space<hbm>>
      tpu.enqueue_dma source(%dma_start3A_198 : memref<632x128xf32, #tpu.memory_space<hbm>>) target(%dma_start3A_196 : memref<632x128xf32, #tpu.memory_space<vmem_shared>>) target_semaphore(%run_scoped3A : memref<!tpu.dma_semaphore, #tpu.memory_space<semaphore_mem>>)
      %dma_wait3A = arith.constant 0 : i32
      %dma_wait3A_199 = tpu.memref_slice %arg7[%mul3A_2, %dma_wait3A] : memref<10112x128xf32, #tpu.memory_space<vmem_shared>> -> memref<632x128xf32, #tpu.memory_space<vmem_shared>>
      %dma_wait3A_200 = arith.constant 0 : i32
      %dma_wait3A_201 = tpu.memref_slice %arg5[%mul3A_2, %dma_wait3A_200] : memref<10112x128xf32, #tpu.memory_space<hbm>> -> memref<632x128xf32, #tpu.memory_space<hbm>>
      tpu.wait_dma2 semaphore(%run_scoped3A : memref<!tpu.dma_semaphore, #tpu.memory_space<semaphore_mem>>) src(%dma_wait3A_201 : memref<632x128xf32, #tpu.memory_space<hbm>>) dst(%dma_wait3A_199 : memref<632x128xf32, #tpu.memory_space<vmem_shared>>)
      tpu.yield
    }) : () -> ()
    "tpu.region"() ({
      %run_scoped3A = tpu.sem_alloc : memref<!tpu.dma_semaphore, #tpu.memory_space<semaphore_mem>>
      %dma_start3A_195 = arith.constant 0 : i32
      %dma_start3A_196 = arith.constant 0 : i32
      %dma_start3A_197 = tpu.memref_slice %arg3[%add3A, %dma_start3A_195, %dma_start3A_196] : memref<32x40x128xi32, #tpu.memory_space<hbm>> -> memref<1x40x128xi32, #tpu.memory_space<hbm>>
      %dma_start3A_198 = tpu.memref_squeeze %dma_start3A_197 : memref<1x40x128xi32, #tpu.memory_space<hbm>> -> memref<40x128xi32, #tpu.memory_space<hbm>>
      %dma_start3A_199 = arith.constant 0 : i32
      %dma_start3A_200 = arith.constant 0 : i32
      %dma_start3A_201 = tpu.memref_slice %arg3[%add3A, %dma_start3A_199, %dma_start3A_200] : memref<32x40x128xi32, #tpu.memory_space<hbm>> -> memref<1x40x128xi32, #tpu.memory_space<hbm>>
      %dma_start3A_202 = tpu.memref_squeeze %dma_start3A_201 : memref<1x40x128xi32, #tpu.memory_space<hbm>> -> memref<40x128xi32, #tpu.memory_space<hbm>>
      tpu.enqueue_dma source(%dma_start3A_202 : memref<40x128xi32, #tpu.memory_space<hbm>>) target(%arg8 : memref<40x128xi32, #tpu.memory_space<vmem>>) target_semaphore(%run_scoped3A : memref<!tpu.dma_semaphore, #tpu.memory_space<semaphore_mem>>)
      %dma_wait3A = arith.constant 0 : i32
      %dma_wait3A_203 = arith.constant 0 : i32
      %dma_wait3A_204 = tpu.memref_slice %arg3[%add3A, %dma_wait3A, %dma_wait3A_203] : memref<32x40x128xi32, #tpu.memory_space<hbm>> -> memref<1x40x128xi32, #tpu.memory_space<hbm>>
      %dma_wait3A_205 = tpu.memref_squeeze %dma_wait3A_204 : memref<1x40x128xi32, #tpu.memory_space<hbm>> -> memref<40x128xi32, #tpu.memory_space<hbm>>
      %dma_wait3A_206 = arith.constant 0 : i32
      %dma_wait3A_207 = arith.constant 0 : i32
      %dma_wait3A_208 = tpu.memref_slice %arg3[%add3A, %dma_wait3A_206, %dma_wait3A_207] : memref<32x40x128xi32, #tpu.memory_space<hbm>> -> memref<1x40x128xi32, #tpu.memory_space<hbm>>
      %dma_wait3A_209 = tpu.memref_squeeze %dma_wait3A_208 : memref<1x40x128xi32, #tpu.memory_space<hbm>> -> memref<40x128xi32, #tpu.memory_space<hbm>>
      tpu.wait_dma2 semaphore(%run_scoped3A : memref<!tpu.dma_semaphore, #tpu.memory_space<semaphore_mem>>) src(%dma_wait3A_209 : memref<40x128xi32, #tpu.memory_space<hbm>>) dst(%arg8 : memref<40x128xi32, #tpu.memory_space<vmem>>)
      tpu.yield
    }) : () -> ()
    "tpu.region"() ({
      %run_scoped3A = tpu.sem_alloc : memref<!tpu.dma_semaphore, #tpu.memory_space<semaphore_mem>>
      %dma_start3A_195 = arith.constant 0 : i32
      %dma_start3A_196 = arith.constant 0 : i32
      %dma_start3A_197 = tpu.memref_slice %arg4[%add3A, %dma_start3A_195, %dma_start3A_196] : memref<32x40x128xi32, #tpu.memory_space<hbm>> -> memref<1x40x128xi32, #tpu.memory_space<hbm>>
      %dma_start3A_198 = tpu.memref_squeeze %dma_start3A_197 : memref<1x40x128xi32, #tpu.memory_space<hbm>> -> memref<40x128xi32, #tpu.memory_space<hbm>>
      %dma_start3A_199 = arith.constant 0 : i32
      %dma_start3A_200 = arith.constant 0 : i32
      %dma_start3A_201 = tpu.memref_slice %arg4[%add3A, %dma_start3A_199, %dma_start3A_200] : memref<32x40x128xi32, #tpu.memory_space<hbm>> -> memref<1x40x128xi32, #tpu.memory_space<hbm>>
      %dma_start3A_202 = tpu.memref_squeeze %dma_start3A_201 : memref<1x40x128xi32, #tpu.memory_space<hbm>> -> memref<40x128xi32, #tpu.memory_space<hbm>>
      tpu.enqueue_dma source(%dma_start3A_202 : memref<40x128xi32, #tpu.memory_space<hbm>>) target(%arg9 : memref<40x128xi32, #tpu.memory_space<vmem>>) target_semaphore(%run_scoped3A : memref<!tpu.dma_semaphore, #tpu.memory_space<semaphore_mem>>)
      %dma_wait3A = arith.constant 0 : i32
      %dma_wait3A_203 = arith.constant 0 : i32
      %dma_wait3A_204 = tpu.memref_slice %arg4[%add3A, %dma_wait3A, %dma_wait3A_203] : memref<32x40x128xi32, #tpu.memory_space<hbm>> -> memref<1x40x128xi32, #tpu.memory_space<hbm>>
      %dma_wait3A_205 = tpu.memref_squeeze %dma_wait3A_204 : memref<1x40x128xi32, #tpu.memory_space<hbm>> -> memref<40x128xi32, #tpu.memory_space<hbm>>
      %dma_wait3A_206 = arith.constant 0 : i32
      %dma_wait3A_207 = arith.constant 0 : i32
      %dma_wait3A_208 = tpu.memref_slice %arg4[%add3A, %dma_wait3A_206, %dma_wait3A_207] : memref<32x40x128xi32, #tpu.memory_space<hbm>> -> memref<1x40x128xi32, #tpu.memory_space<hbm>>
      %dma_wait3A_209 = tpu.memref_squeeze %dma_wait3A_208 : memref<1x40x128xi32, #tpu.memory_space<hbm>> -> memref<40x128xi32, #tpu.memory_space<hbm>>
      tpu.wait_dma2 semaphore(%run_scoped3A : memref<!tpu.dma_semaphore, #tpu.memory_space<semaphore_mem>>) src(%dma_wait3A_209 : memref<40x128xi32, #tpu.memory_space<hbm>>) dst(%arg9 : memref<40x128xi32, #tpu.memory_space<vmem>>)
      tpu.yield
    }) : () -> ()
    %barrier3A = arith.constant 0 : index
    tpu.barrier barrier_id(%barrier3A)
    %get3A = arith.constant 0 : i32
    %get3A_3 = arith.index_cast %get3A : i32 to index
    %get3A_4 = arith.constant 0 : index
    %get3A_5 = tpu.vector_load %arg8[%get3A_3, %get3A_4] {strides = array<i32>} : memref<40x128xi32, #tpu.memory_space<vmem>>, vector<1x16xi32>,
    %get3A_6 = vector.shape_cast %get3A_5 : vector<1x16xi32> to vector<16xi32>
    %get3A_7 = arith.constant 0 : i32
    %get3A_8 = arith.index_cast %get3A_7 : i32 to index
    %get3A_9 = arith.constant 0 : index
    %get3A_10 = tpu.vector_load %arg9[%get3A_8, %get3A_9] {strides = array<i32>} : memref<40x128xi32, #tpu.memory_space<vmem>>, vector<1x16xi32>,
    %get3A_11 = vector.shape_cast %get3A_10 : vector<1x16xi32> to vector<16xi32>
    %and3A = arith.constant 65535 : i32
    %and3A_12 = vector.broadcast %and3A : i32 to vector<16xi32>
    %and3A_13 = arith.andi %get3A_6, %and3A_12 : vector<16xi32>
    %swap3A = arith.constant 0 : i32
    %swap3A_14 = arith.index_cast %swap3A : i32 to index
    %swap3A_15 = arith.constant 0 : index
    %swap3A_16 = tpu.vector_load %arg10[%swap3A_14, %swap3A_15] {strides = array<i32>} : memref<2x128xi32, #tpu.memory_space<vmem>>, vector<1x16xi32>,
    %swap3A_17 = vector.shape_cast %swap3A_16 : vector<1x16xi32> to vector<16xi32>
    %swap3A_18 = vector.shape_cast %and3A_13 : vector<16xi32> to vector<1x16xi32>
    tpu.vector_store %arg10[%swap3A_14, %swap3A_15], %swap3A_18 {strides = array<i32>} : memref<2x128xi32, #tpu.memory_space<vmem>>, vector<1x16xi32>,
    %shift_right_logical3A = arith.constant 16 : i32
    %shift_right_logical3A_19 = vector.broadcast %shift_right_logical3A : i32 to vector<16xi32>
    %shift_right_logical3A_20 = arith.shrui %get3A_6, %shift_right_logical3A_19 : vector<16xi32>
    %swap3A_21 = arith.constant 0 : i32
    %swap3A_22 = arith.index_cast %swap3A_21 : i32 to index
    %swap3A_23 = arith.constant 16 : index
    %swap3A_24 = tpu.vector_load %arg10[%swap3A_22, %swap3A_23] {strides = array<i32>} : memref<2x128xi32, #tpu.memory_space<vmem>>, vector<1x16xi32>,
    %swap3A_25 = vector.shape_cast %swap3A_24 : vector<1x16xi32> to vector<16xi32>
    %swap3A_26 = vector.shape_cast %shift_right_logical3A_20 : vector<16xi32> to vector<1x16xi32>
    tpu.vector_store %arg10[%swap3A_22, %swap3A_23], %swap3A_26 {strides = array<i32>} : memref<2x128xi32, #tpu.memory_space<vmem>>, vector<1x16xi32>,
    %and3A_27 = arith.constant 65535 : i32
    %and3A_28 = vector.broadcast %and3A_27 : i32 to vector<16xi32>
    %and3A_29 = arith.andi %get3A_11, %and3A_28 : vector<16xi32>
    %swap3A_30 = arith.constant 0 : i32
    %swap3A_31 = arith.index_cast %swap3A_30 : i32 to index
    %swap3A_32 = arith.constant 0 : index
    %swap3A_33 = tpu.vector_load %arg11[%swap3A_31, %swap3A_32] {strides = array<i32>} : memref<2x128xi32, #tpu.memory_space<vmem>>, vector<1x16xi32>,
    %swap3A_34 = vector.shape_cast %swap3A_33 : vector<1x16xi32> to vector<16xi32>
    %swap3A_35 = vector.shape_cast %and3A_29 : vector<16xi32> to vector<1x16xi32>
    tpu.vector_store %arg11[%swap3A_31, %swap3A_32], %swap3A_35 {strides = array<i32>} : memref<2x128xi32, #tpu.memory_space<vmem>>, vector<1x16xi32>,
    %shift_right_logical3A_36 = arith.constant 16 : i32
    %shift_right_logical3A_37 = vector.broadcast %shift_right_logical3A_36 : i32 to vector<16xi32>
    %shift_right_logical3A_38 = arith.shrui %get3A_11, %shift_right_logical3A_37 : vector<16xi32>
    %swap3A_39 = arith.constant 0 : i32
    %swap3A_40 = arith.index_cast %swap3A_39 : i32 to index
    %swap3A_41 = arith.constant 16 : index
    %swap3A_42 = tpu.vector_load %arg11[%swap3A_40, %swap3A_41] {strides = array<i32>} : memref<2x128xi32, #tpu.memory_space<vmem>>, vector<1x16xi32>,
    %swap3A_43 = vector.shape_cast %swap3A_42 : vector<1x16xi32> to vector<16xi32>
    %swap3A_44 = vector.shape_cast %shift_right_logical3A_38 : vector<16xi32> to vector<1x16xi32>
    tpu.vector_store %arg11[%swap3A_40, %swap3A_41], %swap3A_44 {strides = array<i32>} : memref<2x128xi32, #tpu.memory_space<vmem>>, vector<1x16xi32>,
    %get3A_45 = arith.constant 0 : i32
    %get3A_46 = arith.index_cast %get3A_45 : i32 to index
    %get3A_47 = arith.constant 16 : index
    %get3A_48 = tpu.vector_load %arg8[%get3A_46, %get3A_47] {strides = array<i32>} : memref<40x128xi32, #tpu.memory_space<vmem>>, vector<1x16xi32>,
    %get3A_49 = vector.shape_cast %get3A_48 : vector<1x16xi32> to vector<16xi32>
    %get3A_50 = arith.constant 0 : i32
    %get3A_51 = arith.index_cast %get3A_50 : i32 to index
    %get3A_52 = arith.constant 16 : index
    %get3A_53 = tpu.vector_load %arg9[%get3A_51, %get3A_52] {strides = array<i32>} : memref<40x128xi32, #tpu.memory_space<vmem>>, vector<1x16xi32>,
    %get3A_54 = vector.shape_cast %get3A_53 : vector<1x16xi32> to vector<16xi32>
    %and3A_55 = arith.constant 65535 : i32
    %and3A_56 = vector.broadcast %and3A_55 : i32 to vector<16xi32>
    %and3A_57 = arith.andi %get3A_49, %and3A_56 : vector<16xi32>
    %swap3A_58 = arith.constant 0 : i32
    %swap3A_59 = arith.index_cast %swap3A_58 : i32 to index
    %swap3A_60 = arith.constant 32 : index
    %swap3A_61 = tpu.vector_load %arg10[%swap3A_59, %swap3A_60] {strides = array<i32>} : memref<2x128xi32, #tpu.memory_space<vmem>>, vector<1x16xi32>,
    %swap3A_62 = vector.shape_cast %swap3A_61 : vector<1x16xi32> to vector<16xi32>
    %swap3A_63 = vector.shape_cast %and3A_57 : vector<16xi32> to vector<1x16xi32>
    tpu.vector_store %arg10[%swap3A_59, %swap3A_60], %swap3A_63 {strides = array<i32>} : memref<2x128xi32, #tpu.memory_space<vmem>>, vector<1x16xi32>,
    %shift_right_logical3A_64 = arith.constant 16 : i32
    %shift_right_logical3A_65 = vector.broadcast %shift_right_logical3A_64 : i32 to vector<16xi32>
    %shift_right_logical3A_66 = arith.shrui %get3A_49, %shift_right_logical3A_65 : vector<16xi32>
    %swap3A_67 = arith.constant 0 : i32
    %swap3A_68 = arith.index_cast %swap3A_67 : i32 to index
    %swap3A_69 = arith.constant 48 : index
    %swap3A_70 = tpu.vector_load %arg10[%swap3A_68, %swap3A_69] {strides = array<i32>} : memref<2x128xi32, #tpu.memory_space<vmem>>, vector<1x16xi32>,
    %swap3A_71 = vector.shape_cast %swap3A_70 : vector<1x16xi32> to vector<16xi32>
    %swap3A_72 = vector.shape_cast %shift_right_logical3A_66 : vector<16xi32> to vector<1x16xi32>
    tpu.vector_store %arg10[%swap3A_68, %swap3A_69], %swap3A_72 {strides = array<i32>} : memref<2x128xi32, #tpu.memory_space<vmem>>, vector<1x16xi32>,
    %and3A_73 = arith.constant 65535 : i32
    %and3A_74 = vector.broadcast %and3A_73 : i32 to vector<16xi32>
    %and3A_75 = arith.andi %get3A_54, %and3A_74 : vector<16xi32>
    %swap3A_76 = arith.constant 0 : i32
    %swap3A_77 = arith.index_cast %swap3A_76 : i32 to index
    %swap3A_78 = arith.constant 32 : index
    %swap3A_79 = tpu.vector_load %arg11[%swap3A_77, %swap3A_78] {strides = array<i32>} : memref<2x128xi32, #tpu.memory_space<vmem>>, vector<1x16xi32>,
    %swap3A_80 = vector.shape_cast %swap3A_79 : vector<1x16xi32> to vector<16xi32>
    %swap3A_81 = vector.shape_cast %and3A_75 : vector<16xi32> to vector<1x16xi32>
    tpu.vector_store %arg11[%swap3A_77, %swap3A_78], %swap3A_81 {strides = array<i32>} : memref<2x128xi32, #tpu.memory_space<vmem>>, vector<1x16xi32>,
    %shift_right_logical3A_82 = arith.constant 16 : i32
    %shift_right_logical3A_83 = vector.broadcast %shift_right_logical3A_82 : i32 to vector<16xi32>
    %shift_right_logical3A_84 = arith.shrui %get3A_54, %shift_right_logical3A_83 : vector<16xi32>
    %swap3A_85 = arith.constant 0 : i32
    %swap3A_86 = arith.index_cast %swap3A_85 : i32 to index
    %swap3A_87 = arith.constant 48 : index
    %swap3A_88 = tpu.vector_load %arg11[%swap3A_86, %swap3A_87] {strides = array<i32>} : memref<2x128xi32, #tpu.memory_space<vmem>>, vector<1x16xi32>,
    %swap3A_89 = vector.shape_cast %swap3A_88 : vector<1x16xi32> to vector<16xi32>
    %swap3A_90 = vector.shape_cast %shift_right_logical3A_84 : vector<16xi32> to vector<1x16xi32>
    tpu.vector_store %arg11[%swap3A_86, %swap3A_87], %swap3A_90 {strides = array<i32>} : memref<2x128xi32, #tpu.memory_space<vmem>>, vector<1x16xi32>,
    %get3A_91 = arith.constant 0 : i32
    %get3A_92 = arith.index_cast %get3A_91 : i32 to index
    %get3A_93 = arith.constant 32 : index
    %get3A_94 = tpu.vector_load %arg8[%get3A_92, %get3A_93] {strides = array<i32>} : memref<40x128xi32, #tpu.memory_space<vmem>>, vector<1x16xi32>,
    %get3A_95 = vector.shape_cast %get3A_94 : vector<1x16xi32> to vector<16xi32>
    %get3A_96 = arith.constant 0 : i32
    %get3A_97 = arith.index_cast %get3A_96 : i32 to index
    %get3A_98 = arith.constant 32 : index
    %get3A_99 = tpu.vector_load %arg9[%get3A_97, %get3A_98] {strides = array<i32>} : memref<40x128xi32, #tpu.memory_space<vmem>>, vector<1x16xi32>,
    %get3A_100 = vector.shape_cast %get3A_99 : vector<1x16xi32> to vector<16xi32>
    %and3A_101 = arith.constant 65535 : i32
    %and3A_102 = vector.broadcast %and3A_101 : i32 to vector<16xi32>
    %and3A_103 = arith.andi %get3A_95, %and3A_102 : vector<16xi32>
    %swap3A_104 = arith.constant 0 : i32
    %swap3A_105 = arith.index_cast %swap3A_104 : i32 to index
    %swap3A_106 = arith.constant 64 : index
    %swap3A_107 = tpu.vector_load %arg10[%swap3A_105, %swap3A_106] {strides = array<i32>} : memref<2x128xi32, #tpu.memory_space<vmem>>, vector<1x16xi32>,
    %swap3A_108 = vector.shape_cast %swap3A_107 : vector<1x16xi32> to vector<16xi32>
    %swap3A_109 = vector.shape_cast %and3A_103 : vector<16xi32> to vector<1x16xi32>
    tpu.vector_store %arg10[%swap3A_105, %swap3A_106], %swap3A_109 {strides = array<i32>} : memref<2x128xi32, #tpu.memory_space<vmem>>, vector<1x16xi32>,
    %shift_right_logical3A_110 = arith.constant 16 : i32
    %shift_right_logical3A_111 = vector.broadcast %shift_right_logical3A_110 : i32 to vector<16xi32>
    %shift_right_logical3A_112 = arith.shrui %get3A_95, %shift_right_logical3A_111 : vector<16xi32>
    %swap3A_113 = arith.constant 0 : i32
    %swap3A_114 = arith.index_cast %swap3A_113 : i32 to index
    %swap3A_115 = arith.constant 80 : index
    %swap3A_116 = tpu.vector_load %arg10[%swap3A_114, %swap3A_115] {strides = array<i32>} : memref<2x128xi32, #tpu.memory_space<vmem>>, vector<1x16xi32>,
    %swap3A_117 = vector.shape_cast %swap3A_116 : vector<1x16xi32> to vector<16xi32>
    %swap3A_118 = vector.shape_cast %shift_right_logical3A_112 : vector<16xi32> to vector<1x16xi32>
    tpu.vector_store %arg10[%swap3A_114, %swap3A_115], %swap3A_118 {strides = array<i32>} : memref<2x128xi32, #tpu.memory_space<vmem>>, vector<1x16xi32>,
    %and3A_119 = arith.constant 65535 : i32
    %and3A_120 = vector.broadcast %and3A_119 : i32 to vector<16xi32>
    %and3A_121 = arith.andi %get3A_100, %and3A_120 : vector<16xi32>
    %swap3A_122 = arith.constant 0 : i32
    %swap3A_123 = arith.index_cast %swap3A_122 : i32 to index
    %swap3A_124 = arith.constant 64 : index
    %swap3A_125 = tpu.vector_load %arg11[%swap3A_123, %swap3A_124] {strides = array<i32>} : memref<2x128xi32, #tpu.memory_space<vmem>>, vector<1x16xi32>,
    %swap3A_126 = vector.shape_cast %swap3A_125 : vector<1x16xi32> to vector<16xi32>
    %swap3A_127 = vector.shape_cast %and3A_121 : vector<16xi32> to vector<1x16xi32>
    tpu.vector_store %arg11[%swap3A_123, %swap3A_124], %swap3A_127 {strides = array<i32>} : memref<2x128xi32, #tpu.memory_space<vmem>>, vector<1x16xi32>,
    %shift_right_logical3A_128 = arith.constant 16 : i32
    %shift_right_logical3A_129 = vector.broadcast %shift_right_logical3A_128 : i32 to vector<16xi32>
    %shift_right_logical3A_130 = arith.shrui %get3A_100, %shift_right_logical3A_129 : vector<16xi32>
    %swap3A_131 = arith.constant 0 : i32
    %swap3A_132 = arith.index_cast %swap3A_131 : i32 to index
    %swap3A_133 = arith.constant 80 : index
    %swap3A_134 = tpu.vector_load %arg11[%swap3A_132, %swap3A_133] {strides = array<i32>} : memref<2x128xi32, #tpu.memory_space<vmem>>, vector<1x16xi32>,
    %swap3A_135 = vector.shape_cast %swap3A_134 : vector<1x16xi32> to vector<16xi32>
    %swap3A_136 = vector.shape_cast %shift_right_logical3A_130 : vector<16xi32> to vector<1x16xi32>
    tpu.vector_store %arg11[%swap3A_132, %swap3A_133], %swap3A_136 {strides = array<i32>} : memref<2x128xi32, #tpu.memory_space<vmem>>, vector<1x16xi32>,
    %get3A_137 = arith.constant 0 : i32
    %get3A_138 = arith.index_cast %get3A_137 : i32 to index
    %get3A_139 = arith.constant 48 : index
    %get3A_140 = tpu.vector_load %arg8[%get3A_138, %get3A_139] {strides = array<i32>} : memref<40x128xi32, #tpu.memory_space<vmem>>, vector<1x16xi32>,
    %get3A_141 = vector.shape_cast %get3A_140 : vector<1x16xi32> to vector<16xi32>
    %get3A_142 = arith.constant 0 : i32
    %get3A_143 = arith.index_cast %get3A_142 : i32 to index
    %get3A_144 = arith.constant 48 : index
    %get3A_145 = tpu.vector_load %arg9[%get3A_143, %get3A_144] {strides = array<i32>} : memref<40x128xi32, #tpu.memory_space<vmem>>, vector<1x16xi32>,
    %get3A_146 = vector.shape_cast %get3A_145 : vector<1x16xi32> to vector<16xi32>
    %and3A_147 = arith.constant 65535 : i32
    %and3A_148 = vector.broadcast %and3A_147 : i32 to vector<16xi32>
    %and3A_149 = arith.andi %get3A_141, %and3A_148 : vector<16xi32>
    %swap3A_150 = arith.constant 0 : i32
    %swap3A_151 = arith.index_cast %swap3A_150 : i32 to index
    %swap3A_152 = arith.constant 96 : index
    %swap3A_153 = tpu.vector_load %arg10[%swap3A_151, %swap3A_152] {strides = array<i32>} : memref<2x128xi32, #tpu.memory_space<vmem>>, vector<1x16xi32>,
    %swap3A_154 = vector.shape_cast %swap3A_153 : vector<1x16xi32> to vector<16xi32>
    %swap3A_155 = vector.shape_cast %and3A_149 : vector<16xi32> to vector<1x16xi32>
    tpu.vector_store %arg10[%swap3A_151, %swap3A_152], %swap3A_155 {strides = array<i32>} : memref<2x128xi32, #tpu.memory_space<vmem>>, vector<1x16xi32>,
    %shift_right_logical3A_156 = arith.constant 16 : i32
    %shift_right_logical3A_157 = vector.broadcast %shift_right_logical3A_156 : i32 to vector<16xi32>
    %shift_right_logical3A_158 = arith.shrui %get3A_141, %shift_right_logical3A_157 : vector<16xi32>
    %swap3A_159 = arith.constant 0 : i32
    %swap3A_160 = arith.index_cast %swap3A_159 : i32 to index
    %swap3A_161 = arith.constant 112 : index
    %swap3A_162 = tpu.vector_load %arg10[%swap3A_160, %swap3A_161] {strides = array<i32>} : memref<2x128xi32, #tpu.memory_space<vmem>>, vector<1x16xi32>,
    %swap3A_163 = vector.shape_cast %swap3A_162 : vector<1x16xi32> to vector<16xi32>
    %swap3A_164 = vector.shape_cast %shift_right_logical3A_158 : vector<16xi32> to vector<1x16xi32>
    tpu.vector_store %arg10[%swap3A_160, %swap3A_161], %swap3A_164 {strides = array<i32>} : memref<2x128xi32, #tpu.memory_space<vmem>>, vector<1x16xi32>,
    %and3A_165 = arith.constant 65535 : i32
    %and3A_166 = vector.broadcast %and3A_165 : i32 to vector<16xi32>
    %and3A_167 = arith.andi %get3A_146, %and3A_166 : vector<16xi32>
    %swap3A_168 = arith.constant 0 : i32
    %swap3A_169 = arith.index_cast %swap3A_168 : i32 to index
    %swap3A_170 = arith.constant 96 : index
    %swap3A_171 = tpu.vector_load %arg11[%swap3A_169, %swap3A_170] {strides = array<i32>} : memref<2x128xi32, #tpu.memory_space<vmem>>, vector<1x16xi32>,
    %swap3A_172 = vector.shape_cast %swap3A_171 : vector<1x16xi32> to vector<16xi32>
    %swap3A_173 = vector.shape_cast %and3A_167 : vector<16xi32> to vector<1x16xi32>
    tpu.vector_store %arg11[%swap3A_169, %swap3A_170], %swap3A_173 {strides = array<i32>} : memref<2x128xi32, #tpu.memory_space<vmem>>, vector<1x16xi32>,
    %shift_right_logical3A_174 = arith.constant 16 : i32
    %shift_right_logical3A_175 = vector.broadcast %shift_right_logical3A_174 : i32 to vector<16xi32>
    %shift_right_logical3A_176 = arith.shrui %get3A_146, %shift_right_logical3A_175 : vector<16xi32>
    %swap3A_177 = arith.constant 0 : i32
    %swap3A_178 = arith.index_cast %swap3A_177 : i32 to index
    %swap3A_179 = arith.constant 112 : index
    %swap3A_180 = tpu.vector_load %arg11[%swap3A_178, %swap3A_179] {strides = array<i32>} : memref<2x128xi32, #tpu.memory_space<vmem>>, vector<1x16xi32>,
    %swap3A_181 = vector.shape_cast %swap3A_180 : vector<1x16xi32> to vector<16xi32>
    %swap3A_182 = vector.shape_cast %shift_right_logical3A_176 : vector<16xi32> to vector<1x16xi32>
    tpu.vector_store %arg11[%swap3A_178, %swap3A_179], %swap3A_182 {strides = array<i32>} : memref<2x128xi32, #tpu.memory_space<vmem>>, vector<1x16xi32>,
    %dma_start3A = arith.constant 0 : i32
    %dma_start3A_183 = arith.constant 0 : i32
    %dma_start3A_184 = tpu.memref_slice %arg10[%dma_start3A, %dma_start3A_183] : memref<2x128xi32, #tpu.memory_space<vmem>> -> memref<1x128xi32, #tpu.memory_space<vmem>>
    %dma_start3A_185 = tpu.memref_squeeze %dma_start3A_184 : memref<1x128xi32, #tpu.memory_space<vmem>> -> memref<128xi32, #tpu.memory_space<vmem>>
    %dma_start3A_186 = arith.constant 0 : i32
    %dma_start3A_187 = arith.constant 0 : i32
    %dma_start3A_188 = tpu.memref_slice %arg2[%dma_start3A_186, %dma_start3A_187] : memref<10000x128xf32, #tpu.memory_space<hbm>> -> memref<10000x128xf32, #tpu.memory_space<hbm>>
    tpu.enqueue_indirect_dma source(%dma_start3A_188 : memref<10000x128xf32, #tpu.memory_space<hbm>>) target(%arg12 : memref<128x128xf32, #tpu.memory_space<vmem>>) offsets(%dma_start3A_185 : memref<128xi32, #tpu.memory_space<vmem>>) semaphore(%arg14 : memref<!tpu.dma_semaphore, #tpu.memory_space<semaphore_mem>>)
    %scan3A = arith.constant 0 : i32
    %scan3A_189 = arith.constant 0 : i32
    %scan3A_190 = arith.constant 40 : i32
    %scan3A_191 = arith.addi %scan3A_189, %scan3A_190 : i32
    %scan3A_192 = arith.constant 1 : i32
    scf.for %scan3A_195 = %scan3A_189 to %scan3A_191 step %scan3A_192  : i32 {
      %get3A_196 = arith.index_cast %scan3A_195 : i32 to index
      %get3A_197 = arith.constant 64 : index
      %get3A_198 = tpu.vector_load %arg8[%get3A_196, %get3A_197] {strides = array<i32>} : memref<40x128xi32, #tpu.memory_space<vmem>>, vector<1x16xi32>,
      %get3A_199 = vector.shape_cast %get3A_198 : vector<1x16xi32> to vector<16xi32>
      %get3A_200 = arith.index_cast %scan3A_195 : i32 to index
      %get3A_201 = arith.constant 64 : index
      %get3A_202 = tpu.vector_load %arg9[%get3A_200, %get3A_201] {strides = array<i32>} : memref<40x128xi32, #tpu.memory_space<vmem>>, vector<1x16xi32>,
      %get3A_203 = vector.shape_cast %get3A_202 : vector<1x16xi32> to vector<16xi32>
      %and3A_204 = arith.constant 65535 : i32
      %and3A_205 = vector.broadcast %and3A_204 : i32 to vector<16xi32>
      %and3A_206 = arith.andi %get3A_199, %and3A_205 : vector<16xi32>
      %swap3A_207 = arith.constant 1 : i32
      %swap3A_208 = arith.index_cast %swap3A_207 : i32 to index
      %swap3A_209 = arith.constant 0 : index
      %swap3A_210 = tpu.vector_load %arg10[%swap3A_208, %swap3A_209] {strides = array<i32>} : memref<2x128xi32, #tpu.memory_space<vmem>>, vector<1x16xi32>,
      %swap3A_211 = vector.shape_cast %swap3A_210 : vector<1x16xi32> to vector<16xi32>
      %swap3A_212 = vector.shape_cast %and3A_206 : vector<16xi32> to vector<1x16xi32>
      tpu.vector_store %arg10[%swap3A_208, %swap3A_209], %swap3A_212 {strides = array<i32>} : memref<2x128xi32, #tpu.memory_space<vmem>>, vector<1x16xi32>,
      %shift_right_logical3A_213 = arith.constant 16 : i32
      %shift_right_logical3A_214 = vector.broadcast %shift_right_logical3A_213 : i32 to vector<16xi32>
      %shift_right_logical3A_215 = arith.shrui %get3A_199, %shift_right_logical3A_214 : vector<16xi32>
      %swap3A_216 = arith.constant 1 : i32
      %swap3A_217 = arith.index_cast %swap3A_216 : i32 to index
      %swap3A_218 = arith.constant 16 : index
      %swap3A_219 = tpu.vector_load %arg10[%swap3A_217, %swap3A_218] {strides = array<i32>} : memref<2x128xi32, #tpu.memory_space<vmem>>, vector<1x16xi32>,
      %swap3A_220 = vector.shape_cast %swap3A_219 : vector<1x16xi32> to vector<16xi32>
      %swap3A_221 = vector.shape_cast %shift_right_logical3A_215 : vector<16xi32> to vector<1x16xi32>
      tpu.vector_store %arg10[%swap3A_217, %swap3A_218], %swap3A_221 {strides = array<i32>} : memref<2x128xi32, #tpu.memory_space<vmem>>, vector<1x16xi32>,
      %and3A_222 = arith.constant 65535 : i32
      %and3A_223 = vector.broadcast %and3A_222 : i32 to vector<16xi32>
      %and3A_224 = arith.andi %get3A_203, %and3A_223 : vector<16xi32>
      %swap3A_225 = arith.constant 1 : i32
      %swap3A_226 = arith.index_cast %swap3A_225 : i32 to index
      %swap3A_227 = arith.constant 0 : index
      %swap3A_228 = tpu.vector_load %arg11[%swap3A_226, %swap3A_227] {strides = array<i32>} : memref<2x128xi32, #tpu.memory_space<vmem>>, vector<1x16xi32>,
      %swap3A_229 = vector.shape_cast %swap3A_228 : vector<1x16xi32> to vector<16xi32>
      %swap3A_230 = vector.shape_cast %and3A_224 : vector<16xi32> to vector<1x16xi32>
      tpu.vector_store %arg11[%swap3A_226, %swap3A_227], %swap3A_230 {strides = array<i32>} : memref<2x128xi32, #tpu.memory_space<vmem>>, vector<1x16xi32>,
      %shift_right_logical3A_231 = arith.constant 16 : i32
      %shift_right_logical3A_232 = vector.broadcast %shift_right_logical3A_231 : i32 to vector<16xi32>
      %shift_right_logical3A_233 = arith.shrui %get3A_203, %shift_right_logical3A_232 : vector<16xi32>
      %swap3A_234 = arith.constant 1 : i32
      %swap3A_235 = arith.index_cast %swap3A_234 : i32 to index
      %swap3A_236 = arith.constant 16 : index
      %swap3A_237 = tpu.vector_load %arg11[%swap3A_235, %swap3A_236] {strides = array<i32>} : memref<2x128xi32, #tpu.memory_space<vmem>>, vector<1x16xi32>,
      %swap3A_238 = vector.shape_cast %swap3A_237 : vector<1x16xi32> to vector<16xi32>
      %swap3A_239 = vector.shape_cast %shift_right_logical3A_233 : vector<16xi32> to vector<1x16xi32>
      tpu.vector_store %arg11[%swap3A_235, %swap3A_236], %swap3A_239 {strides = array<i32>} : memref<2x128xi32, #tpu.memory_space<vmem>>, vector<1x16xi32>,
      %get3A_240 = arith.index_cast %scan3A_195 : i32 to index
      %get3A_241 = arith.constant 80 : index
      %get3A_242 = tpu.vector_load %arg8[%get3A_240, %get3A_241] {strides = array<i32>} : memref<40x128xi32, #tpu.memory_space<vmem>>, vector<1x16xi32>,
      %get3A_243 = vector.shape_cast %get3A_242 : vector<1x16xi32> to vector<16xi32>
      %get3A_244 = arith.index_cast %scan3A_195 : i32 to index
      %get3A_245 = arith.constant 80 : index
      %get3A_246 = tpu.vector_load %arg9[%get3A_244, %get3A_245] {strides = array<i32>} : memref<40x128xi32, #tpu.memory_space<vmem>>, vector<1x16xi32>,
      %get3A_247 = vector.shape_cast %get3A_246 : vector<1x16xi32> to vector<16xi32>
      %and3A_248 = arith.constant 65535 : i32
      %and3A_249 = vector.broadcast %and3A_248 : i32 to vector<16xi32>
      %and3A_250 = arith.andi %get3A_243, %and3A_249 : vector<16xi32>
      %swap3A_251 = arith.constant 1 : i32
      %swap3A_252 = arith.index_cast %swap3A_251 : i32 to index
      %swap3A_253 = arith.constant 32 : index
      %swap3A_254 = tpu.vector_load %arg10[%swap3A_252, %swap3A_253] {strides = array<i32>} : memref<2x128xi32, #tpu.memory_space<vmem>>, vector<1x16xi32>,
      %swap3A_255 = vector.shape_cast %swap3A_254 : vector<1x16xi32> to vector<16xi32>
      %swap3A_256 = vector.shape_cast %and3A_250 : vector<16xi32> to vector<1x16xi32>
      tpu.vector_store %arg10[%swap3A_252, %swap3A_253], %swap3A_256 {strides = array<i32>} : memref<2x128xi32, #tpu.memory_space<vmem>>, vector<1x16xi32>,
      %shift_right_logical3A_257 = arith.constant 16 : i32
      %shift_right_logical3A_258 = vector.broadcast %shift_right_logical3A_257 : i32 to vector<16xi32>
      %shift_right_logical3A_259 = arith.shrui %get3A_243, %shift_right_logical3A_258 : vector<16xi32>
      %swap3A_260 = arith.constant 1 : i32
      %swap3A_261 = arith.index_cast %swap3A_260 : i32 to index
      %swap3A_262 = arith.constant 48 : index
      %swap3A_263 = tpu.vector_load %arg10[%swap3A_261, %swap3A_262] {strides = array<i32>} : memref<2x128xi32, #tpu.memory_space<vmem>>, vector<1x16xi32>,
      %swap3A_264 = vector.shape_cast %swap3A_263 : vector<1x16xi32> to vector<16xi32>
      %swap3A_265 = vector.shape_cast %shift_right_logical3A_259 : vector<16xi32> to vector<1x16xi32>
      tpu.vector_store %arg10[%swap3A_261, %swap3A_262], %swap3A_265 {strides = array<i32>} : memref<2x128xi32, #tpu.memory_space<vmem>>, vector<1x16xi32>,
      %and3A_266 = arith.constant 65535 : i32
      %and3A_267 = vector.broadcast %and3A_266 : i32 to vector<16xi32>
      %and3A_268 = arith.andi %get3A_247, %and3A_267 : vector<16xi32>
      %swap3A_269 = arith.constant 1 : i32
      %swap3A_270 = arith.index_cast %swap3A_269 : i32 to index
      %swap3A_271 = arith.constant 32 : index
      %swap3A_272 = tpu.vector_load %arg11[%swap3A_270, %swap3A_271] {strides = array<i32>} : memref<2x128xi32, #tpu.memory_space<vmem>>, vector<1x16xi32>,
      %swap3A_273 = vector.shape_cast %swap3A_272 : vector<1x16xi32> to vector<16xi32>
      %swap3A_274 = vector.shape_cast %and3A_268 : vector<16xi32> to vector<1x16xi32>
      tpu.vector_store %arg11[%swap3A_270, %swap3A_271], %swap3A_274 {strides = array<i32>} : memref<2x128xi32, #tpu.memory_space<vmem>>, vector<1x16xi32>,
      %shift_right_logical3A_275 = arith.constant 16 : i32
      %shift_right_logical3A_276 = vector.broadcast %shift_right_logical3A_275 : i32 to vector<16xi32>
      %shift_right_logical3A_277 = arith.shrui %get3A_247, %shift_right_logical3A_276 : vector<16xi32>
      %swap3A_278 = arith.constant 1 : i32
      %swap3A_279 = arith.index_cast %swap3A_278 : i32 to index
      %swap3A_280 = arith.constant 48 : index
      %swap3A_281 = tpu.vector_load %arg11[%swap3A_279, %swap3A_280] {strides = array<i32>} : memref<2x128xi32, #tpu.memory_space<vmem>>, vector<1x16xi32>,
      %swap3A_282 = vector.shape_cast %swap3A_281 : vector<1x16xi32> to vector<16xi32>
      %swap3A_283 = vector.shape_cast %shift_right_logical3A_277 : vector<16xi32> to vector<1x16xi32>
      tpu.vector_store %arg11[%swap3A_279, %swap3A_280], %swap3A_283 {strides = array<i32>} : memref<2x128xi32, #tpu.memory_space<vmem>>, vector<1x16xi32>,
      %get3A_284 = arith.index_cast %scan3A_195 : i32 to index
      %get3A_285 = arith.constant 96 : index
      %get3A_286 = tpu.vector_load %arg8[%get3A_284, %get3A_285] {strides = array<i32>} : memref<40x128xi32, #tpu.memory_space<vmem>>, vector<1x16xi32>,
      %get3A_287 = vector.shape_cast %get3A_286 : vector<1x16xi32> to vector<16xi32>
      %get3A_288 = arith.index_cast %scan3A_195 : i32 to index
      %get3A_289 = arith.constant 96 : index
      %get3A_290 = tpu.vector_load %arg9[%get3A_288, %get3A_289] {strides = array<i32>} : memref<40x128xi32, #tpu.memory_space<vmem>>, vector<1x16xi32>,
      %get3A_291 = vector.shape_cast %get3A_290 : vector<1x16xi32> to vector<16xi32>
      %and3A_292 = arith.constant 65535 : i32
      %and3A_293 = vector.broadcast %and3A_292 : i32 to vector<16xi32>
      %and3A_294 = arith.andi %get3A_287, %and3A_293 : vector<16xi32>
      %swap3A_295 = arith.constant 1 : i32
      %swap3A_296 = arith.index_cast %swap3A_295 : i32 to index
      %swap3A_297 = arith.constant 64 : index
      %swap3A_298 = tpu.vector_load %arg10[%swap3A_296, %swap3A_297] {strides = array<i32>} : memref<2x128xi32, #tpu.memory_space<vmem>>, vector<1x16xi32>,
      %swap3A_299 = vector.shape_cast %swap3A_298 : vector<1x16xi32> to vector<16xi32>
      %swap3A_300 = vector.shape_cast %and3A_294 : vector<16xi32> to vector<1x16xi32>
      tpu.vector_store %arg10[%swap3A_296, %swap3A_297], %swap3A_300 {strides = array<i32>} : memref<2x128xi32, #tpu.memory_space<vmem>>, vector<1x16xi32>,
      %shift_right_logical3A_301 = arith.constant 16 : i32
      %shift_right_logical3A_302 = vector.broadcast %shift_right_logical3A_301 : i32 to vector<16xi32>
      %shift_right_logical3A_303 = arith.shrui %get3A_287, %shift_right_logical3A_302 : vector<16xi32>
      %swap3A_304 = arith.constant 1 : i32
      %swap3A_305 = arith.index_cast %swap3A_304 : i32 to index
      %swap3A_306 = arith.constant 80 : index
      %swap3A_307 = tpu.vector_load %arg10[%swap3A_305, %swap3A_306] {strides = array<i32>} : memref<2x128xi32, #tpu.memory_space<vmem>>, vector<1x16xi32>,
      %swap3A_308 = vector.shape_cast %swap3A_307 : vector<1x16xi32> to vector<16xi32>
      %swap3A_309 = vector.shape_cast %shift_right_logical3A_303 : vector<16xi32> to vector<1x16xi32>
      tpu.vector_store %arg10[%swap3A_305, %swap3A_306], %swap3A_309 {strides = array<i32>} : memref<2x128xi32, #tpu.memory_space<vmem>>, vector<1x16xi32>,
      %and3A_310 = arith.constant 65535 : i32
      %and3A_311 = vector.broadcast %and3A_310 : i32 to vector<16xi32>
      %and3A_312 = arith.andi %get3A_291, %and3A_311 : vector<16xi32>
      %swap3A_313 = arith.constant 1 : i32
      %swap3A_314 = arith.index_cast %swap3A_313 : i32 to index
      %swap3A_315 = arith.constant 64 : index
      %swap3A_316 = tpu.vector_load %arg11[%swap3A_314, %swap3A_315] {strides = array<i32>} : memref<2x128xi32, #tpu.memory_space<vmem>>, vector<1x16xi32>,
      %swap3A_317 = vector.shape_cast %swap3A_316 : vector<1x16xi32> to vector<16xi32>
      %swap3A_318 = vector.shape_cast %and3A_312 : vector<16xi32> to vector<1x16xi32>
      tpu.vector_store %arg11[%swap3A_314, %swap3A_315], %swap3A_318 {strides = array<i32>} : memref<2x128xi32, #tpu.memory_space<vmem>>, vector<1x16xi32>,
      %shift_right_logical3A_319 = arith.constant 16 : i32
      %shift_right_logical3A_320 = vector.broadcast %shift_right_logical3A_319 : i32 to vector<16xi32>
      %shift_right_logical3A_321 = arith.shrui %get3A_291, %shift_right_logical3A_320 : vector<16xi32>
      %swap3A_322 = arith.constant 1 : i32
      %swap3A_323 = arith.index_cast %swap3A_322 : i32 to index
      %swap3A_324 = arith.constant 80 : index
      %swap3A_325 = tpu.vector_load %arg11[%swap3A_323, %swap3A_324] {strides = array<i32>} : memref<2x128xi32, #tpu.memory_space<vmem>>, vector<1x16xi32>,
      %swap3A_326 = vector.shape_cast %swap3A_325 : vector<1x16xi32> to vector<16xi32>
      %swap3A_327 = vector.shape_cast %shift_right_logical3A_321 : vector<16xi32> to vector<1x16xi32>
      tpu.vector_store %arg11[%swap3A_323, %swap3A_324], %swap3A_327 {strides = array<i32>} : memref<2x128xi32, #tpu.memory_space<vmem>>, vector<1x16xi32>,
      %get3A_328 = arith.index_cast %scan3A_195 : i32 to index
      %get3A_329 = arith.constant 112 : index
      %get3A_330 = tpu.vector_load %arg8[%get3A_328, %get3A_329] {strides = array<i32>} : memref<40x128xi32, #tpu.memory_space<vmem>>, vector<1x16xi32>,
      %get3A_331 = vector.shape_cast %get3A_330 : vector<1x16xi32> to vector<16xi32>
      %get3A_332 = arith.index_cast %scan3A_195 : i32 to index
      %get3A_333 = arith.constant 112 : index
      %get3A_334 = tpu.vector_load %arg9[%get3A_332, %get3A_333] {strides = array<i32>} : memref<40x128xi32, #tpu.memory_space<vmem>>, vector<1x16xi32>,
      %get3A_335 = vector.shape_cast %get3A_334 : vector<1x16xi32> to vector<16xi32>
      %and3A_336 = arith.constant 65535 : i32
      %and3A_337 = vector.broadcast %and3A_336 : i32 to vector<16xi32>
      %and3A_338 = arith.andi %get3A_331, %and3A_337 : vector<16xi32>
      %swap3A_339 = arith.constant 1 : i32
      %swap3A_340 = arith.index_cast %swap3A_339 : i32 to index
      %swap3A_341 = arith.constant 96 : index
      %swap3A_342 = tpu.vector_load %arg10[%swap3A_340, %swap3A_341] {strides = array<i32>} : memref<2x128xi32, #tpu.memory_space<vmem>>, vector<1x16xi32>,
      %swap3A_343 = vector.shape_cast %swap3A_342 : vector<1x16xi32> to vector<16xi32>
      %swap3A_344 = vector.shape_cast %and3A_338 : vector<16xi32> to vector<1x16xi32>
      tpu.vector_store %arg10[%swap3A_340, %swap3A_341], %swap3A_344 {strides = array<i32>} : memref<2x128xi32, #tpu.memory_space<vmem>>, vector<1x16xi32>,
      %shift_right_logical3A_345 = arith.constant 16 : i32
      %shift_right_logical3A_346 = vector.broadcast %shift_right_logical3A_345 : i32 to vector<16xi32>
      %shift_right_logical3A_347 = arith.shrui %get3A_331, %shift_right_logical3A_346 : vector<16xi32>
      %swap3A_348 = arith.constant 1 : i32
      %swap3A_349 = arith.index_cast %swap3A_348 : i32 to index
      %swap3A_350 = arith.constant 112 : index
      %swap3A_351 = tpu.vector_load %arg10[%swap3A_349, %swap3A_350] {strides = array<i32>} : memref<2x128xi32, #tpu.memory_space<vmem>>, vector<1x16xi32>,
      %swap3A_352 = vector.shape_cast %swap3A_351 : vector<1x16xi32> to vector<16xi32>
      %swap3A_353 = vector.shape_cast %shift_right_logical3A_347 : vector<16xi32> to vector<1x16xi32>
      tpu.vector_store %arg10[%swap3A_349, %swap3A_350], %swap3A_353 {strides = array<i32>} : memref<2x128xi32, #tpu.memory_space<vmem>>, vector<1x16xi32>,
      %and3A_354 = arith.constant 65535 : i32
      %and3A_355 = vector.broadcast %and3A_354 : i32 to vector<16xi32>
      %and3A_356 = arith.andi %get3A_335, %and3A_355 : vector<16xi32>
      %swap3A_357 = arith.constant 1 : i32
      %swap3A_358 = arith.index_cast %swap3A_357 : i32 to index
      %swap3A_359 = arith.constant 96 : index
      %swap3A_360 = tpu.vector_load %arg11[%swap3A_358, %swap3A_359] {strides = array<i32>} : memref<2x128xi32, #tpu.memory_space<vmem>>, vector<1x16xi32>,
      %swap3A_361 = vector.shape_cast %swap3A_360 : vector<1x16xi32> to vector<16xi32>
      %swap3A_362 = vector.shape_cast %and3A_356 : vector<16xi32> to vector<1x16xi32>
      tpu.vector_store %arg11[%swap3A_358, %swap3A_359], %swap3A_362 {strides = array<i32>} : memref<2x128xi32, #tpu.memory_space<vmem>>, vector<1x16xi32>,
      %shift_right_logical3A_363 = arith.constant 16 : i32
      %shift_right_logical3A_364 = vector.broadcast %shift_right_logical3A_363 : i32 to vector<16xi32>
      %shift_right_logical3A_365 = arith.shrui %get3A_335, %shift_right_logical3A_364 : vector<16xi32>
      %swap3A_366 = arith.constant 1 : i32
      %swap3A_367 = arith.index_cast %swap3A_366 : i32 to index
      %swap3A_368 = arith.constant 112 : index
      %swap3A_369 = tpu.vector_load %arg11[%swap3A_367, %swap3A_368] {strides = array<i32>} : memref<2x128xi32, #tpu.memory_space<vmem>>, vector<1x16xi32>,
      %swap3A_370 = vector.shape_cast %swap3A_369 : vector<1x16xi32> to vector<16xi32>
      %swap3A_371 = vector.shape_cast %shift_right_logical3A_365 : vector<16xi32> to vector<1x16xi32>
      tpu.vector_store %arg11[%swap3A_367, %swap3A_368], %swap3A_371 {strides = array<i32>} : memref<2x128xi32, #tpu.memory_space<vmem>>, vector<1x16xi32>,
      %dma_wait3A = arith.constant 0 : i32
      %dma_wait3A_372 = arith.constant 0 : i32
      %dma_wait3A_373 = tpu.memref_slice %arg10[%dma_wait3A, %dma_wait3A_372] : memref<2x128xi32, #tpu.memory_space<vmem>> -> memref<1x128xi32, #tpu.memory_space<vmem>>
      %dma_wait3A_374 = tpu.memref_squeeze %dma_wait3A_373 : memref<1x128xi32, #tpu.memory_space<vmem>> -> memref<128xi32, #tpu.memory_space<vmem>>
      %dma_wait3A_375 = arith.constant 0 : i32
      %dma_wait3A_376 = arith.constant 0 : i32
      %dma_wait3A_377 = tpu.memref_slice %arg2[%dma_wait3A_375, %dma_wait3A_376] : memref<10000x128xf32, #tpu.memory_space<hbm>> -> memref<10000x128xf32, #tpu.memory_space<hbm>>
      tpu.wait_indirect_dma semaphore(%arg14 : memref<!tpu.dma_semaphore, #tpu.memory_space<semaphore_mem>>) src(%dma_wait3A_377 : memref<10000x128xf32, #tpu.memory_space<hbm>>) dst(%arg12 : memref<128x128xf32, #tpu.memory_space<vmem>>)
      %dma_start3A_378 = arith.constant 1 : i32
      %dma_start3A_379 = arith.constant 0 : i32
      %dma_start3A_380 = tpu.memref_slice %arg10[%dma_start3A_378, %dma_start3A_379] : memref<2x128xi32, #tpu.memory_space<vmem>> -> memref<1x128xi32, #tpu.memory_space<vmem>>
      %dma_start3A_381 = tpu.memref_squeeze %dma_start3A_380 : memref<1x128xi32, #tpu.memory_space<vmem>> -> memref<128xi32, #tpu.memory_space<vmem>>
      %dma_start3A_382 = arith.constant 0 : i32
      %dma_start3A_383 = arith.constant 0 : i32
      %dma_start3A_384 = tpu.memref_slice %arg2[%dma_start3A_382, %dma_start3A_383] : memref<10000x128xf32, #tpu.memory_space<hbm>> -> memref<10000x128xf32, #tpu.memory_space<hbm>>
      tpu.enqueue_indirect_dma source(%dma_start3A_384 : memref<10000x128xf32, #tpu.memory_space<hbm>>) target(%arg13 : memref<128x128xf32, #tpu.memory_space<vmem>>) offsets(%dma_start3A_381 : memref<128xi32, #tpu.memory_space<vmem>>) semaphore(%arg15 : memref<!tpu.dma_semaphore, #tpu.memory_space<semaphore_mem>>)
      %run_scoped3A = arith.constant 0 : i32
      "tpu.region"() ({
        %run_scoped3A_404 = tpu.sem_alloc : memref<!tpu.dma_semaphore, #tpu.memory_space<semaphore_mem>>
        %dma_start3A_405 = arith.constant 0 : i32
        %dma_start3A_406 = tpu.memref_slice %arg11[%run_scoped3A, %dma_start3A_405] : memref<2x128xi32, #tpu.memory_space<vmem>> -> memref<1x128xi32, #tpu.memory_space<vmem>>
        %dma_start3A_407 = tpu.memref_squeeze %dma_start3A_406 : memref<1x128xi32, #tpu.memory_space<vmem>> -> memref<128xi32, #tpu.memory_space<vmem>>
        %dma_start3A_408 = arith.constant 0 : i32
        %dma_start3A_409 = arith.constant 0 : i32
        %dma_start3A_410 = tpu.memref_slice %arg7[%dma_start3A_408, %dma_start3A_409] : memref<10112x128xf32, #tpu.memory_space<vmem_shared>> -> memref<10112x128xf32, #tpu.memory_space<vmem_shared>>
        tpu.enqueue_indirect_dma source(%arg12 : memref<128x128xf32, #tpu.memory_space<vmem>>) target(%dma_start3A_410 : memref<10112x128xf32, #tpu.memory_space<vmem_shared>>) offsets(%dma_start3A_407 : memref<128xi32, #tpu.memory_space<vmem>>) semaphore(%run_scoped3A_404 : memref<!tpu.dma_semaphore, #tpu.memory_space<semaphore_mem>>) {add = true}
        %dma_wait3A_411 = arith.constant 0 : i32
        %dma_wait3A_412 = tpu.memref_slice %arg11[%run_scoped3A, %dma_wait3A_411] : memref<2x128xi32, #tpu.memory_space<vmem>> -> memref<1x128xi32, #tpu.memory_space<vmem>>
        %dma_wait3A_413 = tpu.memref_squeeze %dma_wait3A_412 : memref<1x128xi32, #tpu.memory_space<vmem>> -> memref<128xi32, #tpu.memory_space<vmem>>
        %dma_wait3A_414 = arith.constant 0 : i32
        %dma_wait3A_415 = arith.constant 0 : i32
        %dma_wait3A_416 = tpu.memref_slice %arg7[%dma_wait3A_414, %dma_wait3A_415] : memref<10112x128xf32, #tpu.memory_space<vmem_shared>> -> memref<10112x128xf32, #tpu.memory_space<vmem_shared>>
        tpu.wait_indirect_dma semaphore(%run_scoped3A_404 : memref<!tpu.dma_semaphore, #tpu.memory_space<semaphore_mem>>) src(%arg12 : memref<128x128xf32, #tpu.memory_space<vmem>>) dst(%dma_wait3A_416 : memref<10112x128xf32, #tpu.memory_space<vmem_shared>>)
        tpu.yield
      }) : () -> ()
      %add3A_385 = arith.constant 1 : i32
      %add3A_386 = arith.addi %scan3A_195, %add3A_385 : i32
      %lt3A = arith.constant 40 : i32
      %lt3A_387 = arith.cmpi slt, %add3A_386, %lt3A : i32
      %convert_element_type3A = arith.extui %lt3A_387 : i1 to i32
      %cond3A = arith.constant 0 : i32
      %cond3A_388 = arith.cmpi ne, %convert_element_type3A, %cond3A : i32
      scf.if %cond3A_388 {
        %add3A_404 = arith.constant 1 : i32
        %add3A_405 = arith.addi %scan3A_195, %add3A_404 : i32
        %get3A_406 = arith.index_cast %add3A_405 : i32 to index
        %get3A_407 = arith.constant 0 : index
        %get3A_408 = tpu.vector_load %arg8[%get3A_406, %get3A_407] {strides = array<i32>} : memref<40x128xi32, #tpu.memory_space<vmem>>, vector<1x16xi32>,
        %get3A_409 = vector.shape_cast %get3A_408 : vector<1x16xi32> to vector<16xi32>
        %get3A_410 = arith.index_cast %add3A_405 : i32 to index
        %get3A_411 = arith.constant 0 : index
        %get3A_412 = tpu.vector_load %arg9[%get3A_410, %get3A_411] {strides = array<i32>} : memref<40x128xi32, #tpu.memory_space<vmem>>, vector<1x16xi32>,
        %get3A_413 = vector.shape_cast %get3A_412 : vector<1x16xi32> to vector<16xi32>
        %and3A_414 = arith.constant 65535 : i32
        %and3A_415 = vector.broadcast %and3A_414 : i32 to vector<16xi32>
        %and3A_416 = arith.andi %get3A_409, %and3A_415 : vector<16xi32>
        %swap3A_417 = arith.constant 0 : i32
        %swap3A_418 = arith.index_cast %swap3A_417 : i32 to index
        %swap3A_419 = arith.constant 0 : index
        %swap3A_420 = tpu.vector_load %arg10[%swap3A_418, %swap3A_419] {strides = array<i32>} : memref<2x128xi32, #tpu.memory_space<vmem>>, vector<1x16xi32>,
        %swap3A_421 = vector.shape_cast %swap3A_420 : vector<1x16xi32> to vector<16xi32>
        %swap3A_422 = vector.shape_cast %and3A_416 : vector<16xi32> to vector<1x16xi32>
        tpu.vector_store %arg10[%swap3A_418, %swap3A_419], %swap3A_422 {strides = array<i32>} : memref<2x128xi32, #tpu.memory_space<vmem>>, vector<1x16xi32>,
        %shift_right_logical3A_423 = arith.constant 16 : i32
        %shift_right_logical3A_424 = vector.broadcast %shift_right_logical3A_423 : i32 to vector<16xi32>
        %shift_right_logical3A_425 = arith.shrui %get3A_409, %shift_right_logical3A_424 : vector<16xi32>
        %swap3A_426 = arith.constant 0 : i32
        %swap3A_427 = arith.index_cast %swap3A_426 : i32 to index
        %swap3A_428 = arith.constant 16 : index
        %swap3A_429 = tpu.vector_load %arg10[%swap3A_427, %swap3A_428] {strides = array<i32>} : memref<2x128xi32, #tpu.memory_space<vmem>>, vector<1x16xi32>,
        %swap3A_430 = vector.shape_cast %swap3A_429 : vector<1x16xi32> to vector<16xi32>
        %swap3A_431 = vector.shape_cast %shift_right_logical3A_425 : vector<16xi32> to vector<1x16xi32>
        tpu.vector_store %arg10[%swap3A_427, %swap3A_428], %swap3A_431 {strides = array<i32>} : memref<2x128xi32, #tpu.memory_space<vmem>>, vector<1x16xi32>,
        %and3A_432 = arith.constant 65535 : i32
        %and3A_433 = vector.broadcast %and3A_432 : i32 to vector<16xi32>
        %and3A_434 = arith.andi %get3A_413, %and3A_433 : vector<16xi32>
        %swap3A_435 = arith.constant 0 : i32
        %swap3A_436 = arith.index_cast %swap3A_435 : i32 to index
        %swap3A_437 = arith.constant 0 : index
        %swap3A_438 = tpu.vector_load %arg11[%swap3A_436, %swap3A_437] {strides = array<i32>} : memref<2x128xi32, #tpu.memory_space<vmem>>, vector<1x16xi32>,
        %swap3A_439 = vector.shape_cast %swap3A_438 : vector<1x16xi32> to vector<16xi32>
        %swap3A_440 = vector.shape_cast %and3A_434 : vector<16xi32> to vector<1x16xi32>
        tpu.vector_store %arg11[%swap3A_436, %swap3A_437], %swap3A_440 {strides = array<i32>} : memref<2x128xi32, #tpu.memory_space<vmem>>, vector<1x16xi32>,
        %shift_right_logical3A_441 = arith.constant 16 : i32
        %shift_right_logical3A_442 = vector.broadcast %shift_right_logical3A_441 : i32 to vector<16xi32>
        %shift_right_logical3A_443 = arith.shrui %get3A_413, %shift_right_logical3A_442 : vector<16xi32>
        %swap3A_444 = arith.constant 0 : i32
        %swap3A_445 = arith.index_cast %swap3A_444 : i32 to index
        %swap3A_446 = arith.constant 16 : index
        %swap3A_447 = tpu.vector_load %arg11[%swap3A_445, %swap3A_446] {strides = array<i32>} : memref<2x128xi32, #tpu.memory_space<vmem>>, vector<1x16xi32>,
        %swap3A_448 = vector.shape_cast %swap3A_447 : vector<1x16xi32> to vector<16xi32>
        %swap3A_449 = vector.shape_cast %shift_right_logical3A_443 : vector<16xi32> to vector<1x16xi32>
        tpu.vector_store %arg11[%swap3A_445, %swap3A_446], %swap3A_449 {strides = array<i32>} : memref<2x128xi32, #tpu.memory_space<vmem>>, vector<1x16xi32>,
        %get3A_450 = arith.index_cast %add3A_405 : i32 to index
        %get3A_451 = arith.constant 16 : index
        %get3A_452 = tpu.vector_load %arg8[%get3A_450, %get3A_451] {strides = array<i32>} : memref<40x128xi32, #tpu.memory_space<vmem>>, vector<1x16xi32>,
        %get3A_453 = vector.shape_cast %get3A_452 : vector<1x16xi32> to vector<16xi32>
        %get3A_454 = arith.index_cast %add3A_405 : i32 to index
        %get3A_455 = arith.constant 16 : index
        %get3A_456 = tpu.vector_load %arg9[%get3A_454, %get3A_455] {strides = array<i32>} : memref<40x128xi32, #tpu.memory_space<vmem>>, vector<1x16xi32>,
        %get3A_457 = vector.shape_cast %get3A_456 : vector<1x16xi32> to vector<16xi32>
        %and3A_458 = arith.constant 65535 : i32
        %and3A_459 = vector.broadcast %and3A_458 : i32 to vector<16xi32>
        %and3A_460 = arith.andi %get3A_453, %and3A_459 : vector<16xi32>
        %swap3A_461 = arith.constant 0 : i32
        %swap3A_462 = arith.index_cast %swap3A_461 : i32 to index
        %swap3A_463 = arith.constant 32 : index
        %swap3A_464 = tpu.vector_load %arg10[%swap3A_462, %swap3A_463] {strides = array<i32>} : memref<2x128xi32, #tpu.memory_space<vmem>>, vector<1x16xi32>,
        %swap3A_465 = vector.shape_cast %swap3A_464 : vector<1x16xi32> to vector<16xi32>
        %swap3A_466 = vector.shape_cast %and3A_460 : vector<16xi32> to vector<1x16xi32>
        tpu.vector_store %arg10[%swap3A_462, %swap3A_463], %swap3A_466 {strides = array<i32>} : memref<2x128xi32, #tpu.memory_space<vmem>>, vector<1x16xi32>,
        %shift_right_logical3A_467 = arith.constant 16 : i32
        %shift_right_logical3A_468 = vector.broadcast %shift_right_logical3A_467 : i32 to vector<16xi32>
        %shift_right_logical3A_469 = arith.shrui %get3A_453, %shift_right_logical3A_468 : vector<16xi32>
        %swap3A_470 = arith.constant 0 : i32
        %swap3A_471 = arith.index_cast %swap3A_470 : i32 to index
        %swap3A_472 = arith.constant 48 : index
        %swap3A_473 = tpu.vector_load %arg10[%swap3A_471, %swap3A_472] {strides = array<i32>} : memref<2x128xi32, #tpu.memory_space<vmem>>, vector<1x16xi32>,
        %swap3A_474 = vector.shape_cast %swap3A_473 : vector<1x16xi32> to vector<16xi32>
        %swap3A_475 = vector.shape_cast %shift_right_logical3A_469 : vector<16xi32> to vector<1x16xi32>
        tpu.vector_store %arg10[%swap3A_471, %swap3A_472], %swap3A_475 {strides = array<i32>} : memref<2x128xi32, #tpu.memory_space<vmem>>, vector<1x16xi32>,
        %and3A_476 = arith.constant 65535 : i32
        %and3A_477 = vector.broadcast %and3A_476 : i32 to vector<16xi32>
        %and3A_478 = arith.andi %get3A_457, %and3A_477 : vector<16xi32>
        %swap3A_479 = arith.constant 0 : i32
        %swap3A_480 = arith.index_cast %swap3A_479 : i32 to index
        %swap3A_481 = arith.constant 32 : index
        %swap3A_482 = tpu.vector_load %arg11[%swap3A_480, %swap3A_481] {strides = array<i32>} : memref<2x128xi32, #tpu.memory_space<vmem>>, vector<1x16xi32>,
        %swap3A_483 = vector.shape_cast %swap3A_482 : vector<1x16xi32> to vector<16xi32>
        %swap3A_484 = vector.shape_cast %and3A_478 : vector<16xi32> to vector<1x16xi32>
        tpu.vector_store %arg11[%swap3A_480, %swap3A_481], %swap3A_484 {strides = array<i32>} : memref<2x128xi32, #tpu.memory_space<vmem>>, vector<1x16xi32>,
        %shift_right_logical3A_485 = arith.constant 16 : i32
        %shift_right_logical3A_486 = vector.broadcast %shift_right_logical3A_485 : i32 to vector<16xi32>
        %shift_right_logical3A_487 = arith.shrui %get3A_457, %shift_right_logical3A_486 : vector<16xi32>
        %swap3A_488 = arith.constant 0 : i32
        %swap3A_489 = arith.index_cast %swap3A_488 : i32 to index
        %swap3A_490 = arith.constant 48 : index
        %swap3A_491 = tpu.vector_load %arg11[%swap3A_489, %swap3A_490] {strides = array<i32>} : memref<2x128xi32, #tpu.memory_space<vmem>>, vector<1x16xi32>,
        %swap3A_492 = vector.shape_cast %swap3A_491 : vector<1x16xi32> to vector<16xi32>
        %swap3A_493 = vector.shape_cast %shift_right_logical3A_487 : vector<16xi32> to vector<1x16xi32>
        tpu.vector_store %arg11[%swap3A_489, %swap3A_490], %swap3A_493 {strides = array<i32>} : memref<2x128xi32, #tpu.memory_space<vmem>>, vector<1x16xi32>,
        %get3A_494 = arith.index_cast %add3A_405 : i32 to index
        %get3A_495 = arith.constant 32 : index
        %get3A_496 = tpu.vector_load %arg8[%get3A_494, %get3A_495] {strides = array<i32>} : memref<40x128xi32, #tpu.memory_space<vmem>>, vector<1x16xi32>,
        %get3A_497 = vector.shape_cast %get3A_496 : vector<1x16xi32> to vector<16xi32>
        %get3A_498 = arith.index_cast %add3A_405 : i32 to index
        %get3A_499 = arith.constant 32 : index
        %get3A_500 = tpu.vector_load %arg9[%get3A_498, %get3A_499] {strides = array<i32>} : memref<40x128xi32, #tpu.memory_space<vmem>>, vector<1x16xi32>,
        %get3A_501 = vector.shape_cast %get3A_500 : vector<1x16xi32> to vector<16xi32>
        %and3A_502 = arith.constant 65535 : i32
        %and3A_503 = vector.broadcast %and3A_502 : i32 to vector<16xi32>
        %and3A_504 = arith.andi %get3A_497, %and3A_503 : vector<16xi32>
        %swap3A_505 = arith.constant 0 : i32
        %swap3A_506 = arith.index_cast %swap3A_505 : i32 to index
        %swap3A_507 = arith.constant 64 : index
        %swap3A_508 = tpu.vector_load %arg10[%swap3A_506, %swap3A_507] {strides = array<i32>} : memref<2x128xi32, #tpu.memory_space<vmem>>, vector<1x16xi32>,
        %swap3A_509 = vector.shape_cast %swap3A_508 : vector<1x16xi32> to vector<16xi32>
        %swap3A_510 = vector.shape_cast %and3A_504 : vector<16xi32> to vector<1x16xi32>
        tpu.vector_store %arg10[%swap3A_506, %swap3A_507], %swap3A_510 {strides = array<i32>} : memref<2x128xi32, #tpu.memory_space<vmem>>, vector<1x16xi32>,
        %shift_right_logical3A_511 = arith.constant 16 : i32
        %shift_right_logical3A_512 = vector.broadcast %shift_right_logical3A_511 : i32 to vector<16xi32>
        %shift_right_logical3A_513 = arith.shrui %get3A_497, %shift_right_logical3A_512 : vector<16xi32>
        %swap3A_514 = arith.constant 0 : i32
        %swap3A_515 = arith.index_cast %swap3A_514 : i32 to index
        %swap3A_516 = arith.constant 80 : index
        %swap3A_517 = tpu.vector_load %arg10[%swap3A_515, %swap3A_516] {strides = array<i32>} : memref<2x128xi32, #tpu.memory_space<vmem>>, vector<1x16xi32>,
        %swap3A_518 = vector.shape_cast %swap3A_517 : vector<1x16xi32> to vector<16xi32>
        %swap3A_519 = vector.shape_cast %shift_right_logical3A_513 : vector<16xi32> to vector<1x16xi32>
        tpu.vector_store %arg10[%swap3A_515, %swap3A_516], %swap3A_519 {strides = array<i32>} : memref<2x128xi32, #tpu.memory_space<vmem>>, vector<1x16xi32>,
        %and3A_520 = arith.constant 65535 : i32
        %and3A_521 = vector.broadcast %and3A_520 : i32 to vector<16xi32>
        %and3A_522 = arith.andi %get3A_501, %and3A_521 : vector<16xi32>
        %swap3A_523 = arith.constant 0 : i32
        %swap3A_524 = arith.index_cast %swap3A_523 : i32 to index
        %swap3A_525 = arith.constant 64 : index
        %swap3A_526 = tpu.vector_load %arg11[%swap3A_524, %swap3A_525] {strides = array<i32>} : memref<2x128xi32, #tpu.memory_space<vmem>>, vector<1x16xi32>,
        %swap3A_527 = vector.shape_cast %swap3A_526 : vector<1x16xi32> to vector<16xi32>
        %swap3A_528 = vector.shape_cast %and3A_522 : vector<16xi32> to vector<1x16xi32>
        tpu.vector_store %arg11[%swap3A_524, %swap3A_525], %swap3A_528 {strides = array<i32>} : memref<2x128xi32, #tpu.memory_space<vmem>>, vector<1x16xi32>,
        %shift_right_logical3A_529 = arith.constant 16 : i32
        %shift_right_logical3A_530 = vector.broadcast %shift_right_logical3A_529 : i32 to vector<16xi32>
        %shift_right_logical3A_531 = arith.shrui %get3A_501, %shift_right_logical3A_530 : vector<16xi32>
        %swap3A_532 = arith.constant 0 : i32
        %swap3A_533 = arith.index_cast %swap3A_532 : i32 to index
        %swap3A_534 = arith.constant 80 : index
        %swap3A_535 = tpu.vector_load %arg11[%swap3A_533, %swap3A_534] {strides = array<i32>} : memref<2x128xi32, #tpu.memory_space<vmem>>, vector<1x16xi32>,
        %swap3A_536 = vector.shape_cast %swap3A_535 : vector<1x16xi32> to vector<16xi32>
        %swap3A_537 = vector.shape_cast %shift_right_logical3A_531 : vector<16xi32> to vector<1x16xi32>
        tpu.vector_store %arg11[%swap3A_533, %swap3A_534], %swap3A_537 {strides = array<i32>} : memref<2x128xi32, #tpu.memory_space<vmem>>, vector<1x16xi32>,
        %get3A_538 = arith.index_cast %add3A_405 : i32 to index
        %get3A_539 = arith.constant 48 : index
        %get3A_540 = tpu.vector_load %arg8[%get3A_538, %get3A_539] {strides = array<i32>} : memref<40x128xi32, #tpu.memory_space<vmem>>, vector<1x16xi32>,
        %get3A_541 = vector.shape_cast %get3A_540 : vector<1x16xi32> to vector<16xi32>
        %get3A_542 = arith.index_cast %add3A_405 : i32 to index
        %get3A_543 = arith.constant 48 : index
        %get3A_544 = tpu.vector_load %arg9[%get3A_542, %get3A_543] {strides = array<i32>} : memref<40x128xi32, #tpu.memory_space<vmem>>, vector<1x16xi32>,
        %get3A_545 = vector.shape_cast %get3A_544 : vector<1x16xi32> to vector<16xi32>
        %and3A_546 = arith.constant 65535 : i32
        %and3A_547 = vector.broadcast %and3A_546 : i32 to vector<16xi32>
        %and3A_548 = arith.andi %get3A_541, %and3A_547 : vector<16xi32>
        %swap3A_549 = arith.constant 0 : i32
        %swap3A_550 = arith.index_cast %swap3A_549 : i32 to index
        %swap3A_551 = arith.constant 96 : index
        %swap3A_552 = tpu.vector_load %arg10[%swap3A_550, %swap3A_551] {strides = array<i32>} : memref<2x128xi32, #tpu.memory_space<vmem>>, vector<1x16xi32>,
        %swap3A_553 = vector.shape_cast %swap3A_552 : vector<1x16xi32> to vector<16xi32>
        %swap3A_554 = vector.shape_cast %and3A_548 : vector<16xi32> to vector<1x16xi32>
        tpu.vector_store %arg10[%swap3A_550, %swap3A_551], %swap3A_554 {strides = array<i32>} : memref<2x128xi32, #tpu.memory_space<vmem>>, vector<1x16xi32>,
        %shift_right_logical3A_555 = arith.constant 16 : i32
        %shift_right_logical3A_556 = vector.broadcast %shift_right_logical3A_555 : i32 to vector<16xi32>
        %shift_right_logical3A_557 = arith.shrui %get3A_541, %shift_right_logical3A_556 : vector<16xi32>
        %swap3A_558 = arith.constant 0 : i32
        %swap3A_559 = arith.index_cast %swap3A_558 : i32 to index
        %swap3A_560 = arith.constant 112 : index
        %swap3A_561 = tpu.vector_load %arg10[%swap3A_559, %swap3A_560] {strides = array<i32>} : memref<2x128xi32, #tpu.memory_space<vmem>>, vector<1x16xi32>,
        %swap3A_562 = vector.shape_cast %swap3A_561 : vector<1x16xi32> to vector<16xi32>
        %swap3A_563 = vector.shape_cast %shift_right_logical3A_557 : vector<16xi32> to vector<1x16xi32>
        tpu.vector_store %arg10[%swap3A_559, %swap3A_560], %swap3A_563 {strides = array<i32>} : memref<2x128xi32, #tpu.memory_space<vmem>>, vector<1x16xi32>,
        %and3A_564 = arith.constant 65535 : i32
        %and3A_565 = vector.broadcast %and3A_564 : i32 to vector<16xi32>
        %and3A_566 = arith.andi %get3A_545, %and3A_565 : vector<16xi32>
        %swap3A_567 = arith.constant 0 : i32
        %swap3A_568 = arith.index_cast %swap3A_567 : i32 to index
        %swap3A_569 = arith.constant 96 : index
        %swap3A_570 = tpu.vector_load %arg11[%swap3A_568, %swap3A_569] {strides = array<i32>} : memref<2x128xi32, #tpu.memory_space<vmem>>, vector<1x16xi32>,
        %swap3A_571 = vector.shape_cast %swap3A_570 : vector<1x16xi32> to vector<16xi32>
        %swap3A_572 = vector.shape_cast %and3A_566 : vector<16xi32> to vector<1x16xi32>
        tpu.vector_store %arg11[%swap3A_568, %swap3A_569], %swap3A_572 {strides = array<i32>} : memref<2x128xi32, #tpu.memory_space<vmem>>, vector<1x16xi32>,
        %shift_right_logical3A_573 = arith.constant 16 : i32
        %shift_right_logical3A_574 = vector.broadcast %shift_right_logical3A_573 : i32 to vector<16xi32>
        %shift_right_logical3A_575 = arith.shrui %get3A_545, %shift_right_logical3A_574 : vector<16xi32>
        %swap3A_576 = arith.constant 0 : i32
        %swap3A_577 = arith.index_cast %swap3A_576 : i32 to index
        %swap3A_578 = arith.constant 112 : index
        %swap3A_579 = tpu.vector_load %arg11[%swap3A_577, %swap3A_578] {strides = array<i32>} : memref<2x128xi32, #tpu.memory_space<vmem>>, vector<1x16xi32>,
        %swap3A_580 = vector.shape_cast %swap3A_579 : vector<1x16xi32> to vector<16xi32>
        %swap3A_581 = vector.shape_cast %shift_right_logical3A_575 : vector<16xi32> to vector<1x16xi32>
        tpu.vector_store %arg11[%swap3A_577, %swap3A_578], %swap3A_581 {strides = array<i32>} : memref<2x128xi32, #tpu.memory_space<vmem>>, vector<1x16xi32>,
      } else {
      }
      %dma_wait3A_389 = arith.constant 1 : i32
      %dma_wait3A_390 = arith.constant 0 : i32
      %dma_wait3A_391 = tpu.memref_slice %arg10[%dma_wait3A_389, %dma_wait3A_390] : memref<2x128xi32, #tpu.memory_space<vmem>> -> memref<1x128xi32, #tpu.memory_space<vmem>>
      %dma_wait3A_392 = tpu.memref_squeeze %dma_wait3A_391 : memref<1x128xi32, #tpu.memory_space<vmem>> -> memref<128xi32, #tpu.memory_space<vmem>>
      %dma_wait3A_393 = arith.constant 0 : i32
      %dma_wait3A_394 = arith.constant 0 : i32
      %dma_wait3A_395 = tpu.memref_slice %arg2[%dma_wait3A_393, %dma_wait3A_394] : memref<10000x128xf32, #tpu.memory_space<hbm>> -> memref<10000x128xf32, #tpu.memory_space<hbm>>
      tpu.wait_indirect_dma semaphore(%arg15 : memref<!tpu.dma_semaphore, #tpu.memory_space<semaphore_mem>>) src(%dma_wait3A_395 : memref<10000x128xf32, #tpu.memory_space<hbm>>) dst(%arg13 : memref<128x128xf32, #tpu.memory_space<vmem>>)
      %add3A_396 = arith.constant 1 : i32
      %add3A_397 = arith.addi %scan3A_195, %add3A_396 : i32
      %lt3A_398 = arith.constant 40 : i32
      %lt3A_399 = arith.cmpi slt, %add3A_397, %lt3A_398 : i32
      %convert_element_type3A_400 = arith.extui %lt3A_399 : i1 to i32
      %cond3A_401 = arith.constant 0 : i32
      %cond3A_402 = arith.cmpi ne, %convert_element_type3A_400, %cond3A_401 : i32
      scf.if %cond3A_402 {
        %dma_start3A_404 = arith.constant 0 : i32
        %dma_start3A_405 = arith.constant 0 : i32
        %dma_start3A_406 = tpu.memref_slice %arg10[%dma_start3A_404, %dma_start3A_405] : memref<2x128xi32, #tpu.memory_space<vmem>> -> memref<1x128xi32, #tpu.memory_space<vmem>>
        %dma_start3A_407 = tpu.memref_squeeze %dma_start3A_406 : memref<1x128xi32, #tpu.memory_space<vmem>> -> memref<128xi32, #tpu.memory_space<vmem>>
        %dma_start3A_408 = arith.constant 0 : i32
        %dma_start3A_409 = arith.constant 0 : i32
        %dma_start3A_410 = tpu.memref_slice %arg2[%dma_start3A_408, %dma_start3A_409] : memref<10000x128xf32, #tpu.memory_space<hbm>> -> memref<10000x128xf32, #tpu.memory_space<hbm>>
        tpu.enqueue_indirect_dma source(%dma_start3A_410 : memref<10000x128xf32, #tpu.memory_space<hbm>>) target(%arg12 : memref<128x128xf32, #tpu.memory_space<vmem>>) offsets(%dma_start3A_407 : memref<128xi32, #tpu.memory_space<vmem>>) semaphore(%arg14 : memref<!tpu.dma_semaphore, #tpu.memory_space<semaphore_mem>>)
      } else {
      }
      %run_scoped3A_403 = arith.constant 1 : i32
      "tpu.region"() ({
        %run_scoped3A_404 = tpu.sem_alloc : memref<!tpu.dma_semaphore, #tpu.memory_space<semaphore_mem>>
        %dma_start3A_405 = arith.constant 0 : i32
        %dma_start3A_406 = tpu.memref_slice %arg11[%run_scoped3A_403, %dma_start3A_405] : memref<2x128xi32, #tpu.memory_space<vmem>> -> memref<1x128xi32, #tpu.memory_space<vmem>>
        %dma_start3A_407 = tpu.memref_squeeze %dma_start3A_406 : memref<1x128xi32, #tpu.memory_space<vmem>> -> memref<128xi32, #tpu.memory_space<vmem>>
        %dma_start3A_408 = arith.constant 0 : i32
        %dma_start3A_409 = arith.constant 0 : i32
        %dma_start3A_410 = tpu.memref_slice %arg7[%dma_start3A_408, %dma_start3A_409] : memref<10112x128xf32, #tpu.memory_space<vmem_shared>> -> memref<10112x128xf32, #tpu.memory_space<vmem_shared>>
        tpu.enqueue_indirect_dma source(%arg13 : memref<128x128xf32, #tpu.memory_space<vmem>>) target(%dma_start3A_410 : memref<10112x128xf32, #tpu.memory_space<vmem_shared>>) offsets(%dma_start3A_407 : memref<128xi32, #tpu.memory_space<vmem>>) semaphore(%run_scoped3A_404 : memref<!tpu.dma_semaphore, #tpu.memory_space<semaphore_mem>>) {add = true}
        %dma_wait3A_411 = arith.constant 0 : i32
        %dma_wait3A_412 = tpu.memref_slice %arg11[%run_scoped3A_403, %dma_wait3A_411] : memref<2x128xi32, #tpu.memory_space<vmem>> -> memref<1x128xi32, #tpu.memory_space<vmem>>
        %dma_wait3A_413 = tpu.memref_squeeze %dma_wait3A_412 : memref<1x128xi32, #tpu.memory_space<vmem>> -> memref<128xi32, #tpu.memory_space<vmem>>
        %dma_wait3A_414 = arith.constant 0 : i32
        %dma_wait3A_415 = arith.constant 0 : i32
        %dma_wait3A_416 = tpu.memref_slice %arg7[%dma_wait3A_414, %dma_wait3A_415] : memref<10112x128xf32, #tpu.memory_space<vmem_shared>> -> memref<10112x128xf32, #tpu.memory_space<vmem_shared>>
        tpu.wait_indirect_dma semaphore(%run_scoped3A_404 : memref<!tpu.dma_semaphore, #tpu.memory_space<semaphore_mem>>) src(%arg13 : memref<128x128xf32, #tpu.memory_space<vmem>>) dst(%dma_wait3A_416 : memref<10112x128xf32, #tpu.memory_space<vmem_shared>>)
        tpu.yield
      }) : () -> ()
    }
    %scan3A_193 = arith.constant 40 : i32
    %barrier3A_194 = arith.constant 0 : index
    tpu.barrier barrier_id(%barrier3A_194)
    "tpu.region"() ({
      %run_scoped3A = tpu.sem_alloc : memref<!tpu.dma_semaphore, #tpu.memory_space<semaphore_mem>>
      %dma_start3A_195 = arith.constant 0 : i32
      %dma_start3A_196 = arith.constant 0 : i32
      %dma_start3A_197 = tpu.memref_slice %arg6[%arg0, %dma_start3A_195, %dma_start3A_196] : memref<2x10112x128xf32, #tpu.memory_space<hbm>> -> memref<1x10112x128xf32, #tpu.memory_space<hbm>>
      %dma_start3A_198 = tpu.memref_squeeze %dma_start3A_197 : memref<1x10112x128xf32, #tpu.memory_space<hbm>> -> memref<10112x128xf32, #tpu.memory_space<hbm>>
      %dma_start3A_199 = arith.constant 0 : i32
      %dma_start3A_200 = tpu.memref_slice %dma_start3A_198[%mul3A_2, %dma_start3A_199] : memref<10112x128xf32, #tpu.memory_space<hbm>> -> memref<632x128xf32, #tpu.memory_space<hbm>>
      %dma_start3A_201 = arith.constant 0 : i32
      %dma_start3A_202 = tpu.memref_slice %arg7[%mul3A_2, %dma_start3A_201] : memref<10112x128xf32, #tpu.memory_space<vmem_shared>> -> memref<632x128xf32, #tpu.memory_space<vmem_shared>>
      tpu.enqueue_dma source(%dma_start3A_202 : memref<632x128xf32, #tpu.memory_space<vmem_shared>>) target(%dma_start3A_200 : memref<632x128xf32, #tpu.memory_space<hbm>>) target_semaphore(%run_scoped3A : memref<!tpu.dma_semaphore, #tpu.memory_space<semaphore_mem>>)
      %dma_wait3A = arith.constant 0 : i32
      %dma_wait3A_203 = arith.constant 0 : i32
      %dma_wait3A_204 = tpu.memref_slice %arg6[%arg0, %dma_wait3A, %dma_wait3A_203] : memref<2x10112x128xf32, #tpu.memory_space<hbm>> -> memref<1x10112x128xf32, #tpu.memory_space<hbm>>
      %dma_wait3A_205 = tpu.memref_squeeze %dma_wait3A_204 : memref<1x10112x128xf32, #tpu.memory_space<hbm>> -> memref<10112x128xf32, #tpu.memory_space<hbm>>
      %dma_wait3A_206 = arith.constant 0 : i32
      %dma_wait3A_207 = tpu.memref_slice %dma_wait3A_205[%mul3A_2, %dma_wait3A_206] : memref<10112x128xf32, #tpu.memory_space<hbm>> -> memref<632x128xf32, #tpu.memory_space<hbm>>
      %dma_wait3A_208 = arith.constant 0 : i32
      %dma_wait3A_209 = tpu.memref_slice %arg7[%mul3A_2, %dma_wait3A_208] : memref<10112x128xf32, #tpu.memory_space<vmem_shared>> -> memref<632x128xf32, #tpu.memory_space<vmem_shared>>
      tpu.wait_dma2 semaphore(%run_scoped3A : memref<!tpu.dma_semaphore, #tpu.memory_space<semaphore_mem>>) src(%dma_wait3A_209 : memref<632x128xf32, #tpu.memory_space<vmem_shared>>) dst(%dma_wait3A_207 : memref<632x128xf32, #tpu.memory_space<hbm>>)
      tpu.yield
    }) : () -> ()
    return
  }
}

#map = affine_map<(d0, d1) -> (0, 0)>
#map1 = affine_map<(d0, d1) -> (0, 0, 0)>
module attributes {stable_mosaic.version = 14 : i64} {
  func.func @_agg_kernel(%arg0: i32, %arg1: i32, %arg2: memref<10000x128xf32, #tpu.memory_space<hbm>>, %arg3: memref<32x40x128xi32, #tpu.memory_space<hbm>>, %arg4: memref<32x40x128xi32, #tpu.memory_space<hbm>>, %arg5: memref<10112x128xf32, #tpu.memory_space<hbm>>, %arg6: memref<2x10112x128xf32, #tpu.memory_space<hbm>>, %arg7: memref<10112x128xf32, #tpu.memory_space<vmem_shared>>, %arg8: memref<40x128xi32, #tpu.memory_space<vmem>>, %arg9: memref<40x128xi32, #tpu.memory_space<vmem>>, %arg10: memref<2x128xi32, #tpu.memory_space<vmem>>, %arg11: memref<2x128xi32, #tpu.memory_space<vmem>>, %arg12: memref<128x128xf32, #tpu.memory_space<vmem>>, %arg13: memref<128x128xf32, #tpu.memory_space<vmem>>, %arg14: memref<!tpu.dma_semaphore, #tpu.memory_space<semaphore_mem>>, %arg15: memref<!tpu.dma_semaphore, #tpu.memory_space<semaphore_mem>>) attributes {dimension_semantics = [#tpu.dimension_semantics<core_parallel>, #tpu.dimension_semantics<subcore_parallel>], iteration_bounds = array<i64: 2, 16>, scalar_prefetch = 0 : i64, scratch_operands = 9 : i64, tpu.core_type = #tpu.core_type<sc_vector_subcore>, window_params = [{transform_indices = #map}, {transform_indices = #map1}, {transform_indices = #map1}, {transform_indices = #map}, {transform_indices = #map1}]} {
    %mul3A = arith.constant 2 : i32
    %mul3A_0 = arith.muli %arg1, %mul3A : i32
    %add3A = arith.addi %mul3A_0, %arg0 : i32
    %mul3A_1 = arith.constant 632 : i32
    %mul3A_2 = arith.muli %arg1, %mul3A_1 : i32
    "tpu.region"() ({
      %run_scoped3A = tpu.sem_alloc : memref<!tpu.dma_semaphore, #tpu.memory_space<semaphore_mem>>
      %dma_start3A_195 = arith.constant 0 : i32
      %dma_start3A_196 = tpu.memref_slice %arg7[%mul3A_2, %dma_start3A_195] : memref<10112x128xf32, #tpu.memory_space<vmem_shared>> -> memref<632x128xf32, #tpu.memory_space<vmem_shared>>
      %dma_start3A_197 = arith.constant 0 : i32
      %dma_start3A_198 = tpu.memref_slice %arg5[%mul3A_2, %dma_start3A_197] : memref<10112x128xf32, #tpu.memory_space<hbm>> -> memref<632x128xf32, #tpu.memory_space<hbm>>
      tpu.enqueue_dma source(%dma_start3A_198 : memref<632x128xf32, #tpu.memory_space<hbm>>) target(%dma_start3A_196 : memref<632x128xf32, #tpu.memory_space<vmem_shared>>) target_semaphore(%run_scoped3A : memref<!tpu.dma_semaphore, #tpu.memory_space<semaphore_mem>>)
      %dma_wait3A = arith.constant 0 : i32
      %dma_wait3A_199 = tpu.memref_slice %arg7[%mul3A_2, %dma_wait3A] : memref<10112x128xf32, #tpu.memory_space<vmem_shared>> -> memref<632x128xf32, #tpu.memory_space<vmem_shared>>
      %dma_wait3A_200 = arith.constant 0 : i32
      %dma_wait3A_201 = tpu.memref_slice %arg5[%mul3A_2, %dma_wait3A_200] : memref<10112x128xf32, #tpu.memory_space<hbm>> -> memref<632x128xf32, #tpu.memory_space<hbm>>
      tpu.wait_dma2 semaphore(%run_scoped3A : memref<!tpu.dma_semaphore, #tpu.memory_space<semaphore_mem>>) src(%dma_wait3A_201 : memref<632x128xf32, #tpu.memory_space<hbm>>) dst(%dma_wait3A_199 : memref<632x128xf32, #tpu.memory_space<vmem_shared>>)
      tpu.yield
    }) : () -> ()
    "tpu.region"() ({
      %run_scoped3A = tpu.sem_alloc : memref<!tpu.dma_semaphore, #tpu.memory_space<semaphore_mem>>
      %dma_start3A_195 = arith.constant 0 : i32
      %dma_start3A_196 = arith.constant 0 : i32
      %dma_start3A_197 = tpu.memref_slice %arg3[%add3A, %dma_start3A_195, %dma_start3A_196] : memref<32x40x128xi32, #tpu.memory_space<hbm>> -> memref<1x40x128xi32, #tpu.memory_space<hbm>>
      %dma_start3A_198 = tpu.memref_squeeze %dma_start3A_197 : memref<1x40x128xi32, #tpu.memory_space<hbm>> -> memref<40x128xi32, #tpu.memory_space<hbm>>
      %dma_start3A_199 = arith.constant 0 : i32
      %dma_start3A_200 = arith.constant 0 : i32
      %dma_start3A_201 = tpu.memref_slice %arg3[%add3A, %dma_start3A_199, %dma_start3A_200] : memref<32x40x128xi32, #tpu.memory_space<hbm>> -> memref<1x40x128xi32, #tpu.memory_space<hbm>>
      %dma_start3A_202 = tpu.memref_squeeze %dma_start3A_201 : memref<1x40x128xi32, #tpu.memory_space<hbm>> -> memref<40x128xi32, #tpu.memory_space<hbm>>
      tpu.enqueue_dma source(%dma_start3A_202 : memref<40x128xi32, #tpu.memory_space<hbm>>) target(%arg8 : memref<40x128xi32, #tpu.memory_space<vmem>>) target_semaphore(%run_scoped3A : memref<!tpu.dma_semaphore, #tpu.memory_space<semaphore_mem>>)
      %dma_wait3A = arith.constant 0 : i32
      %dma_wait3A_203 = arith.constant 0 : i32
      %dma_wait3A_204 = tpu.memref_slice %arg3[%add3A, %dma_wait3A, %dma_wait3A_203] : memref<32x40x128xi32, #tpu.memory_space<hbm>> -> memref<1x40x128xi32, #tpu.memory_space<hbm>>
      %dma_wait3A_205 = tpu.memref_squeeze %dma_wait3A_204 : memref<1x40x128xi32, #tpu.memory_space<hbm>> -> memref<40x128xi32, #tpu.memory_space<hbm>>
      %dma_wait3A_206 = arith.constant 0 : i32
      %dma_wait3A_207 = arith.constant 0 : i32
      %dma_wait3A_208 = tpu.memref_slice %arg3[%add3A, %dma_wait3A_206, %dma_wait3A_207] : memref<32x40x128xi32, #tpu.memory_space<hbm>> -> memref<1x40x128xi32, #tpu.memory_space<hbm>>
      %dma_wait3A_209 = tpu.memref_squeeze %dma_wait3A_208 : memref<1x40x128xi32, #tpu.memory_space<hbm>> -> memref<40x128xi32, #tpu.memory_space<hbm>>
      tpu.wait_dma2 semaphore(%run_scoped3A : memref<!tpu.dma_semaphore, #tpu.memory_space<semaphore_mem>>) src(%dma_wait3A_209 : memref<40x128xi32, #tpu.memory_space<hbm>>) dst(%arg8 : memref<40x128xi32, #tpu.memory_space<vmem>>)
      tpu.yield
    }) : () -> ()
    "tpu.region"() ({
      %run_scoped3A = tpu.sem_alloc : memref<!tpu.dma_semaphore, #tpu.memory_space<semaphore_mem>>
      %dma_start3A_195 = arith.constant 0 : i32
      %dma_start3A_196 = arith.constant 0 : i32
      %dma_start3A_197 = tpu.memref_slice %arg4[%add3A, %dma_start3A_195, %dma_start3A_196] : memref<32x40x128xi32, #tpu.memory_space<hbm>> -> memref<1x40x128xi32, #tpu.memory_space<hbm>>
      %dma_start3A_198 = tpu.memref_squeeze %dma_start3A_197 : memref<1x40x128xi32, #tpu.memory_space<hbm>> -> memref<40x128xi32, #tpu.memory_space<hbm>>
      %dma_start3A_199 = arith.constant 0 : i32
      %dma_start3A_200 = arith.constant 0 : i32
      %dma_start3A_201 = tpu.memref_slice %arg4[%add3A, %dma_start3A_199, %dma_start3A_200] : memref<32x40x128xi32, #tpu.memory_space<hbm>> -> memref<1x40x128xi32, #tpu.memory_space<hbm>>
      %dma_start3A_202 = tpu.memref_squeeze %dma_start3A_201 : memref<1x40x128xi32, #tpu.memory_space<hbm>> -> memref<40x128xi32, #tpu.memory_space<hbm>>
      tpu.enqueue_dma source(%dma_start3A_202 : memref<40x128xi32, #tpu.memory_space<hbm>>) target(%arg9 : memref<40x128xi32, #tpu.memory_space<vmem>>) target_semaphore(%run_scoped3A : memref<!tpu.dma_semaphore, #tpu.memory_space<semaphore_mem>>)
      %dma_wait3A = arith.constant 0 : i32
      %dma_wait3A_203 = arith.constant 0 : i32
      %dma_wait3A_204 = tpu.memref_slice %arg4[%add3A, %dma_wait3A, %dma_wait3A_203] : memref<32x40x128xi32, #tpu.memory_space<hbm>> -> memref<1x40x128xi32, #tpu.memory_space<hbm>>
      %dma_wait3A_205 = tpu.memref_squeeze %dma_wait3A_204 : memref<1x40x128xi32, #tpu.memory_space<hbm>> -> memref<40x128xi32, #tpu.memory_space<hbm>>
      %dma_wait3A_206 = arith.constant 0 : i32
      %dma_wait3A_207 = arith.constant 0 : i32
      %dma_wait3A_208 = tpu.memref_slice %arg4[%add3A, %dma_wait3A_206, %dma_wait3A_207] : memref<32x40x128xi32, #tpu.memory_space<hbm>> -> memref<1x40x128xi32, #tpu.memory_space<hbm>>
      %dma_wait3A_209 = tpu.memref_squeeze %dma_wait3A_208 : memref<1x40x128xi32, #tpu.memory_space<hbm>> -> memref<40x128xi32, #tpu.memory_space<hbm>>
      tpu.wait_dma2 semaphore(%run_scoped3A : memref<!tpu.dma_semaphore, #tpu.memory_space<semaphore_mem>>) src(%dma_wait3A_209 : memref<40x128xi32, #tpu.memory_space<hbm>>) dst(%arg9 : memref<40x128xi32, #tpu.memory_space<vmem>>)
      tpu.yield
    }) : () -> ()
    %barrier3A = arith.constant 0 : index
    tpu.barrier barrier_id(%barrier3A)
    %get3A = arith.constant 0 : i32
    %get3A_3 = arith.index_cast %get3A : i32 to index
    %get3A_4 = arith.constant 0 : index
    %get3A_5 = tpu.vector_load %arg8[%get3A_3, %get3A_4] {strides = array<i32>} : memref<40x128xi32, #tpu.memory_space<vmem>>, vector<1x16xi32>,
    %get3A_6 = vector.shape_cast %get3A_5 : vector<1x16xi32> to vector<16xi32>
    %get3A_7 = arith.constant 0 : i32
    %get3A_8 = arith.index_cast %get3A_7 : i32 to index
    %get3A_9 = arith.constant 0 : index
    %get3A_10 = tpu.vector_load %arg9[%get3A_8, %get3A_9] {strides = array<i32>} : memref<40x128xi32, #tpu.memory_space<vmem>>, vector<1x16xi32>,
    %get3A_11 = vector.shape_cast %get3A_10 : vector<1x16xi32> to vector<16xi32>
    %and3A = arith.constant 65535 : i32
    %and3A_12 = vector.broadcast %and3A : i32 to vector<16xi32>
    %and3A_13 = arith.andi %get3A_6, %and3A_12 : vector<16xi32>
    %swap3A = arith.constant 0 : i32
    %swap3A_14 = arith.index_cast %swap3A : i32 to index
    %swap3A_15 = arith.constant 0 : index
    %swap3A_16 = tpu.vector_load %arg10[%swap3A_14, %swap3A_15] {strides = array<i32>} : memref<2x128xi32, #tpu.memory_space<vmem>>, vector<1x16xi32>,
    %swap3A_17 = vector.shape_cast %swap3A_16 : vector<1x16xi32> to vector<16xi32>
    %swap3A_18 = vector.shape_cast %and3A_13 : vector<16xi32> to vector<1x16xi32>
    tpu.vector_store %arg10[%swap3A_14, %swap3A_15], %swap3A_18 {strides = array<i32>} : memref<2x128xi32, #tpu.memory_space<vmem>>, vector<1x16xi32>,
    %shift_right_logical3A = arith.constant 16 : i32
    %shift_right_logical3A_19 = vector.broadcast %shift_right_logical3A : i32 to vector<16xi32>
    %shift_right_logical3A_20 = arith.shrui %get3A_6, %shift_right_logical3A_19 : vector<16xi32>
    %swap3A_21 = arith.constant 0 : i32
    %swap3A_22 = arith.index_cast %swap3A_21 : i32 to index
    %swap3A_23 = arith.constant 16 : index
    %swap3A_24 = tpu.vector_load %arg10[%swap3A_22, %swap3A_23] {strides = array<i32>} : memref<2x128xi32, #tpu.memory_space<vmem>>, vector<1x16xi32>,
    %swap3A_25 = vector.shape_cast %swap3A_24 : vector<1x16xi32> to vector<16xi32>
    %swap3A_26 = vector.shape_cast %shift_right_logical3A_20 : vector<16xi32> to vector<1x16xi32>
    tpu.vector_store %arg10[%swap3A_22, %swap3A_23], %swap3A_26 {strides = array<i32>} : memref<2x128xi32, #tpu.memory_space<vmem>>, vector<1x16xi32>,
    %and3A_27 = arith.constant 65535 : i32
    %and3A_28 = vector.broadcast %and3A_27 : i32 to vector<16xi32>
    %and3A_29 = arith.andi %get3A_11, %and3A_28 : vector<16xi32>
    %swap3A_30 = arith.constant 0 : i32
    %swap3A_31 = arith.index_cast %swap3A_30 : i32 to index
    %swap3A_32 = arith.constant 0 : index
    %swap3A_33 = tpu.vector_load %arg11[%swap3A_31, %swap3A_32] {strides = array<i32>} : memref<2x128xi32, #tpu.memory_space<vmem>>, vector<1x16xi32>,
    %swap3A_34 = vector.shape_cast %swap3A_33 : vector<1x16xi32> to vector<16xi32>
    %swap3A_35 = vector.shape_cast %and3A_29 : vector<16xi32> to vector<1x16xi32>
    tpu.vector_store %arg11[%swap3A_31, %swap3A_32], %swap3A_35 {strides = array<i32>} : memref<2x128xi32, #tpu.memory_space<vmem>>, vector<1x16xi32>,
    %shift_right_logical3A_36 = arith.constant 16 : i32
    %shift_right_logical3A_37 = vector.broadcast %shift_right_logical3A_36 : i32 to vector<16xi32>
    %shift_right_logical3A_38 = arith.shrui %get3A_11, %shift_right_logical3A_37 : vector<16xi32>
    %swap3A_39 = arith.constant 0 : i32
    %swap3A_40 = arith.index_cast %swap3A_39 : i32 to index
    %swap3A_41 = arith.constant 16 : index
    %swap3A_42 = tpu.vector_load %arg11[%swap3A_40, %swap3A_41] {strides = array<i32>} : memref<2x128xi32, #tpu.memory_space<vmem>>, vector<1x16xi32>,
    %swap3A_43 = vector.shape_cast %swap3A_42 : vector<1x16xi32> to vector<16xi32>
    %swap3A_44 = vector.shape_cast %shift_right_logical3A_38 : vector<16xi32> to vector<1x16xi32>
    tpu.vector_store %arg11[%swap3A_40, %swap3A_41], %swap3A_44 {strides = array<i32>} : memref<2x128xi32, #tpu.memory_space<vmem>>, vector<1x16xi32>,
    %get3A_45 = arith.constant 0 : i32
    %get3A_46 = arith.index_cast %get3A_45 : i32 to index
    %get3A_47 = arith.constant 16 : index
    %get3A_48 = tpu.vector_load %arg8[%get3A_46, %get3A_47] {strides = array<i32>} : memref<40x128xi32, #tpu.memory_space<vmem>>, vector<1x16xi32>,
    %get3A_49 = vector.shape_cast %get3A_48 : vector<1x16xi32> to vector<16xi32>
    %get3A_50 = arith.constant 0 : i32
    %get3A_51 = arith.index_cast %get3A_50 : i32 to index
    %get3A_52 = arith.constant 16 : index
    %get3A_53 = tpu.vector_load %arg9[%get3A_51, %get3A_52] {strides = array<i32>} : memref<40x128xi32, #tpu.memory_space<vmem>>, vector<1x16xi32>,
    %get3A_54 = vector.shape_cast %get3A_53 : vector<1x16xi32> to vector<16xi32>
    %and3A_55 = arith.constant 65535 : i32
    %and3A_56 = vector.broadcast %and3A_55 : i32 to vector<16xi32>
    %and3A_57 = arith.andi %get3A_49, %and3A_56 : vector<16xi32>
    %swap3A_58 = arith.constant 0 : i32
    %swap3A_59 = arith.index_cast %swap3A_58 : i32 to index
    %swap3A_60 = arith.constant 32 : index
    %swap3A_61 = tpu.vector_load %arg10[%swap3A_59, %swap3A_60] {strides = array<i32>} : memref<2x128xi32, #tpu.memory_space<vmem>>, vector<1x16xi32>,
    %swap3A_62 = vector.shape_cast %swap3A_61 : vector<1x16xi32> to vector<16xi32>
    %swap3A_63 = vector.shape_cast %and3A_57 : vector<16xi32> to vector<1x16xi32>
    tpu.vector_store %arg10[%swap3A_59, %swap3A_60], %swap3A_63 {strides = array<i32>} : memref<2x128xi32, #tpu.memory_space<vmem>>, vector<1x16xi32>,
    %shift_right_logical3A_64 = arith.constant 16 : i32
    %shift_right_logical3A_65 = vector.broadcast %shift_right_logical3A_64 : i32 to vector<16xi32>
    %shift_right_logical3A_66 = arith.shrui %get3A_49, %shift_right_logical3A_65 : vector<16xi32>
    %swap3A_67 = arith.constant 0 : i32
    %swap3A_68 = arith.index_cast %swap3A_67 : i32 to index
    %swap3A_69 = arith.constant 48 : index
    %swap3A_70 = tpu.vector_load %arg10[%swap3A_68, %swap3A_69] {strides = array<i32>} : memref<2x128xi32, #tpu.memory_space<vmem>>, vector<1x16xi32>,
    %swap3A_71 = vector.shape_cast %swap3A_70 : vector<1x16xi32> to vector<16xi32>
    %swap3A_72 = vector.shape_cast %shift_right_logical3A_66 : vector<16xi32> to vector<1x16xi32>
    tpu.vector_store %arg10[%swap3A_68, %swap3A_69], %swap3A_72 {strides = array<i32>} : memref<2x128xi32, #tpu.memory_space<vmem>>, vector<1x16xi32>,
    %and3A_73 = arith.constant 65535 : i32
    %and3A_74 = vector.broadcast %and3A_73 : i32 to vector<16xi32>
    %and3A_75 = arith.andi %get3A_54, %and3A_74 : vector<16xi32>
    %swap3A_76 = arith.constant 0 : i32
    %swap3A_77 = arith.index_cast %swap3A_76 : i32 to index
    %swap3A_78 = arith.constant 32 : index
    %swap3A_79 = tpu.vector_load %arg11[%swap3A_77, %swap3A_78] {strides = array<i32>} : memref<2x128xi32, #tpu.memory_space<vmem>>, vector<1x16xi32>,
    %swap3A_80 = vector.shape_cast %swap3A_79 : vector<1x16xi32> to vector<16xi32>
    %swap3A_81 = vector.shape_cast %and3A_75 : vector<16xi32> to vector<1x16xi32>
    tpu.vector_store %arg11[%swap3A_77, %swap3A_78], %swap3A_81 {strides = array<i32>} : memref<2x128xi32, #tpu.memory_space<vmem>>, vector<1x16xi32>,
    %shift_right_logical3A_82 = arith.constant 16 : i32
    %shift_right_logical3A_83 = vector.broadcast %shift_right_logical3A_82 : i32 to vector<16xi32>
    %shift_right_logical3A_84 = arith.shrui %get3A_54, %shift_right_logical3A_83 : vector<16xi32>
    %swap3A_85 = arith.constant 0 : i32
    %swap3A_86 = arith.index_cast %swap3A_85 : i32 to index
    %swap3A_87 = arith.constant 48 : index
    %swap3A_88 = tpu.vector_load %arg11[%swap3A_86, %swap3A_87] {strides = array<i32>} : memref<2x128xi32, #tpu.memory_space<vmem>>, vector<1x16xi32>,
    %swap3A_89 = vector.shape_cast %swap3A_88 : vector<1x16xi32> to vector<16xi32>
    %swap3A_90 = vector.shape_cast %shift_right_logical3A_84 : vector<16xi32> to vector<1x16xi32>
    tpu.vector_store %arg11[%swap3A_86, %swap3A_87], %swap3A_90 {strides = array<i32>} : memref<2x128xi32, #tpu.memory_space<vmem>>, vector<1x16xi32>,
    %get3A_91 = arith.constant 0 : i32
    %get3A_92 = arith.index_cast %get3A_91 : i32 to index
    %get3A_93 = arith.constant 32 : index
    %get3A_94 = tpu.vector_load %arg8[%get3A_92, %get3A_93] {strides = array<i32>} : memref<40x128xi32, #tpu.memory_space<vmem>>, vector<1x16xi32>,
    %get3A_95 = vector.shape_cast %get3A_94 : vector<1x16xi32> to vector<16xi32>
    %get3A_96 = arith.constant 0 : i32
    %get3A_97 = arith.index_cast %get3A_96 : i32 to index
    %get3A_98 = arith.constant 32 : index
    %get3A_99 = tpu.vector_load %arg9[%get3A_97, %get3A_98] {strides = array<i32>} : memref<40x128xi32, #tpu.memory_space<vmem>>, vector<1x16xi32>,
    %get3A_100 = vector.shape_cast %get3A_99 : vector<1x16xi32> to vector<16xi32>
    %and3A_101 = arith.constant 65535 : i32
    %and3A_102 = vector.broadcast %and3A_101 : i32 to vector<16xi32>
    %and3A_103 = arith.andi %get3A_95, %and3A_102 : vector<16xi32>
    %swap3A_104 = arith.constant 0 : i32
    %swap3A_105 = arith.index_cast %swap3A_104 : i32 to index
    %swap3A_106 = arith.constant 64 : index
    %swap3A_107 = tpu.vector_load %arg10[%swap3A_105, %swap3A_106] {strides = array<i32>} : memref<2x128xi32, #tpu.memory_space<vmem>>, vector<1x16xi32>,
    %swap3A_108 = vector.shape_cast %swap3A_107 : vector<1x16xi32> to vector<16xi32>
    %swap3A_109 = vector.shape_cast %and3A_103 : vector<16xi32> to vector<1x16xi32>
    tpu.vector_store %arg10[%swap3A_105, %swap3A_106], %swap3A_109 {strides = array<i32>} : memref<2x128xi32, #tpu.memory_space<vmem>>, vector<1x16xi32>,
    %shift_right_logical3A_110 = arith.constant 16 : i32
    %shift_right_logical3A_111 = vector.broadcast %shift_right_logical3A_110 : i32 to vector<16xi32>
    %shift_right_logical3A_112 = arith.shrui %get3A_95, %shift_right_logical3A_111 : vector<16xi32>
    %swap3A_113 = arith.constant 0 : i32
    %swap3A_114 = arith.index_cast %swap3A_113 : i32 to index
    %swap3A_115 = arith.constant 80 : index
    %swap3A_116 = tpu.vector_load %arg10[%swap3A_114, %swap3A_115] {strides = array<i32>} : memref<2x128xi32, #tpu.memory_space<vmem>>, vector<1x16xi32>,
    %swap3A_117 = vector.shape_cast %swap3A_116 : vector<1x16xi32> to vector<16xi32>
    %swap3A_118 = vector.shape_cast %shift_right_logical3A_112 : vector<16xi32> to vector<1x16xi32>
    tpu.vector_store %arg10[%swap3A_114, %swap3A_115], %swap3A_118 {strides = array<i32>} : memref<2x128xi32, #tpu.memory_space<vmem>>, vector<1x16xi32>,
    %and3A_119 = arith.constant 65535 : i32
    %and3A_120 = vector.broadcast %and3A_119 : i32 to vector<16xi32>
    %and3A_121 = arith.andi %get3A_100, %and3A_120 : vector<16xi32>
    %swap3A_122 = arith.constant 0 : i32
    %swap3A_123 = arith.index_cast %swap3A_122 : i32 to index
    %swap3A_124 = arith.constant 64 : index
    %swap3A_125 = tpu.vector_load %arg11[%swap3A_123, %swap3A_124] {strides = array<i32>} : memref<2x128xi32, #tpu.memory_space<vmem>>, vector<1x16xi32>,
    %swap3A_126 = vector.shape_cast %swap3A_125 : vector<1x16xi32> to vector<16xi32>
    %swap3A_127 = vector.shape_cast %and3A_121 : vector<16xi32> to vector<1x16xi32>
    tpu.vector_store %arg11[%swap3A_123, %swap3A_124], %swap3A_127 {strides = array<i32>} : memref<2x128xi32, #tpu.memory_space<vmem>>, vector<1x16xi32>,
    %shift_right_logical3A_128 = arith.constant 16 : i32
    %shift_right_logical3A_129 = vector.broadcast %shift_right_logical3A_128 : i32 to vector<16xi32>
    %shift_right_logical3A_130 = arith.shrui %get3A_100, %shift_right_logical3A_129 : vector<16xi32>
    %swap3A_131 = arith.constant 0 : i32
    %swap3A_132 = arith.index_cast %swap3A_131 : i32 to index
    %swap3A_133 = arith.constant 80 : index
    %swap3A_134 = tpu.vector_load %arg11[%swap3A_132, %swap3A_133] {strides = array<i32>} : memref<2x128xi32, #tpu.memory_space<vmem>>, vector<1x16xi32>,
    %swap3A_135 = vector.shape_cast %swap3A_134 : vector<1x16xi32> to vector<16xi32>
    %swap3A_136 = vector.shape_cast %shift_right_logical3A_130 : vector<16xi32> to vector<1x16xi32>
    tpu.vector_store %arg11[%swap3A_132, %swap3A_133], %swap3A_136 {strides = array<i32>} : memref<2x128xi32, #tpu.memory_space<vmem>>, vector<1x16xi32>,
    %get3A_137 = arith.constant 0 : i32
    %get3A_138 = arith.index_cast %get3A_137 : i32 to index
    %get3A_139 = arith.constant 48 : index
    %get3A_140 = tpu.vector_load %arg8[%get3A_138, %get3A_139] {strides = array<i32>} : memref<40x128xi32, #tpu.memory_space<vmem>>, vector<1x16xi32>,
    %get3A_141 = vector.shape_cast %get3A_140 : vector<1x16xi32> to vector<16xi32>
    %get3A_142 = arith.constant 0 : i32
    %get3A_143 = arith.index_cast %get3A_142 : i32 to index
    %get3A_144 = arith.constant 48 : index
    %get3A_145 = tpu.vector_load %arg9[%get3A_143, %get3A_144] {strides = array<i32>} : memref<40x128xi32, #tpu.memory_space<vmem>>, vector<1x16xi32>,
    %get3A_146 = vector.shape_cast %get3A_145 : vector<1x16xi32> to vector<16xi32>
    %and3A_147 = arith.constant 65535 : i32
    %and3A_148 = vector.broadcast %and3A_147 : i32 to vector<16xi32>
    %and3A_149 = arith.andi %get3A_141, %and3A_148 : vector<16xi32>
    %swap3A_150 = arith.constant 0 : i32
    %swap3A_151 = arith.index_cast %swap3A_150 : i32 to index
    %swap3A_152 = arith.constant 96 : index
    %swap3A_153 = tpu.vector_load %arg10[%swap3A_151, %swap3A_152] {strides = array<i32>} : memref<2x128xi32, #tpu.memory_space<vmem>>, vector<1x16xi32>,
    %swap3A_154 = vector.shape_cast %swap3A_153 : vector<1x16xi32> to vector<16xi32>
    %swap3A_155 = vector.shape_cast %and3A_149 : vector<16xi32> to vector<1x16xi32>
    tpu.vector_store %arg10[%swap3A_151, %swap3A_152], %swap3A_155 {strides = array<i32>} : memref<2x128xi32, #tpu.memory_space<vmem>>, vector<1x16xi32>,
    %shift_right_logical3A_156 = arith.constant 16 : i32
    %shift_right_logical3A_157 = vector.broadcast %shift_right_logical3A_156 : i32 to vector<16xi32>
    %shift_right_logical3A_158 = arith.shrui %get3A_141, %shift_right_logical3A_157 : vector<16xi32>
    %swap3A_159 = arith.constant 0 : i32
    %swap3A_160 = arith.index_cast %swap3A_159 : i32 to index
    %swap3A_161 = arith.constant 112 : index
    %swap3A_162 = tpu.vector_load %arg10[%swap3A_160, %swap3A_161] {strides = array<i32>} : memref<2x128xi32, #tpu.memory_space<vmem>>, vector<1x16xi32>,
    %swap3A_163 = vector.shape_cast %swap3A_162 : vector<1x16xi32> to vector<16xi32>
    %swap3A_164 = vector.shape_cast %shift_right_logical3A_158 : vector<16xi32> to vector<1x16xi32>
    tpu.vector_store %arg10[%swap3A_160, %swap3A_161], %swap3A_164 {strides = array<i32>} : memref<2x128xi32, #tpu.memory_space<vmem>>, vector<1x16xi32>,
    %and3A_165 = arith.constant 65535 : i32
    %and3A_166 = vector.broadcast %and3A_165 : i32 to vector<16xi32>
    %and3A_167 = arith.andi %get3A_146, %and3A_166 : vector<16xi32>
    %swap3A_168 = arith.constant 0 : i32
    %swap3A_169 = arith.index_cast %swap3A_168 : i32 to index
    %swap3A_170 = arith.constant 96 : index
    %swap3A_171 = tpu.vector_load %arg11[%swap3A_169, %swap3A_170] {strides = array<i32>} : memref<2x128xi32, #tpu.memory_space<vmem>>, vector<1x16xi32>,
    %swap3A_172 = vector.shape_cast %swap3A_171 : vector<1x16xi32> to vector<16xi32>
    %swap3A_173 = vector.shape_cast %and3A_167 : vector<16xi32> to vector<1x16xi32>
    tpu.vector_store %arg11[%swap3A_169, %swap3A_170], %swap3A_173 {strides = array<i32>} : memref<2x128xi32, #tpu.memory_space<vmem>>, vector<1x16xi32>,
    %shift_right_logical3A_174 = arith.constant 16 : i32
    %shift_right_logical3A_175 = vector.broadcast %shift_right_logical3A_174 : i32 to vector<16xi32>
    %shift_right_logical3A_176 = arith.shrui %get3A_146, %shift_right_logical3A_175 : vector<16xi32>
    %swap3A_177 = arith.constant 0 : i32
    %swap3A_178 = arith.index_cast %swap3A_177 : i32 to index
    %swap3A_179 = arith.constant 112 : index
    %swap3A_180 = tpu.vector_load %arg11[%swap3A_178, %swap3A_179] {strides = array<i32>} : memref<2x128xi32, #tpu.memory_space<vmem>>, vector<1x16xi32>,
    %swap3A_181 = vector.shape_cast %swap3A_180 : vector<1x16xi32> to vector<16xi32>
    %swap3A_182 = vector.shape_cast %shift_right_logical3A_176 : vector<16xi32> to vector<1x16xi32>
    tpu.vector_store %arg11[%swap3A_178, %swap3A_179], %swap3A_182 {strides = array<i32>} : memref<2x128xi32, #tpu.memory_space<vmem>>, vector<1x16xi32>,
    %dma_start3A = arith.constant 0 : i32
    %dma_start3A_183 = arith.constant 0 : i32
    %dma_start3A_184 = tpu.memref_slice %arg10[%dma_start3A, %dma_start3A_183] : memref<2x128xi32, #tpu.memory_space<vmem>> -> memref<1x128xi32, #tpu.memory_space<vmem>>
    %dma_start3A_185 = tpu.memref_squeeze %dma_start3A_184 : memref<1x128xi32, #tpu.memory_space<vmem>> -> memref<128xi32, #tpu.memory_space<vmem>>
    %dma_start3A_186 = arith.constant 0 : i32
    %dma_start3A_187 = arith.constant 0 : i32
    %dma_start3A_188 = tpu.memref_slice %arg2[%dma_start3A_186, %dma_start3A_187] : memref<10000x128xf32, #tpu.memory_space<hbm>> -> memref<10000x128xf32, #tpu.memory_space<hbm>>
    tpu.enqueue_indirect_dma source(%dma_start3A_188 : memref<10000x128xf32, #tpu.memory_space<hbm>>) target(%arg12 : memref<128x128xf32, #tpu.memory_space<vmem>>) offsets(%dma_start3A_185 : memref<128xi32, #tpu.memory_space<vmem>>) semaphore(%arg14 : memref<!tpu.dma_semaphore, #tpu.memory_space<semaphore_mem>>)
    %scan3A = arith.constant 0 : i32
    %scan3A_189 = arith.constant 0 : i32
    %scan3A_190 = arith.constant 40 : i32
    %scan3A_191 = arith.addi %scan3A_189, %scan3A_190 : i32
    %scan3A_192 = arith.constant 1 : i32
    scf.for %scan3A_195 = %scan3A_189 to %scan3A_191 step %scan3A_192  : i32 {
      %get3A_196 = arith.index_cast %scan3A_195 : i32 to index
      %get3A_197 = arith.constant 64 : index
      %get3A_198 = tpu.vector_load %arg8[%get3A_196, %get3A_197] {strides = array<i32>} : memref<40x128xi32, #tpu.memory_space<vmem>>, vector<1x16xi32>,
      %get3A_199 = vector.shape_cast %get3A_198 : vector<1x16xi32> to vector<16xi32>
      %get3A_200 = arith.index_cast %scan3A_195 : i32 to index
      %get3A_201 = arith.constant 64 : index
      %get3A_202 = tpu.vector_load %arg9[%get3A_200, %get3A_201] {strides = array<i32>} : memref<40x128xi32, #tpu.memory_space<vmem>>, vector<1x16xi32>,
      %get3A_203 = vector.shape_cast %get3A_202 : vector<1x16xi32> to vector<16xi32>
      %and3A_204 = arith.constant 65535 : i32
      %and3A_205 = vector.broadcast %and3A_204 : i32 to vector<16xi32>
      %and3A_206 = arith.andi %get3A_199, %and3A_205 : vector<16xi32>
      %swap3A_207 = arith.constant 1 : i32
      %swap3A_208 = arith.index_cast %swap3A_207 : i32 to index
      %swap3A_209 = arith.constant 0 : index
      %swap3A_210 = tpu.vector_load %arg10[%swap3A_208, %swap3A_209] {strides = array<i32>} : memref<2x128xi32, #tpu.memory_space<vmem>>, vector<1x16xi32>,
      %swap3A_211 = vector.shape_cast %swap3A_210 : vector<1x16xi32> to vector<16xi32>
      %swap3A_212 = vector.shape_cast %and3A_206 : vector<16xi32> to vector<1x16xi32>
      tpu.vector_store %arg10[%swap3A_208, %swap3A_209], %swap3A_212 {strides = array<i32>} : memref<2x128xi32, #tpu.memory_space<vmem>>, vector<1x16xi32>,
      %shift_right_logical3A_213 = arith.constant 16 : i32
      %shift_right_logical3A_214 = vector.broadcast %shift_right_logical3A_213 : i32 to vector<16xi32>
      %shift_right_logical3A_215 = arith.shrui %get3A_199, %shift_right_logical3A_214 : vector<16xi32>
      %swap3A_216 = arith.constant 1 : i32
      %swap3A_217 = arith.index_cast %swap3A_216 : i32 to index
      %swap3A_218 = arith.constant 16 : index
      %swap3A_219 = tpu.vector_load %arg10[%swap3A_217, %swap3A_218] {strides = array<i32>} : memref<2x128xi32, #tpu.memory_space<vmem>>, vector<1x16xi32>,
      %swap3A_220 = vector.shape_cast %swap3A_219 : vector<1x16xi32> to vector<16xi32>
      %swap3A_221 = vector.shape_cast %shift_right_logical3A_215 : vector<16xi32> to vector<1x16xi32>
      tpu.vector_store %arg10[%swap3A_217, %swap3A_218], %swap3A_221 {strides = array<i32>} : memref<2x128xi32, #tpu.memory_space<vmem>>, vector<1x16xi32>,
      %and3A_222 = arith.constant 65535 : i32
      %and3A_223 = vector.broadcast %and3A_222 : i32 to vector<16xi32>
      %and3A_224 = arith.andi %get3A_203, %and3A_223 : vector<16xi32>
      %swap3A_225 = arith.constant 1 : i32
      %swap3A_226 = arith.index_cast %swap3A_225 : i32 to index
      %swap3A_227 = arith.constant 0 : index
      %swap3A_228 = tpu.vector_load %arg11[%swap3A_226, %swap3A_227] {strides = array<i32>} : memref<2x128xi32, #tpu.memory_space<vmem>>, vector<1x16xi32>,
      %swap3A_229 = vector.shape_cast %swap3A_228 : vector<1x16xi32> to vector<16xi32>
      %swap3A_230 = vector.shape_cast %and3A_224 : vector<16xi32> to vector<1x16xi32>
      tpu.vector_store %arg11[%swap3A_226, %swap3A_227], %swap3A_230 {strides = array<i32>} : memref<2x128xi32, #tpu.memory_space<vmem>>, vector<1x16xi32>,
      %shift_right_logical3A_231 = arith.constant 16 : i32
      %shift_right_logical3A_232 = vector.broadcast %shift_right_logical3A_231 : i32 to vector<16xi32>
      %shift_right_logical3A_233 = arith.shrui %get3A_203, %shift_right_logical3A_232 : vector<16xi32>
      %swap3A_234 = arith.constant 1 : i32
      %swap3A_235 = arith.index_cast %swap3A_234 : i32 to index
      %swap3A_236 = arith.constant 16 : index
      %swap3A_237 = tpu.vector_load %arg11[%swap3A_235, %swap3A_236] {strides = array<i32>} : memref<2x128xi32, #tpu.memory_space<vmem>>, vector<1x16xi32>,
      %swap3A_238 = vector.shape_cast %swap3A_237 : vector<1x16xi32> to vector<16xi32>
      %swap3A_239 = vector.shape_cast %shift_right_logical3A_233 : vector<16xi32> to vector<1x16xi32>
      tpu.vector_store %arg11[%swap3A_235, %swap3A_236], %swap3A_239 {strides = array<i32>} : memref<2x128xi32, #tpu.memory_space<vmem>>, vector<1x16xi32>,
      %get3A_240 = arith.index_cast %scan3A_195 : i32 to index
      %get3A_241 = arith.constant 80 : index
      %get3A_242 = tpu.vector_load %arg8[%get3A_240, %get3A_241] {strides = array<i32>} : memref<40x128xi32, #tpu.memory_space<vmem>>, vector<1x16xi32>,
      %get3A_243 = vector.shape_cast %get3A_242 : vector<1x16xi32> to vector<16xi32>
      %get3A_244 = arith.index_cast %scan3A_195 : i32 to index
      %get3A_245 = arith.constant 80 : index
      %get3A_246 = tpu.vector_load %arg9[%get3A_244, %get3A_245] {strides = array<i32>} : memref<40x128xi32, #tpu.memory_space<vmem>>, vector<1x16xi32>,
      %get3A_247 = vector.shape_cast %get3A_246 : vector<1x16xi32> to vector<16xi32>
      %and3A_248 = arith.constant 65535 : i32
      %and3A_249 = vector.broadcast %and3A_248 : i32 to vector<16xi32>
      %and3A_250 = arith.andi %get3A_243, %and3A_249 : vector<16xi32>
      %swap3A_251 = arith.constant 1 : i32
      %swap3A_252 = arith.index_cast %swap3A_251 : i32 to index
      %swap3A_253 = arith.constant 32 : index
      %swap3A_254 = tpu.vector_load %arg10[%swap3A_252, %swap3A_253] {strides = array<i32>} : memref<2x128xi32, #tpu.memory_space<vmem>>, vector<1x16xi32>,
      %swap3A_255 = vector.shape_cast %swap3A_254 : vector<1x16xi32> to vector<16xi32>
      %swap3A_256 = vector.shape_cast %and3A_250 : vector<16xi32> to vector<1x16xi32>
      tpu.vector_store %arg10[%swap3A_252, %swap3A_253], %swap3A_256 {strides = array<i32>} : memref<2x128xi32, #tpu.memory_space<vmem>>, vector<1x16xi32>,
      %shift_right_logical3A_257 = arith.constant 16 : i32
      %shift_right_logical3A_258 = vector.broadcast %shift_right_logical3A_257 : i32 to vector<16xi32>
      %shift_right_logical3A_259 = arith.shrui %get3A_243, %shift_right_logical3A_258 : vector<16xi32>
      %swap3A_260 = arith.constant 1 : i32
      %swap3A_261 = arith.index_cast %swap3A_260 : i32 to index
      %swap3A_262 = arith.constant 48 : index
      %swap3A_263 = tpu.vector_load %arg10[%swap3A_261, %swap3A_262] {strides = array<i32>} : memref<2x128xi32, #tpu.memory_space<vmem>>, vector<1x16xi32>,
      %swap3A_264 = vector.shape_cast %swap3A_263 : vector<1x16xi32> to vector<16xi32>
      %swap3A_265 = vector.shape_cast %shift_right_logical3A_259 : vector<16xi32> to vector<1x16xi32>
      tpu.vector_store %arg10[%swap3A_261, %swap3A_262], %swap3A_265 {strides = array<i32>} : memref<2x128xi32, #tpu.memory_space<vmem>>, vector<1x16xi32>,
      %and3A_266 = arith.constant 65535 : i32
      %and3A_267 = vector.broadcast %and3A_266 : i32 to vector<16xi32>
      %and3A_268 = arith.andi %get3A_247, %and3A_267 : vector<16xi32>
      %swap3A_269 = arith.constant 1 : i32
      %swap3A_270 = arith.index_cast %swap3A_269 : i32 to index
      %swap3A_271 = arith.constant 32 : index
      %swap3A_272 = tpu.vector_load %arg11[%swap3A_270, %swap3A_271] {strides = array<i32>} : memref<2x128xi32, #tpu.memory_space<vmem>>, vector<1x16xi32>,
      %swap3A_273 = vector.shape_cast %swap3A_272 : vector<1x16xi32> to vector<16xi32>
      %swap3A_274 = vector.shape_cast %and3A_268 : vector<16xi32> to vector<1x16xi32>
      tpu.vector_store %arg11[%swap3A_270, %swap3A_271], %swap3A_274 {strides = array<i32>} : memref<2x128xi32, #tpu.memory_space<vmem>>, vector<1x16xi32>,
      %shift_right_logical3A_275 = arith.constant 16 : i32
      %shift_right_logical3A_276 = vector.broadcast %shift_right_logical3A_275 : i32 to vector<16xi32>
      %shift_right_logical3A_277 = arith.shrui %get3A_247, %shift_right_logical3A_276 : vector<16xi32>
      %swap3A_278 = arith.constant 1 : i32
      %swap3A_279 = arith.index_cast %swap3A_278 : i32 to index
      %swap3A_280 = arith.constant 48 : index
      %swap3A_281 = tpu.vector_load %arg11[%swap3A_279, %swap3A_280] {strides = array<i32>} : memref<2x128xi32, #tpu.memory_space<vmem>>, vector<1x16xi32>,
      %swap3A_282 = vector.shape_cast %swap3A_281 : vector<1x16xi32> to vector<16xi32>
      %swap3A_283 = vector.shape_cast %shift_right_logical3A_277 : vector<16xi32> to vector<1x16xi32>
      tpu.vector_store %arg11[%swap3A_279, %swap3A_280], %swap3A_283 {strides = array<i32>} : memref<2x128xi32, #tpu.memory_space<vmem>>, vector<1x16xi32>,
      %get3A_284 = arith.index_cast %scan3A_195 : i32 to index
      %get3A_285 = arith.constant 96 : index
      %get3A_286 = tpu.vector_load %arg8[%get3A_284, %get3A_285] {strides = array<i32>} : memref<40x128xi32, #tpu.memory_space<vmem>>, vector<1x16xi32>,
      %get3A_287 = vector.shape_cast %get3A_286 : vector<1x16xi32> to vector<16xi32>
      %get3A_288 = arith.index_cast %scan3A_195 : i32 to index
      %get3A_289 = arith.constant 96 : index
      %get3A_290 = tpu.vector_load %arg9[%get3A_288, %get3A_289] {strides = array<i32>} : memref<40x128xi32, #tpu.memory_space<vmem>>, vector<1x16xi32>,
      %get3A_291 = vector.shape_cast %get3A_290 : vector<1x16xi32> to vector<16xi32>
      %and3A_292 = arith.constant 65535 : i32
      %and3A_293 = vector.broadcast %and3A_292 : i32 to vector<16xi32>
      %and3A_294 = arith.andi %get3A_287, %and3A_293 : vector<16xi32>
      %swap3A_295 = arith.constant 1 : i32
      %swap3A_296 = arith.index_cast %swap3A_295 : i32 to index
      %swap3A_297 = arith.constant 64 : index
      %swap3A_298 = tpu.vector_load %arg10[%swap3A_296, %swap3A_297] {strides = array<i32>} : memref<2x128xi32, #tpu.memory_space<vmem>>, vector<1x16xi32>,
      %swap3A_299 = vector.shape_cast %swap3A_298 : vector<1x16xi32> to vector<16xi32>
      %swap3A_300 = vector.shape_cast %and3A_294 : vector<16xi32> to vector<1x16xi32>
      tpu.vector_store %arg10[%swap3A_296, %swap3A_297], %swap3A_300 {strides = array<i32>} : memref<2x128xi32, #tpu.memory_space<vmem>>, vector<1x16xi32>,
      %shift_right_logical3A_301 = arith.constant 16 : i32
      %shift_right_logical3A_302 = vector.broadcast %shift_right_logical3A_301 : i32 to vector<16xi32>
      %shift_right_logical3A_303 = arith.shrui %get3A_287, %shift_right_logical3A_302 : vector<16xi32>
      %swap3A_304 = arith.constant 1 : i32
      %swap3A_305 = arith.index_cast %swap3A_304 : i32 to index
      %swap3A_306 = arith.constant 80 : index
      %swap3A_307 = tpu.vector_load %arg10[%swap3A_305, %swap3A_306] {strides = array<i32>} : memref<2x128xi32, #tpu.memory_space<vmem>>, vector<1x16xi32>,
      %swap3A_308 = vector.shape_cast %swap3A_307 : vector<1x16xi32> to vector<16xi32>
      %swap3A_309 = vector.shape_cast %shift_right_logical3A_303 : vector<16xi32> to vector<1x16xi32>
      tpu.vector_store %arg10[%swap3A_305, %swap3A_306], %swap3A_309 {strides = array<i32>} : memref<2x128xi32, #tpu.memory_space<vmem>>, vector<1x16xi32>,
      %and3A_310 = arith.constant 65535 : i32
      %and3A_311 = vector.broadcast %and3A_310 : i32 to vector<16xi32>
      %and3A_312 = arith.andi %get3A_291, %and3A_311 : vector<16xi32>
      %swap3A_313 = arith.constant 1 : i32
      %swap3A_314 = arith.index_cast %swap3A_313 : i32 to index
      %swap3A_315 = arith.constant 64 : index
      %swap3A_316 = tpu.vector_load %arg11[%swap3A_314, %swap3A_315] {strides = array<i32>} : memref<2x128xi32, #tpu.memory_space<vmem>>, vector<1x16xi32>,
      %swap3A_317 = vector.shape_cast %swap3A_316 : vector<1x16xi32> to vector<16xi32>
      %swap3A_318 = vector.shape_cast %and3A_312 : vector<16xi32> to vector<1x16xi32>
      tpu.vector_store %arg11[%swap3A_314, %swap3A_315], %swap3A_318 {strides = array<i32>} : memref<2x128xi32, #tpu.memory_space<vmem>>, vector<1x16xi32>,
      %shift_right_logical3A_319 = arith.constant 16 : i32
      %shift_right_logical3A_320 = vector.broadcast %shift_right_logical3A_319 : i32 to vector<16xi32>
      %shift_right_logical3A_321 = arith.shrui %get3A_291, %shift_right_logical3A_320 : vector<16xi32>
      %swap3A_322 = arith.constant 1 : i32
      %swap3A_323 = arith.index_cast %swap3A_322 : i32 to index
      %swap3A_324 = arith.constant 80 : index
      %swap3A_325 = tpu.vector_load %arg11[%swap3A_323, %swap3A_324] {strides = array<i32>} : memref<2x128xi32, #tpu.memory_space<vmem>>, vector<1x16xi32>,
      %swap3A_326 = vector.shape_cast %swap3A_325 : vector<1x16xi32> to vector<16xi32>
      %swap3A_327 = vector.shape_cast %shift_right_logical3A_321 : vector<16xi32> to vector<1x16xi32>
      tpu.vector_store %arg11[%swap3A_323, %swap3A_324], %swap3A_327 {strides = array<i32>} : memref<2x128xi32, #tpu.memory_space<vmem>>, vector<1x16xi32>,
      %get3A_328 = arith.index_cast %scan3A_195 : i32 to index
      %get3A_329 = arith.constant 112 : index
      %get3A_330 = tpu.vector_load %arg8[%get3A_328, %get3A_329] {strides = array<i32>} : memref<40x128xi32, #tpu.memory_space<vmem>>, vector<1x16xi32>,
      %get3A_331 = vector.shape_cast %get3A_330 : vector<1x16xi32> to vector<16xi32>
      %get3A_332 = arith.index_cast %scan3A_195 : i32 to index
      %get3A_333 = arith.constant 112 : index
      %get3A_334 = tpu.vector_load %arg9[%get3A_332, %get3A_333] {strides = array<i32>} : memref<40x128xi32, #tpu.memory_space<vmem>>, vector<1x16xi32>,
      %get3A_335 = vector.shape_cast %get3A_334 : vector<1x16xi32> to vector<16xi32>
      %and3A_336 = arith.constant 65535 : i32
      %and3A_337 = vector.broadcast %and3A_336 : i32 to vector<16xi32>
      %and3A_338 = arith.andi %get3A_331, %and3A_337 : vector<16xi32>
      %swap3A_339 = arith.constant 1 : i32
      %swap3A_340 = arith.index_cast %swap3A_339 : i32 to index
      %swap3A_341 = arith.constant 96 : index
      %swap3A_342 = tpu.vector_load %arg10[%swap3A_340, %swap3A_341] {strides = array<i32>} : memref<2x128xi32, #tpu.memory_space<vmem>>, vector<1x16xi32>,
      %swap3A_343 = vector.shape_cast %swap3A_342 : vector<1x16xi32> to vector<16xi32>
      %swap3A_344 = vector.shape_cast %and3A_338 : vector<16xi32> to vector<1x16xi32>
      tpu.vector_store %arg10[%swap3A_340, %swap3A_341], %swap3A_344 {strides = array<i32>} : memref<2x128xi32, #tpu.memory_space<vmem>>, vector<1x16xi32>,
      %shift_right_logical3A_345 = arith.constant 16 : i32
      %shift_right_logical3A_346 = vector.broadcast %shift_right_logical3A_345 : i32 to vector<16xi32>
      %shift_right_logical3A_347 = arith.shrui %get3A_331, %shift_right_logical3A_346 : vector<16xi32>
      %swap3A_348 = arith.constant 1 : i32
      %swap3A_349 = arith.index_cast %swap3A_348 : i32 to index
      %swap3A_350 = arith.constant 112 : index
      %swap3A_351 = tpu.vector_load %arg10[%swap3A_349, %swap3A_350] {strides = array<i32>} : memref<2x128xi32, #tpu.memory_space<vmem>>, vector<1x16xi32>,
      %swap3A_352 = vector.shape_cast %swap3A_351 : vector<1x16xi32> to vector<16xi32>
      %swap3A_353 = vector.shape_cast %shift_right_logical3A_347 : vector<16xi32> to vector<1x16xi32>
      tpu.vector_store %arg10[%swap3A_349, %swap3A_350], %swap3A_353 {strides = array<i32>} : memref<2x128xi32, #tpu.memory_space<vmem>>, vector<1x16xi32>,
      %and3A_354 = arith.constant 65535 : i32
      %and3A_355 = vector.broadcast %and3A_354 : i32 to vector<16xi32>
      %and3A_356 = arith.andi %get3A_335, %and3A_355 : vector<16xi32>
      %swap3A_357 = arith.constant 1 : i32
      %swap3A_358 = arith.index_cast %swap3A_357 : i32 to index
      %swap3A_359 = arith.constant 96 : index
      %swap3A_360 = tpu.vector_load %arg11[%swap3A_358, %swap3A_359] {strides = array<i32>} : memref<2x128xi32, #tpu.memory_space<vmem>>, vector<1x16xi32>,
      %swap3A_361 = vector.shape_cast %swap3A_360 : vector<1x16xi32> to vector<16xi32>
      %swap3A_362 = vector.shape_cast %and3A_356 : vector<16xi32> to vector<1x16xi32>
      tpu.vector_store %arg11[%swap3A_358, %swap3A_359], %swap3A_362 {strides = array<i32>} : memref<2x128xi32, #tpu.memory_space<vmem>>, vector<1x16xi32>,
      %shift_right_logical3A_363 = arith.constant 16 : i32
      %shift_right_logical3A_364 = vector.broadcast %shift_right_logical3A_363 : i32 to vector<16xi32>
      %shift_right_logical3A_365 = arith.shrui %get3A_335, %shift_right_logical3A_364 : vector<16xi32>
      %swap3A_366 = arith.constant 1 : i32
      %swap3A_367 = arith.index_cast %swap3A_366 : i32 to index
      %swap3A_368 = arith.constant 112 : index
      %swap3A_369 = tpu.vector_load %arg11[%swap3A_367, %swap3A_368] {strides = array<i32>} : memref<2x128xi32, #tpu.memory_space<vmem>>, vector<1x16xi32>,
      %swap3A_370 = vector.shape_cast %swap3A_369 : vector<1x16xi32> to vector<16xi32>
      %swap3A_371 = vector.shape_cast %shift_right_logical3A_365 : vector<16xi32> to vector<1x16xi32>
      tpu.vector_store %arg11[%swap3A_367, %swap3A_368], %swap3A_371 {strides = array<i32>} : memref<2x128xi32, #tpu.memory_space<vmem>>, vector<1x16xi32>,
      %dma_wait3A = arith.constant 0 : i32
      %dma_wait3A_372 = arith.constant 0 : i32
      %dma_wait3A_373 = tpu.memref_slice %arg10[%dma_wait3A, %dma_wait3A_372] : memref<2x128xi32, #tpu.memory_space<vmem>> -> memref<1x128xi32, #tpu.memory_space<vmem>>
      %dma_wait3A_374 = tpu.memref_squeeze %dma_wait3A_373 : memref<1x128xi32, #tpu.memory_space<vmem>> -> memref<128xi32, #tpu.memory_space<vmem>>
      %dma_wait3A_375 = arith.constant 0 : i32
      %dma_wait3A_376 = arith.constant 0 : i32
      %dma_wait3A_377 = tpu.memref_slice %arg2[%dma_wait3A_375, %dma_wait3A_376] : memref<10000x128xf32, #tpu.memory_space<hbm>> -> memref<10000x128xf32, #tpu.memory_space<hbm>>
      tpu.wait_indirect_dma semaphore(%arg14 : memref<!tpu.dma_semaphore, #tpu.memory_space<semaphore_mem>>) src(%dma_wait3A_377 : memref<10000x128xf32, #tpu.memory_space<hbm>>) dst(%arg12 : memref<128x128xf32, #tpu.memory_space<vmem>>)
      %dma_start3A_378 = arith.constant 1 : i32
      %dma_start3A_379 = arith.constant 0 : i32
      %dma_start3A_380 = tpu.memref_slice %arg10[%dma_start3A_378, %dma_start3A_379] : memref<2x128xi32, #tpu.memory_space<vmem>> -> memref<1x128xi32, #tpu.memory_space<vmem>>
      %dma_start3A_381 = tpu.memref_squeeze %dma_start3A_380 : memref<1x128xi32, #tpu.memory_space<vmem>> -> memref<128xi32, #tpu.memory_space<vmem>>
      %dma_start3A_382 = arith.constant 0 : i32
      %dma_start3A_383 = arith.constant 0 : i32
      %dma_start3A_384 = tpu.memref_slice %arg2[%dma_start3A_382, %dma_start3A_383] : memref<10000x128xf32, #tpu.memory_space<hbm>> -> memref<10000x128xf32, #tpu.memory_space<hbm>>
      tpu.enqueue_indirect_dma source(%dma_start3A_384 : memref<10000x128xf32, #tpu.memory_space<hbm>>) target(%arg13 : memref<128x128xf32, #tpu.memory_space<vmem>>) offsets(%dma_start3A_381 : memref<128xi32, #tpu.memory_space<vmem>>) semaphore(%arg15 : memref<!tpu.dma_semaphore, #tpu.memory_space<semaphore_mem>>)
      %run_scoped3A = arith.constant 0 : i32
      "tpu.region"() ({
        %run_scoped3A_404 = tpu.sem_alloc : memref<!tpu.dma_semaphore, #tpu.memory_space<semaphore_mem>>
        %dma_start3A_405 = arith.constant 0 : i32
        %dma_start3A_406 = tpu.memref_slice %arg11[%run_scoped3A, %dma_start3A_405] : memref<2x128xi32, #tpu.memory_space<vmem>> -> memref<1x128xi32, #tpu.memory_space<vmem>>
        %dma_start3A_407 = tpu.memref_squeeze %dma_start3A_406 : memref<1x128xi32, #tpu.memory_space<vmem>> -> memref<128xi32, #tpu.memory_space<vmem>>
        %dma_start3A_408 = arith.constant 0 : i32
        %dma_start3A_409 = arith.constant 0 : i32
        %dma_start3A_410 = tpu.memref_slice %arg7[%dma_start3A_408, %dma_start3A_409] : memref<10112x128xf32, #tpu.memory_space<vmem_shared>> -> memref<10112x128xf32, #tpu.memory_space<vmem_shared>>
        tpu.enqueue_indirect_dma source(%arg12 : memref<128x128xf32, #tpu.memory_space<vmem>>) target(%dma_start3A_410 : memref<10112x128xf32, #tpu.memory_space<vmem_shared>>) offsets(%dma_start3A_407 : memref<128xi32, #tpu.memory_space<vmem>>) semaphore(%run_scoped3A_404 : memref<!tpu.dma_semaphore, #tpu.memory_space<semaphore_mem>>) {add = true}
        %dma_wait3A_411 = arith.constant 0 : i32
        %dma_wait3A_412 = tpu.memref_slice %arg11[%run_scoped3A, %dma_wait3A_411] : memref<2x128xi32, #tpu.memory_space<vmem>> -> memref<1x128xi32, #tpu.memory_space<vmem>>
        %dma_wait3A_413 = tpu.memref_squeeze %dma_wait3A_412 : memref<1x128xi32, #tpu.memory_space<vmem>> -> memref<128xi32, #tpu.memory_space<vmem>>
        %dma_wait3A_414 = arith.constant 0 : i32
        %dma_wait3A_415 = arith.constant 0 : i32
        %dma_wait3A_416 = tpu.memref_slice %arg7[%dma_wait3A_414, %dma_wait3A_415] : memref<10112x128xf32, #tpu.memory_space<vmem_shared>> -> memref<10112x128xf32, #tpu.memory_space<vmem_shared>>
        tpu.wait_indirect_dma semaphore(%run_scoped3A_404 : memref<!tpu.dma_semaphore, #tpu.memory_space<semaphore_mem>>) src(%arg12 : memref<128x128xf32, #tpu.memory_space<vmem>>) dst(%dma_wait3A_416 : memref<10112x128xf32, #tpu.memory_space<vmem_shared>>)
        tpu.yield
      }) : () -> ()
      %add3A_385 = arith.constant 1 : i32
      %add3A_386 = arith.addi %scan3A_195, %add3A_385 : i32
      %lt3A = arith.constant 40 : i32
      %lt3A_387 = arith.cmpi slt, %add3A_386, %lt3A : i32
      %convert_element_type3A = arith.extui %lt3A_387 : i1 to i32
      %cond3A = arith.constant 0 : i32
      %cond3A_388 = arith.cmpi ne, %convert_element_type3A, %cond3A : i32
      scf.if %cond3A_388 {
        %add3A_404 = arith.constant 1 : i32
        %add3A_405 = arith.addi %scan3A_195, %add3A_404 : i32
        %get3A_406 = arith.index_cast %add3A_405 : i32 to index
        %get3A_407 = arith.constant 0 : index
        %get3A_408 = tpu.vector_load %arg8[%get3A_406, %get3A_407] {strides = array<i32>} : memref<40x128xi32, #tpu.memory_space<vmem>>, vector<1x16xi32>,
        %get3A_409 = vector.shape_cast %get3A_408 : vector<1x16xi32> to vector<16xi32>
        %get3A_410 = arith.index_cast %add3A_405 : i32 to index
        %get3A_411 = arith.constant 0 : index
        %get3A_412 = tpu.vector_load %arg9[%get3A_410, %get3A_411] {strides = array<i32>} : memref<40x128xi32, #tpu.memory_space<vmem>>, vector<1x16xi32>,
        %get3A_413 = vector.shape_cast %get3A_412 : vector<1x16xi32> to vector<16xi32>
        %and3A_414 = arith.constant 65535 : i32
        %and3A_415 = vector.broadcast %and3A_414 : i32 to vector<16xi32>
        %and3A_416 = arith.andi %get3A_409, %and3A_415 : vector<16xi32>
        %swap3A_417 = arith.constant 0 : i32
        %swap3A_418 = arith.index_cast %swap3A_417 : i32 to index
        %swap3A_419 = arith.constant 0 : index
        %swap3A_420 = tpu.vector_load %arg10[%swap3A_418, %swap3A_419] {strides = array<i32>} : memref<2x128xi32, #tpu.memory_space<vmem>>, vector<1x16xi32>,
        %swap3A_421 = vector.shape_cast %swap3A_420 : vector<1x16xi32> to vector<16xi32>
        %swap3A_422 = vector.shape_cast %and3A_416 : vector<16xi32> to vector<1x16xi32>
        tpu.vector_store %arg10[%swap3A_418, %swap3A_419], %swap3A_422 {strides = array<i32>} : memref<2x128xi32, #tpu.memory_space<vmem>>, vector<1x16xi32>,
        %shift_right_logical3A_423 = arith.constant 16 : i32
        %shift_right_logical3A_424 = vector.broadcast %shift_right_logical3A_423 : i32 to vector<16xi32>
        %shift_right_logical3A_425 = arith.shrui %get3A_409, %shift_right_logical3A_424 : vector<16xi32>
        %swap3A_426 = arith.constant 0 : i32
        %swap3A_427 = arith.index_cast %swap3A_426 : i32 to index
        %swap3A_428 = arith.constant 16 : index
        %swap3A_429 = tpu.vector_load %arg10[%swap3A_427, %swap3A_428] {strides = array<i32>} : memref<2x128xi32, #tpu.memory_space<vmem>>, vector<1x16xi32>,
        %swap3A_430 = vector.shape_cast %swap3A_429 : vector<1x16xi32> to vector<16xi32>
        %swap3A_431 = vector.shape_cast %shift_right_logical3A_425 : vector<16xi32> to vector<1x16xi32>
        tpu.vector_store %arg10[%swap3A_427, %swap3A_428], %swap3A_431 {strides = array<i32>} : memref<2x128xi32, #tpu.memory_space<vmem>>, vector<1x16xi32>,
        %and3A_432 = arith.constant 65535 : i32
        %and3A_433 = vector.broadcast %and3A_432 : i32 to vector<16xi32>
        %and3A_434 = arith.andi %get3A_413, %and3A_433 : vector<16xi32>
        %swap3A_435 = arith.constant 0 : i32
        %swap3A_436 = arith.index_cast %swap3A_435 : i32 to index
        %swap3A_437 = arith.constant 0 : index
        %swap3A_438 = tpu.vector_load %arg11[%swap3A_436, %swap3A_437] {strides = array<i32>} : memref<2x128xi32, #tpu.memory_space<vmem>>, vector<1x16xi32>,
        %swap3A_439 = vector.shape_cast %swap3A_438 : vector<1x16xi32> to vector<16xi32>
        %swap3A_440 = vector.shape_cast %and3A_434 : vector<16xi32> to vector<1x16xi32>
        tpu.vector_store %arg11[%swap3A_436, %swap3A_437], %swap3A_440 {strides = array<i32>} : memref<2x128xi32, #tpu.memory_space<vmem>>, vector<1x16xi32>,
        %shift_right_logical3A_441 = arith.constant 16 : i32
        %shift_right_logical3A_442 = vector.broadcast %shift_right_logical3A_441 : i32 to vector<16xi32>
        %shift_right_logical3A_443 = arith.shrui %get3A_413, %shift_right_logical3A_442 : vector<16xi32>
        %swap3A_444 = arith.constant 0 : i32
        %swap3A_445 = arith.index_cast %swap3A_444 : i32 to index
        %swap3A_446 = arith.constant 16 : index
        %swap3A_447 = tpu.vector_load %arg11[%swap3A_445, %swap3A_446] {strides = array<i32>} : memref<2x128xi32, #tpu.memory_space<vmem>>, vector<1x16xi32>,
        %swap3A_448 = vector.shape_cast %swap3A_447 : vector<1x16xi32> to vector<16xi32>
        %swap3A_449 = vector.shape_cast %shift_right_logical3A_443 : vector<16xi32> to vector<1x16xi32>
        tpu.vector_store %arg11[%swap3A_445, %swap3A_446], %swap3A_449 {strides = array<i32>} : memref<2x128xi32, #tpu.memory_space<vmem>>, vector<1x16xi32>,
        %get3A_450 = arith.index_cast %add3A_405 : i32 to index
        %get3A_451 = arith.constant 16 : index
        %get3A_452 = tpu.vector_load %arg8[%get3A_450, %get3A_451] {strides = array<i32>} : memref<40x128xi32, #tpu.memory_space<vmem>>, vector<1x16xi32>,
        %get3A_453 = vector.shape_cast %get3A_452 : vector<1x16xi32> to vector<16xi32>
        %get3A_454 = arith.index_cast %add3A_405 : i32 to index
        %get3A_455 = arith.constant 16 : index
        %get3A_456 = tpu.vector_load %arg9[%get3A_454, %get3A_455] {strides = array<i32>} : memref<40x128xi32, #tpu.memory_space<vmem>>, vector<1x16xi32>,
        %get3A_457 = vector.shape_cast %get3A_456 : vector<1x16xi32> to vector<16xi32>
        %and3A_458 = arith.constant 65535 : i32
        %and3A_459 = vector.broadcast %and3A_458 : i32 to vector<16xi32>
        %and3A_460 = arith.andi %get3A_453, %and3A_459 : vector<16xi32>
        %swap3A_461 = arith.constant 0 : i32
        %swap3A_462 = arith.index_cast %swap3A_461 : i32 to index
        %swap3A_463 = arith.constant 32 : index
        %swap3A_464 = tpu.vector_load %arg10[%swap3A_462, %swap3A_463] {strides = array<i32>} : memref<2x128xi32, #tpu.memory_space<vmem>>, vector<1x16xi32>,
        %swap3A_465 = vector.shape_cast %swap3A_464 : vector<1x16xi32> to vector<16xi32>
        %swap3A_466 = vector.shape_cast %and3A_460 : vector<16xi32> to vector<1x16xi32>
        tpu.vector_store %arg10[%swap3A_462, %swap3A_463], %swap3A_466 {strides = array<i32>} : memref<2x128xi32, #tpu.memory_space<vmem>>, vector<1x16xi32>,
        %shift_right_logical3A_467 = arith.constant 16 : i32
        %shift_right_logical3A_468 = vector.broadcast %shift_right_logical3A_467 : i32 to vector<16xi32>
        %shift_right_logical3A_469 = arith.shrui %get3A_453, %shift_right_logical3A_468 : vector<16xi32>
        %swap3A_470 = arith.constant 0 : i32
        %swap3A_471 = arith.index_cast %swap3A_470 : i32 to index
        %swap3A_472 = arith.constant 48 : index
        %swap3A_473 = tpu.vector_load %arg10[%swap3A_471, %swap3A_472] {strides = array<i32>} : memref<2x128xi32, #tpu.memory_space<vmem>>, vector<1x16xi32>,
        %swap3A_474 = vector.shape_cast %swap3A_473 : vector<1x16xi32> to vector<16xi32>
        %swap3A_475 = vector.shape_cast %shift_right_logical3A_469 : vector<16xi32> to vector<1x16xi32>
        tpu.vector_store %arg10[%swap3A_471, %swap3A_472], %swap3A_475 {strides = array<i32>} : memref<2x128xi32, #tpu.memory_space<vmem>>, vector<1x16xi32>,
        %and3A_476 = arith.constant 65535 : i32
        %and3A_477 = vector.broadcast %and3A_476 : i32 to vector<16xi32>
        %and3A_478 = arith.andi %get3A_457, %and3A_477 : vector<16xi32>
        %swap3A_479 = arith.constant 0 : i32
        %swap3A_480 = arith.index_cast %swap3A_479 : i32 to index
        %swap3A_481 = arith.constant 32 : index
        %swap3A_482 = tpu.vector_load %arg11[%swap3A_480, %swap3A_481] {strides = array<i32>} : memref<2x128xi32, #tpu.memory_space<vmem>>, vector<1x16xi32>,
        %swap3A_483 = vector.shape_cast %swap3A_482 : vector<1x16xi32> to vector<16xi32>
        %swap3A_484 = vector.shape_cast %and3A_478 : vector<16xi32> to vector<1x16xi32>
        tpu.vector_store %arg11[%swap3A_480, %swap3A_481], %swap3A_484 {strides = array<i32>} : memref<2x128xi32, #tpu.memory_space<vmem>>, vector<1x16xi32>,
        %shift_right_logical3A_485 = arith.constant 16 : i32
        %shift_right_logical3A_486 = vector.broadcast %shift_right_logical3A_485 : i32 to vector<16xi32>
        %shift_right_logical3A_487 = arith.shrui %get3A_457, %shift_right_logical3A_486 : vector<16xi32>
        %swap3A_488 = arith.constant 0 : i32
        %swap3A_489 = arith.index_cast %swap3A_488 : i32 to index
        %swap3A_490 = arith.constant 48 : index
        %swap3A_491 = tpu.vector_load %arg11[%swap3A_489, %swap3A_490] {strides = array<i32>} : memref<2x128xi32, #tpu.memory_space<vmem>>, vector<1x16xi32>,
        %swap3A_492 = vector.shape_cast %swap3A_491 : vector<1x16xi32> to vector<16xi32>
        %swap3A_493 = vector.shape_cast %shift_right_logical3A_487 : vector<16xi32> to vector<1x16xi32>
        tpu.vector_store %arg11[%swap3A_489, %swap3A_490], %swap3A_493 {strides = array<i32>} : memref<2x128xi32, #tpu.memory_space<vmem>>, vector<1x16xi32>,
        %get3A_494 = arith.index_cast %add3A_405 : i32 to index
        %get3A_495 = arith.constant 32 : index
        %get3A_496 = tpu.vector_load %arg8[%get3A_494, %get3A_495] {strides = array<i32>} : memref<40x128xi32, #tpu.memory_space<vmem>>, vector<1x16xi32>,
        %get3A_497 = vector.shape_cast %get3A_496 : vector<1x16xi32> to vector<16xi32>
        %get3A_498 = arith.index_cast %add3A_405 : i32 to index
        %get3A_499 = arith.constant 32 : index
        %get3A_500 = tpu.vector_load %arg9[%get3A_498, %get3A_499] {strides = array<i32>} : memref<40x128xi32, #tpu.memory_space<vmem>>, vector<1x16xi32>,
        %get3A_501 = vector.shape_cast %get3A_500 : vector<1x16xi32> to vector<16xi32>
        %and3A_502 = arith.constant 65535 : i32
        %and3A_503 = vector.broadcast %and3A_502 : i32 to vector<16xi32>
        %and3A_504 = arith.andi %get3A_497, %and3A_503 : vector<16xi32>
        %swap3A_505 = arith.constant 0 : i32
        %swap3A_506 = arith.index_cast %swap3A_505 : i32 to index
        %swap3A_507 = arith.constant 64 : index
        %swap3A_508 = tpu.vector_load %arg10[%swap3A_506, %swap3A_507] {strides = array<i32>} : memref<2x128xi32, #tpu.memory_space<vmem>>, vector<1x16xi32>,
        %swap3A_509 = vector.shape_cast %swap3A_508 : vector<1x16xi32> to vector<16xi32>
        %swap3A_510 = vector.shape_cast %and3A_504 : vector<16xi32> to vector<1x16xi32>
        tpu.vector_store %arg10[%swap3A_506, %swap3A_507], %swap3A_510 {strides = array<i32>} : memref<2x128xi32, #tpu.memory_space<vmem>>, vector<1x16xi32>,
        %shift_right_logical3A_511 = arith.constant 16 : i32
        %shift_right_logical3A_512 = vector.broadcast %shift_right_logical3A_511 : i32 to vector<16xi32>
        %shift_right_logical3A_513 = arith.shrui %get3A_497, %shift_right_logical3A_512 : vector<16xi32>
        %swap3A_514 = arith.constant 0 : i32
        %swap3A_515 = arith.index_cast %swap3A_514 : i32 to index
        %swap3A_516 = arith.constant 80 : index
        %swap3A_517 = tpu.vector_load %arg10[%swap3A_515, %swap3A_516] {strides = array<i32>} : memref<2x128xi32, #tpu.memory_space<vmem>>, vector<1x16xi32>,
        %swap3A_518 = vector.shape_cast %swap3A_517 : vector<1x16xi32> to vector<16xi32>
        %swap3A_519 = vector.shape_cast %shift_right_logical3A_513 : vector<16xi32> to vector<1x16xi32>
        tpu.vector_store %arg10[%swap3A_515, %swap3A_516], %swap3A_519 {strides = array<i32>} : memref<2x128xi32, #tpu.memory_space<vmem>>, vector<1x16xi32>,
        %and3A_520 = arith.constant 65535 : i32
        %and3A_521 = vector.broadcast %and3A_520 : i32 to vector<16xi32>
        %and3A_522 = arith.andi %get3A_501, %and3A_521 : vector<16xi32>
        %swap3A_523 = arith.constant 0 : i32
        %swap3A_524 = arith.index_cast %swap3A_523 : i32 to index
        %swap3A_525 = arith.constant 64 : index
        %swap3A_526 = tpu.vector_load %arg11[%swap3A_524, %swap3A_525] {strides = array<i32>} : memref<2x128xi32, #tpu.memory_space<vmem>>, vector<1x16xi32>,
        %swap3A_527 = vector.shape_cast %swap3A_526 : vector<1x16xi32> to vector<16xi32>
        %swap3A_528 = vector.shape_cast %and3A_522 : vector<16xi32> to vector<1x16xi32>
        tpu.vector_store %arg11[%swap3A_524, %swap3A_525], %swap3A_528 {strides = array<i32>} : memref<2x128xi32, #tpu.memory_space<vmem>>, vector<1x16xi32>,
        %shift_right_logical3A_529 = arith.constant 16 : i32
        %shift_right_logical3A_530 = vector.broadcast %shift_right_logical3A_529 : i32 to vector<16xi32>
        %shift_right_logical3A_531 = arith.shrui %get3A_501, %shift_right_logical3A_530 : vector<16xi32>
        %swap3A_532 = arith.constant 0 : i32
        %swap3A_533 = arith.index_cast %swap3A_532 : i32 to index
        %swap3A_534 = arith.constant 80 : index
        %swap3A_535 = tpu.vector_load %arg11[%swap3A_533, %swap3A_534] {strides = array<i32>} : memref<2x128xi32, #tpu.memory_space<vmem>>, vector<1x16xi32>,
        %swap3A_536 = vector.shape_cast %swap3A_535 : vector<1x16xi32> to vector<16xi32>
        %swap3A_537 = vector.shape_cast %shift_right_logical3A_531 : vector<16xi32> to vector<1x16xi32>
        tpu.vector_store %arg11[%swap3A_533, %swap3A_534], %swap3A_537 {strides = array<i32>} : memref<2x128xi32, #tpu.memory_space<vmem>>, vector<1x16xi32>,
        %get3A_538 = arith.index_cast %add3A_405 : i32 to index
        %get3A_539 = arith.constant 48 : index
        %get3A_540 = tpu.vector_load %arg8[%get3A_538, %get3A_539] {strides = array<i32>} : memref<40x128xi32, #tpu.memory_space<vmem>>, vector<1x16xi32>,
        %get3A_541 = vector.shape_cast %get3A_540 : vector<1x16xi32> to vector<16xi32>
        %get3A_542 = arith.index_cast %add3A_405 : i32 to index
        %get3A_543 = arith.constant 48 : index
        %get3A_544 = tpu.vector_load %arg9[%get3A_542, %get3A_543] {strides = array<i32>} : memref<40x128xi32, #tpu.memory_space<vmem>>, vector<1x16xi32>,
        %get3A_545 = vector.shape_cast %get3A_544 : vector<1x16xi32> to vector<16xi32>
        %and3A_546 = arith.constant 65535 : i32
        %and3A_547 = vector.broadcast %and3A_546 : i32 to vector<16xi32>
        %and3A_548 = arith.andi %get3A_541, %and3A_547 : vector<16xi32>
        %swap3A_549 = arith.constant 0 : i32
        %swap3A_550 = arith.index_cast %swap3A_549 : i32 to index
        %swap3A_551 = arith.constant 96 : index
        %swap3A_552 = tpu.vector_load %arg10[%swap3A_550, %swap3A_551] {strides = array<i32>} : memref<2x128xi32, #tpu.memory_space<vmem>>, vector<1x16xi32>,
        %swap3A_553 = vector.shape_cast %swap3A_552 : vector<1x16xi32> to vector<16xi32>
        %swap3A_554 = vector.shape_cast %and3A_548 : vector<16xi32> to vector<1x16xi32>
        tpu.vector_store %arg10[%swap3A_550, %swap3A_551], %swap3A_554 {strides = array<i32>} : memref<2x128xi32, #tpu.memory_space<vmem>>, vector<1x16xi32>,
        %shift_right_logical3A_555 = arith.constant 16 : i32
        %shift_right_logical3A_556 = vector.broadcast %shift_right_logical3A_555 : i32 to vector<16xi32>
        %shift_right_logical3A_557 = arith.shrui %get3A_541, %shift_right_logical3A_556 : vector<16xi32>
        %swap3A_558 = arith.constant 0 : i32
        %swap3A_559 = arith.index_cast %swap3A_558 : i32 to index
        %swap3A_560 = arith.constant 112 : index
        %swap3A_561 = tpu.vector_load %arg10[%swap3A_559, %swap3A_560] {strides = array<i32>} : memref<2x128xi32, #tpu.memory_space<vmem>>, vector<1x16xi32>,
        %swap3A_562 = vector.shape_cast %swap3A_561 : vector<1x16xi32> to vector<16xi32>
        %swap3A_563 = vector.shape_cast %shift_right_logical3A_557 : vector<16xi32> to vector<1x16xi32>
        tpu.vector_store %arg10[%swap3A_559, %swap3A_560], %swap3A_563 {strides = array<i32>} : memref<2x128xi32, #tpu.memory_space<vmem>>, vector<1x16xi32>,
        %and3A_564 = arith.constant 65535 : i32
        %and3A_565 = vector.broadcast %and3A_564 : i32 to vector<16xi32>
        %and3A_566 = arith.andi %get3A_545, %and3A_565 : vector<16xi32>
        %swap3A_567 = arith.constant 0 : i32
        %swap3A_568 = arith.index_cast %swap3A_567 : i32 to index
        %swap3A_569 = arith.constant 96 : index
        %swap3A_570 = tpu.vector_load %arg11[%swap3A_568, %swap3A_569] {strides = array<i32>} : memref<2x128xi32, #tpu.memory_space<vmem>>, vector<1x16xi32>,
        %swap3A_571 = vector.shape_cast %swap3A_570 : vector<1x16xi32> to vector<16xi32>
        %swap3A_572 = vector.shape_cast %and3A_566 : vector<16xi32> to vector<1x16xi32>
        tpu.vector_store %arg11[%swap3A_568, %swap3A_569], %swap3A_572 {strides = array<i32>} : memref<2x128xi32, #tpu.memory_space<vmem>>, vector<1x16xi32>,
        %shift_right_logical3A_573 = arith.constant 16 : i32
        %shift_right_logical3A_574 = vector.broadcast %shift_right_logical3A_573 : i32 to vector<16xi32>
        %shift_right_logical3A_575 = arith.shrui %get3A_545, %shift_right_logical3A_574 : vector<16xi32>
        %swap3A_576 = arith.constant 0 : i32
        %swap3A_577 = arith.index_cast %swap3A_576 : i32 to index
        %swap3A_578 = arith.constant 112 : index
        %swap3A_579 = tpu.vector_load %arg11[%swap3A_577, %swap3A_578] {strides = array<i32>} : memref<2x128xi32, #tpu.memory_space<vmem>>, vector<1x16xi32>,
        %swap3A_580 = vector.shape_cast %swap3A_579 : vector<1x16xi32> to vector<16xi32>
        %swap3A_581 = vector.shape_cast %shift_right_logical3A_575 : vector<16xi32> to vector<1x16xi32>
        tpu.vector_store %arg11[%swap3A_577, %swap3A_578], %swap3A_581 {strides = array<i32>} : memref<2x128xi32, #tpu.memory_space<vmem>>, vector<1x16xi32>,
      } else {
      }
      %dma_wait3A_389 = arith.constant 1 : i32
      %dma_wait3A_390 = arith.constant 0 : i32
      %dma_wait3A_391 = tpu.memref_slice %arg10[%dma_wait3A_389, %dma_wait3A_390] : memref<2x128xi32, #tpu.memory_space<vmem>> -> memref<1x128xi32, #tpu.memory_space<vmem>>
      %dma_wait3A_392 = tpu.memref_squeeze %dma_wait3A_391 : memref<1x128xi32, #tpu.memory_space<vmem>> -> memref<128xi32, #tpu.memory_space<vmem>>
      %dma_wait3A_393 = arith.constant 0 : i32
      %dma_wait3A_394 = arith.constant 0 : i32
      %dma_wait3A_395 = tpu.memref_slice %arg2[%dma_wait3A_393, %dma_wait3A_394] : memref<10000x128xf32, #tpu.memory_space<hbm>> -> memref<10000x128xf32, #tpu.memory_space<hbm>>
      tpu.wait_indirect_dma semaphore(%arg15 : memref<!tpu.dma_semaphore, #tpu.memory_space<semaphore_mem>>) src(%dma_wait3A_395 : memref<10000x128xf32, #tpu.memory_space<hbm>>) dst(%arg13 : memref<128x128xf32, #tpu.memory_space<vmem>>)
      %add3A_396 = arith.constant 1 : i32
      %add3A_397 = arith.addi %scan3A_195, %add3A_396 : i32
      %lt3A_398 = arith.constant 40 : i32
      %lt3A_399 = arith.cmpi slt, %add3A_397, %lt3A_398 : i32
      %convert_element_type3A_400 = arith.extui %lt3A_399 : i1 to i32
      %cond3A_401 = arith.constant 0 : i32
      %cond3A_402 = arith.cmpi ne, %convert_element_type3A_400, %cond3A_401 : i32
      scf.if %cond3A_402 {
        %dma_start3A_404 = arith.constant 0 : i32
        %dma_start3A_405 = arith.constant 0 : i32
        %dma_start3A_406 = tpu.memref_slice %arg10[%dma_start3A_404, %dma_start3A_405] : memref<2x128xi32, #tpu.memory_space<vmem>> -> memref<1x128xi32, #tpu.memory_space<vmem>>
        %dma_start3A_407 = tpu.memref_squeeze %dma_start3A_406 : memref<1x128xi32, #tpu.memory_space<vmem>> -> memref<128xi32, #tpu.memory_space<vmem>>
        %dma_start3A_408 = arith.constant 0 : i32
        %dma_start3A_409 = arith.constant 0 : i32
        %dma_start3A_410 = tpu.memref_slice %arg2[%dma_start3A_408, %dma_start3A_409] : memref<10000x128xf32, #tpu.memory_space<hbm>> -> memref<10000x128xf32, #tpu.memory_space<hbm>>
        tpu.enqueue_indirect_dma source(%dma_start3A_410 : memref<10000x128xf32, #tpu.memory_space<hbm>>) target(%arg12 : memref<128x128xf32, #tpu.memory_space<vmem>>) offsets(%dma_start3A_407 : memref<128xi32, #tpu.memory_space<vmem>>) semaphore(%arg14 : memref<!tpu.dma_semaphore, #tpu.memory_space<semaphore_mem>>)
      } else {
      }
      %run_scoped3A_403 = arith.constant 1 : i32
      "tpu.region"() ({
        %run_scoped3A_404 = tpu.sem_alloc : memref<!tpu.dma_semaphore, #tpu.memory_space<semaphore_mem>>
        %dma_start3A_405 = arith.constant 0 : i32
        %dma_start3A_406 = tpu.memref_slice %arg11[%run_scoped3A_403, %dma_start3A_405] : memref<2x128xi32, #tpu.memory_space<vmem>> -> memref<1x128xi32, #tpu.memory_space<vmem>>
        %dma_start3A_407 = tpu.memref_squeeze %dma_start3A_406 : memref<1x128xi32, #tpu.memory_space<vmem>> -> memref<128xi32, #tpu.memory_space<vmem>>
        %dma_start3A_408 = arith.constant 0 : i32
        %dma_start3A_409 = arith.constant 0 : i32
        %dma_start3A_410 = tpu.memref_slice %arg7[%dma_start3A_408, %dma_start3A_409] : memref<10112x128xf32, #tpu.memory_space<vmem_shared>> -> memref<10112x128xf32, #tpu.memory_space<vmem_shared>>
        tpu.enqueue_indirect_dma source(%arg13 : memref<128x128xf32, #tpu.memory_space<vmem>>) target(%dma_start3A_410 : memref<10112x128xf32, #tpu.memory_space<vmem_shared>>) offsets(%dma_start3A_407 : memref<128xi32, #tpu.memory_space<vmem>>) semaphore(%run_scoped3A_404 : memref<!tpu.dma_semaphore, #tpu.memory_space<semaphore_mem>>) {add = true}
        %dma_wait3A_411 = arith.constant 0 : i32
        %dma_wait3A_412 = tpu.memref_slice %arg11[%run_scoped3A_403, %dma_wait3A_411] : memref<2x128xi32, #tpu.memory_space<vmem>> -> memref<1x128xi32, #tpu.memory_space<vmem>>
        %dma_wait3A_413 = tpu.memref_squeeze %dma_wait3A_412 : memref<1x128xi32, #tpu.memory_space<vmem>> -> memref<128xi32, #tpu.memory_space<vmem>>
        %dma_wait3A_414 = arith.constant 0 : i32
        %dma_wait3A_415 = arith.constant 0 : i32
        %dma_wait3A_416 = tpu.memref_slice %arg7[%dma_wait3A_414, %dma_wait3A_415] : memref<10112x128xf32, #tpu.memory_space<vmem_shared>> -> memref<10112x128xf32, #tpu.memory_space<vmem_shared>>
        tpu.wait_indirect_dma semaphore(%run_scoped3A_404 : memref<!tpu.dma_semaphore, #tpu.memory_space<semaphore_mem>>) src(%arg13 : memref<128x128xf32, #tpu.memory_space<vmem>>) dst(%dma_wait3A_416 : memref<10112x128xf32, #tpu.memory_space<vmem_shared>>)
        tpu.yield
      }) : () -> ()
    }
    %scan3A_193 = arith.constant 40 : i32
    %barrier3A_194 = arith.constant 0 : index
    tpu.barrier barrier_id(%barrier3A_194)
    "tpu.region"() ({
      %run_scoped3A = tpu.sem_alloc : memref<!tpu.dma_semaphore, #tpu.memory_space<semaphore_mem>>
      %dma_start3A_195 = arith.constant 0 : i32
      %dma_start3A_196 = arith.constant 0 : i32
      %dma_start3A_197 = tpu.memref_slice %arg6[%arg0, %dma_start3A_195, %dma_start3A_196] : memref<2x10112x128xf32, #tpu.memory_space<hbm>> -> memref<1x10112x128xf32, #tpu.memory_space<hbm>>
      %dma_start3A_198 = tpu.memref_squeeze %dma_start3A_197 : memref<1x10112x128xf32, #tpu.memory_space<hbm>> -> memref<10112x128xf32, #tpu.memory_space<hbm>>
      %dma_start3A_199 = arith.constant 0 : i32
      %dma_start3A_200 = tpu.memref_slice %dma_start3A_198[%mul3A_2, %dma_start3A_199] : memref<10112x128xf32, #tpu.memory_space<hbm>> -> memref<632x128xf32, #tpu.memory_space<hbm>>
      %dma_start3A_201 = arith.constant 0 : i32
      %dma_start3A_202 = tpu.memref_slice %arg7[%mul3A_2, %dma_start3A_201] : memref<10112x128xf32, #tpu.memory_space<vmem_shared>> -> memref<632x128xf32, #tpu.memory_space<vmem_shared>>
      tpu.enqueue_dma source(%dma_start3A_202 : memref<632x128xf32, #tpu.memory_space<vmem_shared>>) target(%dma_start3A_200 : memref<632x128xf32, #tpu.memory_space<hbm>>) target_semaphore(%run_scoped3A : memref<!tpu.dma_semaphore, #tpu.memory_space<semaphore_mem>>)
      %dma_wait3A = arith.constant 0 : i32
      %dma_wait3A_203 = arith.constant 0 : i32
      %dma_wait3A_204 = tpu.memref_slice %arg6[%arg0, %dma_wait3A, %dma_wait3A_203] : memref<2x10112x128xf32, #tpu.memory_space<hbm>> -> memref<1x10112x128xf32, #tpu.memory_space<hbm>>
      %dma_wait3A_205 = tpu.memref_squeeze %dma_wait3A_204 : memref<1x10112x128xf32, #tpu.memory_space<hbm>> -> memref<10112x128xf32, #tpu.memory_space<hbm>>
      %dma_wait3A_206 = arith.constant 0 : i32
      %dma_wait3A_207 = tpu.memref_slice %dma_wait3A_205[%mul3A_2, %dma_wait3A_206] : memref<10112x128xf32, #tpu.memory_space<hbm>> -> memref<632x128xf32, #tpu.memory_space<hbm>>
      %dma_wait3A_208 = arith.constant 0 : i32
      %dma_wait3A_209 = tpu.memref_slice %arg7[%mul3A_2, %dma_wait3A_208] : memref<10112x128xf32, #tpu.memory_space<vmem_shared>> -> memref<632x128xf32, #tpu.memory_space<vmem_shared>>
      tpu.wait_dma2 semaphore(%run_scoped3A : memref<!tpu.dma_semaphore, #tpu.memory_space<semaphore_mem>>) src(%dma_wait3A_209 : memref<632x128xf32, #tpu.memory_space<vmem_shared>>) dst(%dma_wait3A_207 : memref<632x128xf32, #tpu.memory_space<hbm>>)
      tpu.yield
    }) : () -> ()
    return
  }
}

module attributes {stable_mosaic.version = 14 : i64} {
  func.func @_mm1_body(%arg0: i32, %arg1: memref<2x400x128xf32, #tpu.memory_space<vmem>>, %arg2: memref<400x128xf32, #tpu.memory_space<vmem>>, %arg3: memref<128x128xf32, #tpu.memory_space<vmem>>, %arg4: memref<400x128xf32, #tpu.memory_space<vmem>>, %arg5: memref<400x1xf32, #tpu.memory_space<vmem>>) attributes {dimension_semantics = [#tpu.dimension_semantics<arbitrary>], iteration_bounds = array<i64: 25>, scalar_prefetch = 0 : i64, scratch_operands = 0 : i64, tpu.core_type = #tpu.core_type<tc>, window_params = [{transform_indices = @transform_0, window_bounds = array<i64: 2, 400, 128>}, {transform_indices = @transform_1, window_bounds = array<i64: 400, 128>}, {pipeline_mode = #tpu.pipeline_mode<synchronous>, transform_indices = @transform_2, window_bounds = array<i64: 128, 128>}, {transform_indices = @transform_3, window_bounds = array<i64: 400, 128>}, {transform_indices = @transform_4, window_bounds = array<i64: 400, 1>}]} {
    %get3A = arith.constant 0 : index
    %get3A_0 = arith.constant 0 : index
    %get3A_1 = arith.constant 0 : index
    %get3A_2 = vector.load %arg1[%get3A, %get3A_0, %get3A_1] : memref<2x400x128xf32, #tpu.memory_space<vmem>>, vector<2x400x128xf32>
    %slice3A = vector.extract_strided_slice %get3A_2 {offsets = [0, 0, 0], sizes = [1, 400, 1], strides = [1, 1, 1]} : vector<2x400x128xf32> to vector<1x400x1xf32>
    %squeeze3A = vector.shape_cast %slice3A : vector<1x400x1xf32> to vector<400xf32>
    %slice3A_3 = vector.extract_strided_slice %get3A_2 {offsets = [1, 0, 0], sizes = [1, 400, 1], strides = [1, 1, 1]} : vector<2x400x128xf32> to vector<1x400x1xf32>
    %squeeze3A_4 = vector.shape_cast %slice3A_3 : vector<1x400x1xf32> to vector<400xf32>
    %add3A = arith.addf %squeeze3A, %squeeze3A_4 : vector<400xf32>
    %add3A_5 = arith.constant 1.000000e+00 : f32
    %add3A_6 = vector.broadcast %add3A_5 : f32 to vector<400xf32>
    %add3A_7 = arith.addf %add3A, %add3A_6 : vector<400xf32>
    %rsqrt3A = math.rsqrt %add3A_7 : vector<400xf32>
    %get3A_8 = arith.constant 0 : index
    %get3A_9 = arith.constant 0 : index
    %get3A_10 = vector.load %arg2[%get3A_8, %get3A_9] : memref<400x128xf32, #tpu.memory_space<vmem>>, vector<400x128xf32>
    %get3A_11 = arith.constant 0 : index
    %get3A_12 = arith.constant 0 : index
    %get3A_13 = vector.load %arg3[%get3A_11, %get3A_12] : memref<128x128xf32, #tpu.memory_space<vmem>>, vector<128x128xf32>
    %dot_general3A = arith.constant dense<0.000000e+00> : vector<400x128xf32>
    %dot_general3A_14 = tpu.matmul %get3A_10, %get3A_13, %dot_general3A {dimension_numbers = #tpu.dot_dimension_numbers<[1], [0], [0], [1], [0, 0, 1, 1], [], []>, transpose_lhs_hint = false} : vector<400x128xf32>, vector<128x128xf32>, vector<400x128xf32> -> vector<400x128xf32>
    %broadcast_in_dim3A = vector.shape_cast %rsqrt3A : vector<400xf32> to vector<400x1xf32>
    %mul3A = vector.broadcast %broadcast_in_dim3A : vector<400x1xf32> to vector<400x128xf32>
    %mul3A_15 = arith.mulf %dot_general3A_14, %mul3A : vector<400x128xf32>
    %swap3A = arith.constant 0 : index
    %swap3A_16 = arith.constant 0 : index
    %swap3A_17 = vector.load %arg4[%swap3A, %swap3A_16] : memref<400x128xf32, #tpu.memory_space<vmem>>, vector<400x128xf32>
    tpu.vector_store %arg4[%swap3A, %swap3A_16], %mul3A_15 {strides = array<i32>} : memref<400x128xf32, #tpu.memory_space<vmem>>, vector<400x128xf32>,
    %broadcast_in_dim3A_18 = vector.shape_cast %rsqrt3A : vector<400xf32> to vector<400x1xf32>
    %swap3A_19 = arith.constant 0 : index
    %swap3A_20 = arith.constant 0 : index
    %swap3A_21 = vector.load %arg5[%swap3A_19, %swap3A_20] : memref<400x1xf32, #tpu.memory_space<vmem>>, vector<400x1xf32>
    tpu.vector_store %arg5[%swap3A_19, %swap3A_20], %broadcast_in_dim3A_18 {strides = array<i32>} : memref<400x1xf32, #tpu.memory_space<vmem>>, vector<400x1xf32>,
    return
  }
  func.func @transform_0(%arg0: i32) -> (i32, i32, i32) {
    %c0_i32 = arith.constant 0 : i32
    %c0_i32_0 = arith.constant 0 : i32
    %c0_i32_1 = arith.constant 0 : i32
    return %c0_i32, %arg0, %c0_i32_0 : i32, i32, i32
  }
  func.func @transform_1(%arg0: i32) -> (i32, i32) {
    %c0_i32 = arith.constant 0 : i32
    %c0_i32_0 = arith.constant 0 : i32
    return %arg0, %c0_i32 : i32, i32
  }
  func.func @transform_2(%arg0: i32) -> (i32, i32) {
    %c0_i32 = arith.constant 0 : i32
    %c0_i32_0 = arith.constant 0 : i32
    %c0_i32_1 = arith.constant 0 : i32
    return %c0_i32, %c0_i32_0 : i32, i32
  }
  func.func @transform_3(%arg0: i32) -> (i32, i32) {
    %c0_i32 = arith.constant 0 : i32
    %c0_i32_0 = arith.constant 0 : i32
    return %arg0, %c0_i32 : i32, i32
  }
  func.func @transform_4(%arg0: i32) -> (i32, i32) {
    %c0_i32 = arith.constant 0 : i32
    %c0_i32_0 = arith.constant 0 : i32
    return %arg0, %c0_i32 : i32, i32
  }
}

module attributes {stable_mosaic.version = 14 : i64} {
  func.func @_fuse2_body(%arg0: i32, %arg1: memref<2x400x128xf32, #tpu.memory_space<vmem>>, %arg2: memref<400x128xf32, #tpu.memory_space<vmem>>, %arg3: memref<400x1xf32, #tpu.memory_space<vmem>>, %arg4: memref<1x128xf32, #tpu.memory_space<vmem>>, %arg5: memref<128x128xf32, #tpu.memory_space<vmem>>, %arg6: memref<400x128xf32, #tpu.memory_space<vmem>>) attributes {dimension_semantics = [#tpu.dimension_semantics<arbitrary>], iteration_bounds = array<i64: 25>, scalar_prefetch = 0 : i64, scratch_operands = 0 : i64, tpu.core_type = #tpu.core_type<tc>, window_params = [{transform_indices = @transform_0, window_bounds = array<i64: 2, 400, 128>}, {transform_indices = @transform_1, window_bounds = array<i64: 400, 128>}, {transform_indices = @transform_2, window_bounds = array<i64: 400, 1>}, {pipeline_mode = #tpu.pipeline_mode<synchronous>, transform_indices = @transform_3, window_bounds = array<i64: 1, 128>}, {pipeline_mode = #tpu.pipeline_mode<synchronous>, transform_indices = @transform_4, window_bounds = array<i64: 128, 128>}, {transform_indices = @transform_5, window_bounds = array<i64: 400, 128>}]} {
    %get3A = arith.constant 0 : index
    %get3A_0 = arith.constant 0 : index
    %get3A_1 = arith.constant 0 : index
    %get3A_2 = vector.load %arg1[%get3A, %get3A_0, %get3A_1] : memref<2x400x128xf32, #tpu.memory_space<vmem>>, vector<2x400x128xf32>
    %slice3A = vector.extract_strided_slice %get3A_2 {offsets = [0, 0, 0], sizes = [1, 400, 128], strides = [1, 1, 1]} : vector<2x400x128xf32> to vector<1x400x128xf32>
    %squeeze3A = vector.shape_cast %slice3A : vector<1x400x128xf32> to vector<400x128xf32>
    %slice3A_3 = vector.extract_strided_slice %get3A_2 {offsets = [1, 0, 0], sizes = [1, 400, 128], strides = [1, 1, 1]} : vector<2x400x128xf32> to vector<1x400x128xf32>
    %squeeze3A_4 = vector.shape_cast %slice3A_3 : vector<1x400x128xf32> to vector<400x128xf32>
    %add3A = arith.addf %squeeze3A, %squeeze3A_4 : vector<400x128xf32>
    %get3A_5 = arith.constant 0 : index
    %get3A_6 = arith.constant 0 : index
    %get3A_7 = vector.load %arg2[%get3A_5, %get3A_6] : memref<400x128xf32, #tpu.memory_space<vmem>>, vector<400x128xf32>
    %add3A_8 = arith.addf %add3A, %get3A_7 : vector<400x128xf32>
    %get3A_9 = arith.constant 0 : index
    %get3A_10 = arith.constant 0 : index
    %get3A_11 = vector.load %arg3[%get3A_9, %get3A_10] : memref<400x1xf32, #tpu.memory_space<vmem>>, vector<400x1xf32>
    %mul3A = vector.broadcast %get3A_11 : vector<400x1xf32> to vector<400x128xf32>
    %mul3A_12 = arith.mulf %add3A_8, %mul3A : vector<400x128xf32>
    %get3A_13 = arith.constant 0 : index
    %get3A_14 = arith.constant 0 : index
    %get3A_15 = vector.load %arg4[%get3A_13, %get3A_14] : memref<1x128xf32, #tpu.memory_space<vmem>>, vector<1x128xf32>
    %add3A_16 = vector.broadcast %get3A_15 : vector<1x128xf32> to vector<400x128xf32>
    %add3A_17 = arith.addf %mul3A_12, %add3A_16 : vector<400x128xf32>
    %max3A = arith.constant 0.000000e+00 : f32
    %max3A_18 = vector.broadcast %max3A : f32 to vector<400x128xf32>
    %max3A_19 = arith.maximumf %add3A_17, %max3A_18 : vector<400x128xf32>
    %get3A_20 = arith.constant 0 : index
    %get3A_21 = arith.constant 0 : index
    %get3A_22 = vector.load %arg5[%get3A_20, %get3A_21] : memref<128x128xf32, #tpu.memory_space<vmem>>, vector<128x128xf32>
    %dot_general3A = arith.constant dense<0.000000e+00> : vector<400x128xf32>
    %dot_general3A_23 = tpu.matmul %max3A_19, %get3A_22, %dot_general3A {dimension_numbers = #tpu.dot_dimension_numbers<[1], [0], [0], [1], [0, 0, 1, 1], [], []>, transpose_lhs_hint = false} : vector<400x128xf32>, vector<128x128xf32>, vector<400x128xf32> -> vector<400x128xf32>
    %mul3A_24 = vector.broadcast %get3A_11 : vector<400x1xf32> to vector<400x128xf32>
    %mul3A_25 = arith.mulf %dot_general3A_23, %mul3A_24 : vector<400x128xf32>
    %swap3A = arith.constant 0 : index
    %swap3A_26 = arith.constant 0 : index
    %swap3A_27 = vector.load %arg6[%swap3A, %swap3A_26] : memref<400x128xf32, #tpu.memory_space<vmem>>, vector<400x128xf32>
    tpu.vector_store %arg6[%swap3A, %swap3A_26], %mul3A_25 {strides = array<i32>} : memref<400x128xf32, #tpu.memory_space<vmem>>, vector<400x128xf32>,
    return
  }
  func.func @transform_0(%arg0: i32) -> (i32, i32, i32) {
    %c0_i32 = arith.constant 0 : i32
    %c0_i32_0 = arith.constant 0 : i32
    %c0_i32_1 = arith.constant 0 : i32
    return %c0_i32, %arg0, %c0_i32_0 : i32, i32, i32
  }
  func.func @transform_1(%arg0: i32) -> (i32, i32) {
    %c0_i32 = arith.constant 0 : i32
    %c0_i32_0 = arith.constant 0 : i32
    return %arg0, %c0_i32 : i32, i32
  }
  func.func @transform_2(%arg0: i32) -> (i32, i32) {
    %c0_i32 = arith.constant 0 : i32
    %c0_i32_0 = arith.constant 0 : i32
    return %arg0, %c0_i32 : i32, i32
  }
  func.func @transform_3(%arg0: i32) -> (i32, i32) {
    %c0_i32 = arith.constant 0 : i32
    %c0_i32_0 = arith.constant 0 : i32
    %c0_i32_1 = arith.constant 0 : i32
    return %c0_i32, %c0_i32_0 : i32, i32
  }
  func.func @transform_4(%arg0: i32) -> (i32, i32) {
    %c0_i32 = arith.constant 0 : i32
    %c0_i32_0 = arith.constant 0 : i32
    %c0_i32_1 = arith.constant 0 : i32
    return %c0_i32, %c0_i32_0 : i32, i32
  }
  func.func @transform_5(%arg0: i32) -> (i32, i32) {
    %c0_i32 = arith.constant 0 : i32
    %c0_i32_0 = arith.constant 0 : i32
    return %arg0, %c0_i32 : i32, i32
  }
}

module attributes {stable_mosaic.version = 14 : i64} {
  func.func @_fuse3_body(%arg0: i32, %arg1: memref<2x400x128xf32, #tpu.memory_space<vmem>>, %arg2: memref<400x128xf32, #tpu.memory_space<vmem>>, %arg3: memref<400x1xf32, #tpu.memory_space<vmem>>, %arg4: memref<1x128xf32, #tpu.memory_space<vmem>>, %arg5: memref<128x40xf32, #tpu.memory_space<vmem>>, %arg6: memref<1x40xf32, #tpu.memory_space<vmem>>, %arg7: memref<400x40xf32, #tpu.memory_space<vmem>>) attributes {dimension_semantics = [#tpu.dimension_semantics<arbitrary>], iteration_bounds = array<i64: 25>, scalar_prefetch = 0 : i64, scratch_operands = 0 : i64, tpu.core_type = #tpu.core_type<tc>, window_params = [{transform_indices = @transform_0, window_bounds = array<i64: 2, 400, 128>}, {transform_indices = @transform_1, window_bounds = array<i64: 400, 128>}, {transform_indices = @transform_2, window_bounds = array<i64: 400, 1>}, {pipeline_mode = #tpu.pipeline_mode<synchronous>, transform_indices = @transform_3, window_bounds = array<i64: 1, 128>}, {pipeline_mode = #tpu.pipeline_mode<synchronous>, transform_indices = @transform_4, window_bounds = array<i64: 128, 40>}, {pipeline_mode = #tpu.pipeline_mode<synchronous>, transform_indices = @transform_5, window_bounds = array<i64: 1, 40>}, {transform_indices = @transform_6, window_bounds = array<i64: 400, 40>}]} {
    %get3A = arith.constant 0 : index
    %get3A_0 = arith.constant 0 : index
    %get3A_1 = arith.constant 0 : index
    %get3A_2 = vector.load %arg1[%get3A, %get3A_0, %get3A_1] : memref<2x400x128xf32, #tpu.memory_space<vmem>>, vector<2x400x128xf32>
    %slice3A = vector.extract_strided_slice %get3A_2 {offsets = [0, 0, 0], sizes = [1, 400, 128], strides = [1, 1, 1]} : vector<2x400x128xf32> to vector<1x400x128xf32>
    %squeeze3A = vector.shape_cast %slice3A : vector<1x400x128xf32> to vector<400x128xf32>
    %slice3A_3 = vector.extract_strided_slice %get3A_2 {offsets = [1, 0, 0], sizes = [1, 400, 128], strides = [1, 1, 1]} : vector<2x400x128xf32> to vector<1x400x128xf32>
    %squeeze3A_4 = vector.shape_cast %slice3A_3 : vector<1x400x128xf32> to vector<400x128xf32>
    %add3A = arith.addf %squeeze3A, %squeeze3A_4 : vector<400x128xf32>
    %get3A_5 = arith.constant 0 : index
    %get3A_6 = arith.constant 0 : index
    %get3A_7 = vector.load %arg2[%get3A_5, %get3A_6] : memref<400x128xf32, #tpu.memory_space<vmem>>, vector<400x128xf32>
    %add3A_8 = arith.addf %add3A, %get3A_7 : vector<400x128xf32>
    %get3A_9 = arith.constant 0 : index
    %get3A_10 = arith.constant 0 : index
    %get3A_11 = vector.load %arg3[%get3A_9, %get3A_10] : memref<400x1xf32, #tpu.memory_space<vmem>>, vector<400x1xf32>
    %mul3A = vector.broadcast %get3A_11 : vector<400x1xf32> to vector<400x128xf32>
    %mul3A_12 = arith.mulf %add3A_8, %mul3A : vector<400x128xf32>
    %get3A_13 = arith.constant 0 : index
    %get3A_14 = arith.constant 0 : index
    %get3A_15 = vector.load %arg4[%get3A_13, %get3A_14] : memref<1x128xf32, #tpu.memory_space<vmem>>, vector<1x128xf32>
    %add3A_16 = vector.broadcast %get3A_15 : vector<1x128xf32> to vector<400x128xf32>
    %add3A_17 = arith.addf %mul3A_12, %add3A_16 : vector<400x128xf32>
    %get3A_18 = arith.constant 0 : index
    %get3A_19 = arith.constant 0 : index
    %get3A_20 = vector.load %arg5[%get3A_18, %get3A_19] : memref<128x40xf32, #tpu.memory_space<vmem>>, vector<128x40xf32>
    %dot_general3A = arith.constant dense<0.000000e+00> : vector<400x40xf32>
    %dot_general3A_21 = tpu.matmul %add3A_17, %get3A_20, %dot_general3A {dimension_numbers = #tpu.dot_dimension_numbers<[1], [0], [0], [1], [0, 0, 1, 1], [], []>, transpose_lhs_hint = false} : vector<400x128xf32>, vector<128x40xf32>, vector<400x40xf32> -> vector<400x40xf32>
    %get3A_22 = arith.constant 0 : index
    %get3A_23 = arith.constant 0 : index
    %get3A_24 = vector.load %arg6[%get3A_22, %get3A_23] : memref<1x40xf32, #tpu.memory_space<vmem>>, vector<1x40xf32>
    %add3A_25 = vector.broadcast %get3A_24 : vector<1x40xf32> to vector<400x40xf32>
    %add3A_26 = arith.addf %dot_general3A_21, %add3A_25 : vector<400x40xf32>
    %swap3A = arith.constant 0 : index
    %swap3A_27 = arith.constant 0 : index
    %swap3A_28 = vector.load %arg7[%swap3A, %swap3A_27] : memref<400x40xf32, #tpu.memory_space<vmem>>, vector<400x40xf32>
    tpu.vector_store %arg7[%swap3A, %swap3A_27], %add3A_26 {strides = array<i32>} : memref<400x40xf32, #tpu.memory_space<vmem>>, vector<400x40xf32>,
    return
  }
  func.func @transform_0(%arg0: i32) -> (i32, i32, i32) {
    %c0_i32 = arith.constant 0 : i32
    %c0_i32_0 = arith.constant 0 : i32
    %c0_i32_1 = arith.constant 0 : i32
    return %c0_i32, %arg0, %c0_i32_0 : i32, i32, i32
  }
  func.func @transform_1(%arg0: i32) -> (i32, i32) {
    %c0_i32 = arith.constant 0 : i32
    %c0_i32_0 = arith.constant 0 : i32
    return %arg0, %c0_i32 : i32, i32
  }
  func.func @transform_2(%arg0: i32) -> (i32, i32) {
    %c0_i32 = arith.constant 0 : i32
    %c0_i32_0 = arith.constant 0 : i32
    return %arg0, %c0_i32 : i32, i32
  }
  func.func @transform_3(%arg0: i32) -> (i32, i32) {
    %c0_i32 = arith.constant 0 : i32
    %c0_i32_0 = arith.constant 0 : i32
    %c0_i32_1 = arith.constant 0 : i32
    return %c0_i32, %c0_i32_0 : i32, i32
  }
  func.func @transform_4(%arg0: i32) -> (i32, i32) {
    %c0_i32 = arith.constant 0 : i32
    %c0_i32_0 = arith.constant 0 : i32
    %c0_i32_1 = arith.constant 0 : i32
    return %c0_i32, %c0_i32_0 : i32, i32
  }
  func.func @transform_5(%arg0: i32) -> (i32, i32) {
    %c0_i32 = arith.constant 0 : i32
    %c0_i32_0 = arith.constant 0 : i32
    %c0_i32_1 = arith.constant 0 : i32
    return %c0_i32, %c0_i32_0 : i32, i32
  }
  func.func @transform_6(%arg0: i32) -> (i32, i32) {
    %c0_i32 = arith.constant 0 : i32
    %c0_i32_0 = arith.constant 0 : i32
    return %arg0, %c0_i32 : i32, i32
  }
}

</mosaic_0001>

<sc_bundles>
// kernel: kernel.11.cloned.1.call-start
scs
__scs_entry_jumppad:
0x0: {  	(pc) =	sbr.rel $0x88, $3  }
0x1: {  	(tag) =	ssettag $0x0;
	lr =	simm.s32 $0x1  }
0x2: {  	[smem:$0x3F99] =	sst lr;
	_ =	strace $0xD0000000  }
0x3: {  	_ = 	snop  }
0x4: {  	_ = 	snop  }
0x5: {  	_ = 	snop  }
0x6: {  	_ = 	snop  }
0x7: {  	_ = 	snop  }
__scs_overlays_trampoline_lowered:
0x8: {  	[smem:$0x3FA8] =	sst s0  }
0x9: {  	[smem:$0x3FA9] =	sst s1  }
0xa: {  	[smem:$0x3FAA] =	sst s2  }
0xb: {  	[smem:$0x3FAB] =	sst s3  }
0xc: {  	[smem:$0x3FAC] =	sst s4  }
0xd: {  	[smem:$0x3FAD] =	sst s5  }
0xe: {  	[smem:$0x3FAE] =	sst s6  }
0xf: {  	[smem:$0x3FAF] =	sst s7  }
0x10: {  	[smem:$0x3FB0] =	sst s8  }
0x11: {  	[smem:$0x3FB1] =	sst s9;
	s0 =	simm.s32 @!p0 $0x0  }
0x12: {  	s1 =	sld [smem:$0x3F97];
	s0 =	simm.s32 @p0 $0x1  }
0x13: {  	[smem:$0x3FB2] =	sst s0;
	s0 =	simm.s32 @!p1 $0x0  }
0x14: {  	s2 =	sld [smem:$0x3F96];
	s0 =	simm.s32 @p1 $0x1  }
0x15: {  	[smem:$0x3FB3] =	sst s0;
	s0 =	simm.s32 @!p2 $0x0  }
0x16: {  	s3 =	sld [smem:$0x3FDB];
	s0 =	simm.s32 @p2 $0x1  }
0x17: {  	s4 =	simm.s32 $0x1BF5;
	[smem:$0x3FB5] =	sst s0  }
0x18: {  	s0 =	sld [smem:$0x3F98];
	_ =	swait.ge [sflag:s4], $0x0  }
0x19: {  	s7 =	sld [smem:$0x3F99]  }
0x1a: {  	s8 =	sadd.s32 $0xFFFFE003, lr  }
0x1b: {  	s9 =	sadd.s32 $0xFFFFFEF7, lr;
	s5 =	simm.s32 $0xFFFFFFFF;
	p2 =	slt.u32 s8, $0xFFFFF086  }
0x1c: {  	p1 =	slt.u32 s9, $0xF7A;
	s5 =	simm.s32 @!p2 $0x0  }
0x1d: {  	s5 =	simm.s32 @p1 $0x1;
	p0 =	seq.s32 s7, s2  }
0x1e: {  	s7 =	smul.u32 @!p0 $0xF7A, s2;
	p2 =	seq.s32 @!p0 s5, $0x0  }
0x1f: {  	s9 =	smul.u32 $0xF7A, s1;
	s8 =	simm.s32 @!p0 $0x1BF5;
	p2 =	por !p2, p0  }
0x20: {  	[sflag:s8] =	ssyncset.s32 @!p0 $0xFFFFF086;
	s6 =	sadd.s32 @!p0 s3, s7;
	s7 =	simm.s32 @!p0 $0x108  }
0x21: {  	s3 =	sadd.s32 s3, s9;
	s6 =	sadd.s32 @!p0 $0x88, s6;
	s7 =	simm.s32 @p2 $0x1082  }
0x22: {  	[simem:s7], [sflag:s8] =	dma.local @!p0 [hbm:s6], $0xF7A  }
0x23: {  	s9 =	sor.u32 $0xD0000000, s2;
	s6 =	simm.s32 $0x108;
	_ =	swait.ge @!p0 [sflag:s8], $0x0  }
0x24: {  	s3 =	sadd.s32 $0x88, s3;
	s6 =	simm.s32 @!p1 $0x1082;
	[sflag:s4] =	ssyncset.s32 $0xFFFFF086  }
0x25: {  	[simem:s6], [sflag:s4] =	dma.local [hbm:s3], $0xF7A  }
0x26: {  	[smem:$0x3F99] =	sst s1;
	(tag) =	ssettag s2;
	_ =	strace s9  }
0x27: {  	s1 =	sld [smem:$0x3FA9]  }
0x28: {  	s2 =	sld [smem:$0x3FAA]  }
0x29: {  	s4 =	sld [smem:$0x3FAC]  }
0x2a: {  	p0 =	seq.s32 s5, $0x0;
	s5 =	sld [smem:$0x3FAD]  }
0x2b: {  	s6 =	sld [smem:$0x3FAE]  }
0x2c: {  	s7 =	sld [smem:$0x3FAF]  }
0x2d: {  	s3 =	simm.s32 $0x108;
	s8 =	sld [smem:$0x3FB0]  }
0x2e: {  	s3 =	simm.s32 @!p0 $0x1082;
	s9 =	sld [smem:$0x3FB1]  }
0x2f: {  	lr =	sadd.s32 s0, s3;
	s0 =	sld [smem:$0x3FA8]  }
0x30: {  	s3 =	sld [smem:$0x3FAB]  }
0x31: {  	[smem:$0x3FB4] =	sst s10  }
0x32: {  	s10 =	sld [smem:$0x3FB2];
	_ =	sdelay $0x3  }
0x33: {  	p0 =	seq.s32 s10, $0x1;
	s10 =	sld [smem:$0x3FB4];
	_ =	sdelay $0x3  }
0x34: {  	[smem:$0x3FB4] =	sst s10  }
0x35: {  	s10 =	sld [smem:$0x3FB3];
	_ =	sdelay $0x3  }
0x36: {  	p1 =	seq.s32 s10, $0x1;
	s10 =	sld [smem:$0x3FB4];
	_ =	sdelay $0x3  }
0x37: {  	[smem:$0x3FB4] =	sst s10  }
0x38: {  	s10 =	sld [smem:$0x3FB5]  }
0x39: {  	_ = 	snop;
	(pc) =	sbr.ind lr, $3  }
0x3a: {  	_ = 	snop  }
0x3b: {  	_ = 	snop  }
0x3c: {  	p2 =	seq.s32 s10, $0x1;
	s10 =	sld [smem:$0x3FB4]  }
0x3d: {  	_ =	shalt  }
0x3e: {  	_ =	shalt  }
0x3f: {  	_ =	shalt  }
0x40: {  	_ =	shalt  }
0x41: {  	_ =	shalt  }
0x42: {  	_ =	shalt  }
0x43: {  	_ =	shalt  }
0x44: {  	_ =	shalt  }
0x45: {  	_ =	shalt  }
0x46: {  	_ =	shalt  }
0x47: {  	_ =	shalt  }
0x48: {  	_ =	shalt  }
0x49: {  	_ =	shalt  }
0x4a: {  	_ =	shalt  }
0x4b: {  	_ =	shalt  }
0x4c: {  	_ =	shalt  }
0x4d: {  	_ =	shalt  }
0x4e: {  	_ =	shalt  }
0x4f: {  	_ =	shalt  }
0x50: {  	_ =	shalt  }
0x51: {  	_ =	shalt  }
0x52: {  	_ =	shalt  }
0x53: {  	_ =	shalt  }
0x54: {  	_ =	shalt  }
0x55: {  	_ =	shalt  }
0x56: {  	_ =	shalt  }
0x57: {  	_ =	shalt  }
0x58: {  	_ =	shalt  }
0x59: {  	_ =	shalt  }
0x5a: {  	_ =	shalt  }
0x5b: {  	_ =	shalt  }
0x5c: {  	_ =	shalt  }
0x5d: {  	_ =	shalt  }
0x5e: {  	_ =	shalt  }
0x5f: {  	_ =	shalt  }
0x60: {  	_ =	shalt  }
0x61: {  	_ =	shalt  }
0x62: {  	_ =	shalt  }
0x63: {  	_ =	shalt  }
0x64: {  	_ =	shalt  }
0x65: {  	_ =	shalt  }
0x66: {  	_ =	shalt  }
0x67: {  	_ =	shalt  }
0x68: {  	_ =	shalt  }
0x69: {  	_ =	shalt  }
0x6a: {  	_ =	shalt  }
0x6b: {  	_ =	shalt  }
0x6c: {  	_ =	shalt  }
0x6d: {  	_ =	shalt  }
0x6e: {  	_ =	shalt  }
0x6f: {  	_ =	shalt  }
0x70: {  	_ =	shalt  }
0x71: {  	_ =	shalt  }
0x72: {  	_ =	shalt  }
0x73: {  	_ =	shalt  }
0x74: {  	_ =	shalt  }
0x75: {  	_ =	shalt  }
0x76: {  	_ =	shalt  }
0x77: {  	_ =	shalt  }
0x78: {  	_ =	shalt  }
0x79: {  	_ =	shalt  }
0x7a: {  	_ =	shalt  }
0x7b: {  	_ =	shalt  }
0x7c: {  	_ =	shalt  }
0x7d: {  	_ =	shalt  }
0x7e: {  	_ =	shalt  }
0x7f: {  	_ =	shalt  }
0x80: {  	_ =	shalt  }
0x81: {  	_ =	shalt  }
0x82: {  	_ =	shalt  }
0x83: {  	_ =	shalt  }
0x84: {  	_ =	shalt  }
0x85: {  	_ =	shalt  }
0x86: {  	_ =	shalt  }
0x87: {  	_ =	shalt  }
.Lfunc_end0:
.L_simem_size_0:
called_computation.1_lowered:
.L_overlay_start_0:
0x88: {  	s2 =	sld [smem:$0x3FD9]  }
0x89: {  	s3 =	sld [smem:$0x3FFE];
	_ =	sdelay $0x1  }
0x8a: {  	s1 =	srdreg.scid  }
0x8b: {  	s0 =	sand.u32 $0x1, s1  }
0x8c: {  	s16 =	sshll.u32 s0, $0xA;
	s2 =	sadd.s32 s3, s2  }
0x8d: {  	s2 =	sadd.s32 s2, s16  }
0x8e: {  	[smem:$0x3FC0] =	sst s2  }
0x8f: {  	_ = 	snop  }
0x90: {  	(tm) =	ssettm $0x1  }
0x91: {  	s17 =	sld [smem:$0x3FFB];
	_ =	sdelay $0x3  }
0x92: {  	_ =	strace s17  }
0x93: {  	s2 =	sld [smem:$0x3FFC];
	_ =	sdelay $0x3  }
0x94: {  	_ =	strace s2  }
0x95: {  	s2 =	sld [smem:$0x3FFD];
	_ =	sdelay $0x3  }
0x96: {  	_ =	strace s2  }
0x97: {  	_ =	strace $0x8FFFFFFF  }
0x98: {  	s18 =	sld [smem:$0x3FDB];
	_ =	sdelay $0x1  }
0x99: {  	s19 =	simm.s32 $_scs_section_size  }
0x9a: {  	s4 =	simm.s32 $_size__tile_overlayer_lowered;
	s5 =	simm.s32 $_tile_overlayer_lowered  }
0x9b: {  	s22 =	simm.s32 $0x1BFF;
	s21 =	sshll.u32 s5, $0x1;
	s2 =	sadd.s32 s19, s18  }
0x9c: {  	s6 =	simm.s32 $0x0;
	s20 =	sshll.u32 s4, $0x1;
	s4 =	sadd.s32 s21, s2  }
0x9d: {  	[timem:s6], [sflag:s22] =	dma.local [hbm:s4], s20  }
0x9e: {  	_ =	swait.ge [sflag:s22], s20  }
0x9f: {  	s3 =	ssub.s32 $0x0, s20;
	[sflag:s22] =	ssyncset.done $0x0  }
0xa0: {  	[sflag:s22] =	ssyncadd.s32 s3;
	_ =	sdelay $0x1  }
0xa1: {  	s23 =	simm.s32 $0x1B8B  }
0xa2: {  	_ =	swait.ge [sflag:s23], $0x1  }
0xa3: {  	[sflag:s23] =	ssyncset.done $0x0  }
0xa4: {  	s25 =	simm.s32 $0x1B8E;
	s24 =	sld [smem:$0x3FFE];
	[sflag:s23] =	ssyncadd.s32 $0xFFFFFFFF  }
0xa5: {  	s26 =	simm.s32 $execute0_lowered;
	[smem:$0x3FD2] =	sst s25  }
0xa6: {  	s4 =	sshll.u32 s26, $0x1;
	_ =	strace $0x80000049;
	[dreg:$0x1] =	wrdreg $0xFFFFFFFF  }
0xa7: {  	s28 =	simm.s32 $_size_execute0_lowered;
	s2 =	sadd.s32 s2, s4;
	[dreg:$0x0] =	wrdreg $0x0  }
0xa8: {  	s4 =	sshll.u32 s28, $0x1;
	[dreg:$0x2] =	wrdreg s2  }
0xa9: {  	[dreg:$0x3] =	wrdreg s4  }
0xaa: {  	[dreg:$0x4] =	wrdreg $0xC0  }
0xab: {  	_ =	task [dreg:s6], $0x5FFFF  }
0xac: {  	[dreg:$0x1] =	wrdreg $0xFFFFFFFF  }
0xad: {  	[dreg:$0x0] =	wrdreg $0x60  }
0xae: {  	[dreg:$0x2] =	wrdreg s24  }
0xaf: {  	[dreg:$0x3] =	wrdreg $0x0  }
0xb0: {  	[dreg:$0x4] =	wrdreg $0x9  }
0xb1: {  	_ =	task.clear_ibuf [dreg:s6], $0x5FFFF;
	_ =	strace $0x90000049  }
0xb2: {  	s29 =	simm.s32 $0x9;
	_ =	strace $0x8000004B  }
0xb3: {  	_ =	swait.ge [sflag:s29], $0x1  }
0xb4: {  	[sflag:s29] =	ssyncadd.s32 $0xFFFFFFFF  }
0xb5: {  	_ =	strace $0x9000004B  }
0xb6: {  	_ =	sfence  }
0xb7: {  	s30 =	sld [smem:$0x0];
	_ =	sdelay $0x2  }
0xb8: {  	s31 =	sshll.u32 s1, $0xD;
	s1 =	sshrl.u32 s1, $0x2  }
0xb9: {  	s3 =	sand.u32 $0x4000, s31;
	s1 =	sadd.s32 s1, s30  }
0xba: {  	s0 =	sor.u32 s3, s0;
	s1 =	sshll.u32 s1, $0x11  }
0xbb: {  	s0 =	sor.u32 s1, s0  }
0xbc: {  	s0 =	sadd.s32 $0x8F2B, s0  }
0xbd: {  	[sflag:s0] =	ssyncadd.remote.s32 $0x1  }
0xbe: {  	_ =	sfence.sel $0xFFFF  }
0xbf: {  	[dreg:$0x0] =	wrdreg $0xFFFFFFFF;
	(pc) =	sbr.abs _section_cstart, $3  }
0xc0: {  	[dreg:$0x1] =	wrdreg $0xFFFFFFFF  }
0xc1: {  	_ =	task.clear_ibuf [dreg:s6], $0x2FFFF;
	_ =	strace $0x9FFFFFFF  }
0xc2: {  	(tm) =	ssettm $0x7FFFFFFF  }
0xc3: {  	_ =	shalt  }
tec
execute0_lowered:
.L_overlay_start_1:
0x0: {  	(tag) =	ssettag $0x1  }
0x1: {  	s1 =	srdreg.scid  }
0x2: {  	s0 =	stileid.u32;
	s5 =	rddreg [dreg:$0x0]  }
0x3: {  	s2 =	rddreg [dreg:$0x1];
	s3 =	simm.s32 $0x0;
	s14 =	simm.s32 $0x80  }
0x4: {  	s15 =	simm.s32 $0x16400;
	s16 =	simm.s32 $0x16600;
	s17 =	simm.s32 $0x1  }
0x5: {  	s18 =	simm.s32 $0x16480;
	s19 =	simm.s32 $0x1A600;
	s20 =	simm.s32 $0x16500  }
0x6: {  	s21 =	simm.s32 $0x16580;
	s6 =	sand.u32 $0x1, s1;
	s1 =	rddreg [dreg:$0x2]  }
0x7: {  	s26 =	sshll.u32 s0, $0x1;
	[smem:$0x7FF] =	sst s3;
	s22 =	smul.u32 $0x2780, s0  }
0x8: {  	s28 =	smul.u32 $0x4F000, s0;
	s31 =	sshll.u32 s0, $0x6;
	s4 =	sor.u32 s6, s26  }
0x9: {  	_ =	strace $0x8000004A;
	s8 =	smul.u32 $0x27800, s6;
	s6 =	ssub.s32 $0x2, s6  }
0xa: {  	s7 =	smul.u32 $0x280, s4;
	s4 =	sadd.s32 $0x2A400, s5;
	s10 =	sadd.s32 s22, s5  }
0xb: {  	s29 =	sshrl.u32 s6, $0x1;
	s30 =	sshrl.u32 s28, $0x2;
	s11 =	sadd.s32 s8, s5  }
0xc: {  	s12 =	ssub.s32 s6, s29;
	s13 =	sadd.s32 s30, s2;
	s6 =	sor.u32 $0x1C03, s31  }
0xd: {  	s9 =	sadd.s32 s7, s5;
	s5 =	sadd.s32 $0x2C00, s10;
	s23 =	sadd.s32 $0x83C00, s11  }
0xe: {  	s10 =	sshrl.u32 s13, $0x3;
	s11 =	simm.s32 $0x3;
	s13 =	simm.s32 $0x15000  }
0xf: {  	s7 =	sadd.s32 $0x7EC00, s9;
	s8 =	sadd.s32 $0x79C00, s9;
	s9 =	smax.u32 s12, $0x1  }
0x10: {  	s12 =	simm.s32 $0x13C00;
	s22 =	sadd.s32 s22, s23;
	s23 =	simm.s32 $0x0  }
.LBB2_1:
0x11: {  	[spmem:s10], [sflag:s6] =	dma.local [hbm:s5], $0x2780  }
0x12: {  	_ =	swait.ge [sflag:s11], $0x2780  }
0x13: {  	[sflag:s11] =	ssyncset.done $0x0  }
0x14: {  	[sflag:s11] =	ssyncadd.s32 $0xFFFFD880  }
0x15: {  	[tilespmem:s12], [sflag:$0x3] =	stream.linear.gather [hbm4b:s7+s3], $0x1400, $0x38;
	[tilespmem:$0x1E600] =	vst v63  }
0x16: {  	_ =	swait.ge [sflag:s11], $0x1400  }
0x17: {  	[sflag:s11] =	ssyncset.done $0x0  }
0x18: {  	[sflag:s11] =	ssyncadd.s32 $0xFFFFEC00  }
0x19: {  	[tilespmem:s13], [sflag:$0x3] =	stream.linear.gather [hbm4b:s8+s3], $0x1400, $0x38;
	[tilespmem:$0x1E600] =	vst v63  }
0x1a: {  	_ =	swait.ge [sflag:s11], $0x1400  }
0x1b: {  	[sflag:s11] =	ssyncset.done $0x0  }
0x1c: {  	[sflag:s11] =	ssyncadd.s32 $0xFFFFEC00  }
0x1d: {  	[bflag:$0x0] =	sbarrier.arrive $0xFFFF  }
0x1e: {  	v0 =	vld [tilespmem:$0x13C00];
	_ =	sdelay $0x1  }
0x1f: {  	v1 =	vld [tilespmem:$0x15000];
	_ =	sdelay $0x1  }
0x20: {  	v2 =	vld [tilespmem:$0x13C10]  }
0x21: {  	v3 =	vand.u32 $0xFFFF, v0  }
0x22: {  	v0 =	vshrl.u32 v0, $0x10;
	[tilespmem:$0x16400] =	vst v3;
	v3 =	vld [tilespmem:$0x15010]  }
0x23: {  	[tilespmem:$0x16410] =	vst v0;
	v0 =	vand.u32 $0xFFFF, v1  }
0x24: {  	[tilespmem:$0x16500] =	vst v0;
	v0 =	vshrl.u32 v1, $0x10;
	v1 =	vld [tilespmem:$0x13C20]  }
0x25: {  	[tilespmem:$0x16510] =	vst v0;
	v0 =	vand.u32 $0xFFFF, v2  }
0x26: {  	[tilespmem:$0x16420] =	vst v0;
	v0 =	vshrl.u32 v2, $0x10;
	v2 =	vld [tilespmem:$0x15020]  }
0x27: {  	[tilespmem:$0x16430] =	vst v0;
	v0 =	vand.u32 $0xFFFF, v3  }
0x28: {  	[tilespmem:$0x16520] =	vst v0;
	v0 =	vshrl.u32 v3, $0x10;
	v3 =	vld [tilespmem:$0x13C30]  }
0x29: {  	[tilespmem:$0x16530] =	vst v0;
	v0 =	vand.u32 $0xFFFF, v1  }
0x2a: {  	[tilespmem:$0x16440] =	vst v0;
	v0 =	vshrl.u32 v1, $0x10;
	v1 =	vld [tilespmem:$0x15030]  }
0x2b: {  	[tilespmem:$0x16450] =	vst v0;
	v0 =	vand.u32 $0xFFFF, v2  }
0x2c: {  	[tilespmem:$0x16540] =	vst v0;
	v0 =	vshrl.u32 v2, $0x10  }
0x2d: {  	[tilespmem:$0x16550] =	vst v0;
	v0 =	vand.u32 $0xFFFF, v3  }
0x2e: {  	[tilespmem:$0x16460] =	vst v0;
	v0 =	vshrl.u32 v3, $0x10  }
0x2f: {  	[tilespmem:$0x16470] =	vst v0;
	v0 =	vand.u32 $0xFFFF, v1  }
0x30: {  	[tilespmem:$0x16560] =	vst v0;
	v0 =	vshrl.u32 v1, $0x10  }
0x31: {  	s24 =	simm.s32 $0x0;
	[tilespmem:$0x16570] =	vst v0  }
0x32: {  	[tilespmem:s16], [sflag:$0x1] =	stream.indirect.gather [hbm4b:s4+s14], $0x80, s15, s14, $0xb8;
	[tilespmem:$0x1E600] =	vst v63  }
0x33: {  	v0 =	vld [tilespmem:s24+$0x13C40];
	_ =	sdelay $0x1  }
0x34: {  	v1 =	vld [tilespmem:s24+$0x15040];
	_ =	sdelay $0x2  }
0x35: {  	v2 =	vand.u32 $0xFFFF, v0  }
0x36: {  	v0 =	vshrl.u32 v0, $0x10;
	[tilespmem:$0x16480] =	vst v2  }
0x37: {  	v2 =	vand.u32 $0xFFFF, v1;
	[tilespmem:$0x16490] =	vst v0  }
0x38: {  	v0 =	vshrl.u32 v1, $0x10;
	[tilespmem:$0x16580] =	vst v2  }
0x39: {  	[tilespmem:$0x16590] =	vst v0  }
0x3a: {  	v0 =	vld [tilespmem:s24+$0x13C50];
	_ =	sdelay $0x1  }
0x3b: {  	v1 =	vld [tilespmem:s24+$0x15050];
	_ =	sdelay $0x2  }
0x3c: {  	v2 =	vand.u32 $0xFFFF, v0  }
0x3d: {  	v0 =	vshrl.u32 v0, $0x10;
	[tilespmem:$0x164A0] =	vst v2  }
0x3e: {  	v2 =	vand.u32 $0xFFFF, v1;
	[tilespmem:$0x164B0] =	vst v0  }
0x3f: {  	v1 =	vshrl.u32 v1, $0x10;
	[tilespmem:$0x165A0] =	vst v2  }
0x40: {  	[tilespmem:$0x165B0] =	vst v1  }
0x41: {  	v0 =	vld [tilespmem:s24+$0x13C60];
	_ =	sdelay $0x1  }
0x42: {  	v1 =	vld [tilespmem:s24+$0x15060];
	_ =	sdelay $0x2  }
0x43: {  	v2 =	vand.u32 $0xFFFF, v0  }
0x44: {  	v0 =	vshrl.u32 v0, $0x10;
	[tilespmem:$0x164C0] =	vst v2  }
0x45: {  	v2 =	vand.u32 $0xFFFF, v1;
	[tilespmem:$0x164D0] =	vst v0  }
0x46: {  	v1 =	vshrl.u32 v1, $0x10;
	[tilespmem:$0x165C0] =	vst v2  }
0x47: {  	[tilespmem:$0x165D0] =	vst v1  }
0x48: {  	v0 =	vld [tilespmem:s24+$0x13C70];
	_ =	sdelay $0x1  }
0x49: {  	v1 =	vld [tilespmem:s24+$0x15070];
	_ =	sdelay $0x2  }
0x4a: {  	v2 =	vshrl.u32 v0, $0x10  }
0x4b: {  	v0 =	vand.u32 $0xFFFF, v0;
	[tilespmem:$0x164F0] =	vst v2  }
0x4c: {  	v2 =	vand.u32 $0xFFFF, v1;
	[tilespmem:$0x164E0] =	vst v0  }
0x4d: {  	v1 =	vshrl.u32 v1, $0x10;
	[tilespmem:$0x165E0] =	vst v2  }
0x4e: {  	[tilespmem:$0x165F0] =	vst v1  }
0x4f: {  	_ =	swait.ge [sflag:s17], $0x4000  }
0x50: {  	[sflag:s17] =	ssyncset.done $0x0  }
0x51: {  	[sflag:s17] =	ssyncadd.s32 $0xFFFFC000  }
0x52: {  	[tilespmem:s19], [sflag:$0x2] =	stream.indirect.gather [hbm4b:s4+s14], $0x80, s18, s14, $0xb8;
	[tilespmem:$0x1E600] =	vst v63  }
0x53: {  	_ = 	snop  }
0x54: {  	[spmem:s2] =	stream.indirect.scatter.add.f32 [tilespmem:s16], [sflag:$0x3], $0x80, s20, s14, $0xb8;
	[tilespmem:$0x1E600] =	vst v63  }
0x55: {  	_ =	swait.ge [sflag:s11], $0x4000  }
0x56: {  	p1 =	por $0x0, $0x0;
	[sflag:s11] =	ssyncset.done $0x0  }
0x57: {  	s24 =	simm.s32 @p1 $0x2;
	[sflag:s11] =	ssyncadd.s32 $0xFFFFC000  }
0x58: {  	_ =	swait.ge @p1 [sflag:s24], $0x4000  }
0x59: {  	[sflag:s24] =	ssyncset.done @p1 $0x0  }
0x5a: {  	s26 =	simm.s32 @!p1 $0x0;
	[sflag:s24] =	ssyncadd.s32 @p1 $0xFFFFC000  }
0x5b: {  	v0 =	vld @!p1 [tilespmem:s26+$0x13C80];
	_ =	sdelay $0x1  }
0x5c: {  	v1 =	vld @!p1 [tilespmem:s26+$0x15080];
	_ =	sdelay $0x2  }
0x5d: {  	v2 =	vand.u32 @!p1 $0xFFFF, v0  }
0x5e: {  	v0 =	vshrl.u32 @!p1 v0, $0x10;
	[tilespmem:$0x16400] =	vst @!p1 v2  }
0x5f: {  	v2 =	vshrl.u32 @!p1 v1, $0x10;
	[tilespmem:$0x16410] =	vst @!p1 v0  }
0x60: {  	v0 =	vand.u32 @!p1 $0xFFFF, v1;
	[tilespmem:$0x16510] =	vst @!p1 v2  }
0x61: {  	[tilespmem:$0x16500] =	vst @!p1 v0  }
0x62: {  	v0 =	vld @!p1 [tilespmem:s26+$0x13C90];
	_ =	sdelay $0x1  }
0x63: {  	v1 =	vld @!p1 [tilespmem:s26+$0x15090];
	_ =	sdelay $0x2  }
0x64: {  	v2 =	vand.u32 @!p1 $0xFFFF, v0  }
0x65: {  	v0 =	vshrl.u32 @!p1 v0, $0x10;
	[tilespmem:$0x16420] =	vst @!p1 v2  }
0x66: {  	v2 =	vand.u32 @!p1 $0xFFFF, v1;
	[tilespmem:$0x16430] =	vst @!p1 v0  }
0x67: {  	v0 =	vshrl.u32 @!p1 v1, $0x10;
	[tilespmem:$0x16520] =	vst @!p1 v2  }
0x68: {  	[tilespmem:$0x16530] =	vst @!p1 v0  }
0x69: {  	v1 =	vld @!p1 [tilespmem:s26+$0x13CA0]  }
0x6a: {  	s24 =	simm.s32 $0x200;
	v0 =	vld @!p1 [tilespmem:s26+$0x150A0]  }
.LBB2_2:
0x6b: {  	_ =	sdelay $0x1  }
0x6c: {  	s25 =	smov.u32 s24;
	s24 =	sadd.s32 $0x200, s24  }
0x6d: {  	p0 =	sne.s32 s24, $0x5000;
	v2 =	vand.u32 @!p1 $0xFFFF, v1;
	v1 =	vshrl.u32 @!p1 v1, $0x10  }
0x6e: {  	[tilespmem:$0x16440] =	vst @!p1 v2;
	v2 =	vand.u32 @!p1 $0xFFFF, v0;
	v0 =	vshrl.u32 @!p1 v0, $0x10  }
0x6f: {  	[tilespmem:$0x16450] =	vst @!p1 v1  }
0x70: {  	[tilespmem:$0x16550] =	vst @!p1 v0  }
0x71: {  	[tilespmem:$0x16540] =	vst @!p1 v2  }
0x72: {  	v0 =	vld @!p1 [tilespmem:s26+$0x13CB0]  }
0x73: {  	v1 =	vld @!p1 [tilespmem:s26+$0x150B0];
	_ =	sdelay $0x3  }
0x74: {  	v2 =	vand.u32 @!p1 $0xFFFF, v0;
	v0 =	vshrl.u32 @!p1 v0, $0x10  }
0x75: {  	[tilespmem:$0x16460] =	vst @!p1 v2;
	v2 =	vand.u32 @!p1 $0xFFFF, v1;
	v1 =	vshrl.u32 @!p1 v1, $0x10  }
0x76: {  	[tilespmem:$0x16470] =	vst @!p1 v0  }
0x77: {  	s26 =	simm.s32 @!p1 $0x2;
	[tilespmem:$0x16560] =	vst @!p1 v2  }
0x78: {  	[tilespmem:$0x16570] =	vst @!p1 v1  }
0x79: {  	s28 =	simm.s32 @!p1 $0x16600;
	_ =	swait.ge @!p1 [sflag:s26], $0x4000  }
0x7a: {  	s29 =	simm.s32 @!p1 $0x80;
	s30 =	simm.s32 @!p1 $0x16400;
	[sflag:s26] =	ssyncset.done @!p1 $0x0  }
0x7b: {  	[sflag:s26] =	ssyncadd.s32 @!p1 $0xFFFFC000  }
0x7c: {  	[tilespmem:s28], [sflag:$0x1] =	stream.indirect.gather @!p1 [hbm4b:s4+s29], $0x80, s30, s29, $0xb8;
	[tilespmem:$0x1E600] =	vst v63  }
0x7d: {  	_ = 	snop  }
0x7e: {  	[spmem:s2] =	stream.indirect.scatter.add.f32 [tilespmem:s19], [sflag:$0x3], $0x80, s21, s14, $0xb8;
	[tilespmem:$0x1E600] =	vst v63  }
0x7f: {  	_ =	swait.ge [sflag:s11], $0x4000  }
0x80: {  	[sflag:s11] =	ssyncset.done $0x0  }
0x81: {  	s26 =	sshra.s32 s25, $0x2;
	[sflag:s11] =	ssyncadd.s32 $0xFFFFC000  }
0x82: {  	v0 =	vld [tilespmem:s26+$0x13C40]  }
0x83: {  	v1 =	vld [tilespmem:s26+$0x15040];
	_ =	sdelay $0x3  }
0x84: {  	v2 =	vand.u32 $0xFFFF, v0;
	v0 =	vshrl.u32 v0, $0x10  }
0x85: {  	[tilespmem:$0x16480] =	vst v2;
	v2 =	vand.u32 $0xFFFF, v1;
	v1 =	vshrl.u32 v1, $0x10  }
0x86: {  	[tilespmem:$0x16490] =	vst v0  }
0x87: {  	[tilespmem:$0x16580] =	vst v2  }
0x88: {  	[tilespmem:$0x16590] =	vst v1  }
0x89: {  	v0 =	vld [tilespmem:s26+$0x13C50]  }
0x8a: {  	v1 =	vld [tilespmem:s26+$0x15050];
	_ =	sdelay $0x3  }
0x8b: {  	v2 =	vand.u32 $0xFFFF, v0;
	v0 =	vshrl.u32 v0, $0x10  }
0x8c: {  	[tilespmem:$0x164A0] =	vst v2;
	v2 =	vand.u32 $0xFFFF, v1;
	v1 =	vshrl.u32 v1, $0x10  }
0x8d: {  	[tilespmem:$0x165A0] =	vst v2  }
0x8e: {  	[tilespmem:$0x164B0] =	vst v0  }
0x8f: {  	[tilespmem:$0x165B0] =	vst v1  }
0x90: {  	v0 =	vld [tilespmem:s26+$0x13C60]  }
0x91: {  	v1 =	vld [tilespmem:s26+$0x15060];
	_ =	sdelay $0x3  }
0x92: {  	v2 =	vand.u32 $0xFFFF, v0;
	v0 =	vshrl.u32 v0, $0x10  }
0x93: {  	[tilespmem:$0x164C0] =	vst v2;
	v2 =	vand.u32 $0xFFFF, v1;
	v1 =	vshrl.u32 v1, $0x10  }
0x94: {  	[tilespmem:$0x165C0] =	vst v2  }
0x95: {  	[tilespmem:$0x164D0] =	vst v0  }
0x96: {  	[tilespmem:$0x165D0] =	vst v1  }
0x97: {  	v0 =	vld [tilespmem:s26+$0x13C70]  }
0x98: {  	v1 =	vld [tilespmem:s26+$0x15070];
	_ =	sdelay $0x3  }
0x99: {  	v2 =	vand.u32 $0xFFFF, v0;
	v0 =	vshrl.u32 v0, $0x10  }
0x9a: {  	[tilespmem:$0x164F0] =	vst v0;
	v0 =	vand.u32 $0xFFFF, v1;
	v1 =	vshrl.u32 v1, $0x10  }
0x9b: {  	[tilespmem:$0x165E0] =	vst v0  }
0x9c: {  	[tilespmem:$0x164E0] =	vst v2  }
0x9d: {  	[tilespmem:$0x165F0] =	vst v1  }
0x9e: {  	_ =	swait.ge [sflag:s17], $0x4000  }
0x9f: {  	[sflag:s17] =	ssyncset.done $0x0  }
0xa0: {  	[sflag:s17] =	ssyncadd.s32 $0xFFFFC000  }
0xa1: {  	[tilespmem:s19], [sflag:$0x2] =	stream.indirect.gather [hbm4b:s4+s14], $0x80, s18, s14, $0xb8;
	[tilespmem:$0x1E600] =	vst v63  }
0xa2: {  	_ = 	snop  }
0xa3: {  	[spmem:s2] =	stream.indirect.scatter.add.f32 [tilespmem:s16], [sflag:$0x3], $0x80, s20, s14, $0xb8;
	[tilespmem:$0x1E600] =	vst v63  }
0xa4: {  	_ =	swait.ge [sflag:s11], $0x4000  }
0xa5: {  	p1 =	seq.s32 s25, $0x4E00;
	[sflag:s11] =	ssyncset.done $0x0  }
0xa6: {  	s26 =	simm.s32 @p1 $0x2;
	[sflag:s11] =	ssyncadd.s32 $0xFFFFC000  }
0xa7: {  	_ =	swait.ge @p1 [sflag:s26], $0x4000  }
0xa8: {  	[sflag:s26] =	ssyncset.done @p1 $0x0  }
0xa9: {  	[sflag:s26] =	ssyncadd.s32 @p1 $0xFFFFC000;
	s26 =	sshra.s32 @!p1 s25, $0x2  }
0xaa: {  	v0 =	vld @!p1 [tilespmem:s26+$0x13C80]  }
0xab: {  	v1 =	vld @!p1 [tilespmem:s26+$0x15080];
	_ =	sdelay $0x3  }
0xac: {  	v2 =	vand.u32 @!p1 $0xFFFF, v0;
	v0 =	vshrl.u32 @!p1 v0, $0x10  }
0xad: {  	[tilespmem:$0x16400] =	vst @!p1 v2;
	v2 =	vand.u32 @!p1 $0xFFFF, v1;
	v1 =	vshrl.u32 @!p1 v1, $0x10  }
0xae: {  	[tilespmem:$0x16410] =	vst @!p1 v0  }
0xaf: {  	[tilespmem:$0x16510] =	vst @!p1 v1  }
0xb0: {  	[tilespmem:$0x16500] =	vst @!p1 v2  }
0xb1: {  	v0 =	vld @!p1 [tilespmem:s26+$0x13C90]  }
0xb2: {  	v1 =	vld @!p1 [tilespmem:s26+$0x15090];
	_ =	sdelay $0x3  }
0xb3: {  	v2 =	vand.u32 @!p1 $0xFFFF, v0;
	v0 =	vshrl.u32 @!p1 v0, $0x10  }
0xb4: {  	[tilespmem:$0x16420] =	vst @!p1 v2;
	v2 =	vand.u32 @!p1 $0xFFFF, v1;
	v1 =	vshrl.u32 @!p1 v1, $0x10  }
.Ltmp0:
0xb5: {  	[tilespmem:$0x16430] =	vst @!p1 v0;
	(pc) =	sbr.rel @p0 .LBB2_2-.Ltmp0, $4  }
0xb6: {  	[tilespmem:$0x16520] =	vst @!p1 v2  }
0xb7: {  	[tilespmem:$0x16530] =	vst @!p1 v1  }
0xb8: {  	v1 =	vld @!p1 [tilespmem:s26+$0x13CA0]  }
0xb9: {  	v0 =	vld @!p1 [tilespmem:s26+$0x150A0]  }
0xba: {  	_ =	sdelay $0x2  }
0xbb: {  	v2 =	vand.u32 @!p1 $0xFFFF, v1  }
0xbc: {  	v1 =	vshrl.u32 @!p1 v1, $0x10;
	[tilespmem:$0x16440] =	vst @!p1 v2  }
0xbd: {  	v2 =	vshrl.u32 @!p1 v0, $0x10;
	[tilespmem:$0x16450] =	vst @!p1 v1  }
0xbe: {  	v0 =	vand.u32 @!p1 $0xFFFF, v0;
	[tilespmem:$0x16550] =	vst @!p1 v2  }
0xbf: {  	[tilespmem:$0x16540] =	vst @!p1 v0  }
0xc0: {  	v0 =	vld @!p1 [tilespmem:s26+$0x13CB0];
	_ =	sdelay $0x1  }
0xc1: {  	v1 =	vld @!p1 [tilespmem:s26+$0x150B0];
	_ =	sdelay $0x2  }
0xc2: {  	v2 =	vand.u32 @!p1 $0xFFFF, v0  }
0xc3: {  	v0 =	vshrl.u32 @!p1 v0, $0x10;
	[tilespmem:$0x16460] =	vst @!p1 v2  }
0xc4: {  	v2 =	vand.u32 @!p1 $0xFFFF, v1;
	[tilespmem:$0x16470] =	vst @!p1 v0  }
0xc5: {  	v0 =	vshrl.u32 @!p1 v1, $0x10;
	[tilespmem:$0x16560] =	vst @!p1 v2  }
0xc6: {  	s24 =	simm.s32 @!p1 $0x2;
	[tilespmem:$0x16570] =	vst @!p1 v0  }
0xc7: {  	_ =	swait.ge @!p1 [sflag:s24], $0x4000  }
0xc8: {  	s25 =	simm.s32 @!p1 $0x16600;
	[sflag:s24] =	ssyncset.done @!p1 $0x0  }
0xc9: {  	s28 =	simm.s32 @!p1 $0x16400;
	s26 =	simm.s32 @!p1 $0x80;
	[sflag:s24] =	ssyncadd.s32 @!p1 $0xFFFFC000  }
0xca: {  	[tilespmem:s25], [sflag:$0x1] =	stream.indirect.gather @!p1 [hbm4b:s4+s26], $0x80, s28, s26, $0xb8;
	[tilespmem:$0x1E600] =	vst v63  }
0xcb: {  	_ = 	snop  }
0xcc: {  	[spmem:s2] =	stream.indirect.scatter.add.f32 [tilespmem:s19], [sflag:$0x3], $0x80, s21, s14, $0xb8;
	[tilespmem:$0x1E600] =	vst v63  }
0xcd: {  	_ =	swait.ge [sflag:s11], $0x4000  }
0xce: {  	s23 =	sadd.s32 $0x1, s23;
	[sflag:s11] =	ssyncset.done $0x0  }
0xcf: {  	p0 =	sne.s32 s23, s9;
	[sflag:s11] =	ssyncadd.s32 $0xFFFFC000  }
.Ltmp1:
0xd0: {  	[bflag:$0x0] =	sbarrier.arrive $0xFFFF;
	(pc) =	sbr.rel @p0 .LBB2_1-.Ltmp1, $4  }
0xd1: {  	[hbm:s22], [sflag:s6] =	dma.local [spmem:s10], $0x2780  }
0xd2: {  	_ =	swait.ge [sflag:s11], $0x2780  }
0xd3: {  	[sflag:s11] =	ssyncset.done $0x0  }
0xd4: {  	[sflag:s11] =	ssyncadd.s32 $0xFFFFD880  }
0xd5: {  	_ =	sfence.sel $0x180000  }
0xd6: {  	[bflag:$0x0] =	sbarrier.arrive $0xFFFF  }
0xd7: {  	p0 =	sne.s32 s0, $0x0;
	_ =	strace $0x9000004A  }
0xd8: {  	s0 =	sadd.s32 @!p0 $0x100000, s1;
	[bflag:$0x2] =	sbarrier.arrive $0xFFFF  }
0xd9: {  	[sflag:s0] =	ssyncadd.tile.s32 @!p0 $0x1;
	_ =	shalt  }
.Lfunc_end2:
_tile_overlayer_lowered:
.L_overlay_start_2:
0xda: {  	(tag) =	ssettag $0x2  }
0xdb: {  	s0 =	rddreg [dreg:$0x0];
	s2 =	stileid.u32  }
0xdc: {  	s1 =	rddreg [dreg:$0x1];
	p0 =	sne.s32 s2, $0x0  }
0xdd: {  	s3 =	rddreg [dreg:$0x2];
	[bflag:$0x3] =	sbarrier.arrive $0xFFFF;
	s2 =	simm.s32 @!p0 $0x1C03  }
0xde: {  	[timem:s3], [sflag:s2] =	dma.local @!p0 [hbm:s0], s1  }
0xdf: {  	s0 =	simm.s32 @!p0 $0x3  }
0xe0: {  	_ =	swait.ge @!p0 [sflag:s0], s1  }
0xe1: {  	s1 =	ssub.s32 @!p0 $0x0, s1;
	[sflag:s0] =	ssyncset.done @!p0 $0x0  }
0xe2: {  	[sflag:s0] =	ssyncadd.s32 @!p0 s1  }
0xe3: {  	[bflag:$0x3] =	sbarrier.arrive $0xFFFF  }
0xe4: {  	_ =	shalt  }

// kernel: kernel.14.cloned.1.call-start
scs
__scs_entry_jumppad:
0x0: {  	(pc) =	sbr.rel $0x88, $3  }
0x1: {  	(tag) =	ssettag $0x0;
	lr =	simm.s32 $0x1  }
0x2: {  	[smem:$0x3F99] =	sst lr;
	_ =	strace $0xD0000000  }
0x3: {  	_ = 	snop  }
0x4: {  	_ = 	snop  }
0x5: {  	_ = 	snop  }
0x6: {  	_ = 	snop  }
0x7: {  	_ = 	snop  }
__scs_overlays_trampoline_lowered:
0x8: {  	[smem:$0x3FA8] =	sst s0  }
0x9: {  	[smem:$0x3FA9] =	sst s1  }
0xa: {  	[smem:$0x3FAA] =	sst s2  }
0xb: {  	[smem:$0x3FAB] =	sst s3  }
0xc: {  	[smem:$0x3FAC] =	sst s4  }
0xd: {  	[smem:$0x3FAD] =	sst s5  }
0xe: {  	[smem:$0x3FAE] =	sst s6  }
0xf: {  	[smem:$0x3FAF] =	sst s7  }
0x10: {  	[smem:$0x3FB0] =	sst s8  }
0x11: {  	[smem:$0x3FB1] =	sst s9;
	s0 =	simm.s32 @!p0 $0x0  }
0x12: {  	s1 =	sld [smem:$0x3F97];
	s0 =	simm.s32 @p0 $0x1  }
0x13: {  	[smem:$0x3FB2] =	sst s0;
	s0 =	simm.s32 @!p1 $0x0  }
0x14: {  	s2 =	sld [smem:$0x3F96];
	s0 =	simm.s32 @p1 $0x1  }
0x15: {  	[smem:$0x3FB3] =	sst s0;
	s0 =	simm.s32 @!p2 $0x0  }
0x16: {  	s3 =	sld [smem:$0x3FDB];
	s0 =	simm.s32 @p2 $0x1  }
0x17: {  	s4 =	simm.s32 $0x1BF5;
	[smem:$0x3FB5] =	sst s0  }
0x18: {  	s0 =	sld [smem:$0x3F98];
	_ =	swait.ge [sflag:s4], $0x0  }
0x19: {  	s7 =	sld [smem:$0x3F99]  }
0x1a: {  	s8 =	sadd.s32 $0xFFFFE003, lr  }
0x1b: {  	s9 =	sadd.s32 $0xFFFFFEF7, lr;
	s5 =	simm.s32 $0xFFFFFFFF;
	p2 =	slt.u32 s8, $0xFFFFF086  }
0x1c: {  	p1 =	slt.u32 s9, $0xF7A;
	s5 =	simm.s32 @!p2 $0x0  }
0x1d: {  	s5 =	simm.s32 @p1 $0x1;
	p0 =	seq.s32 s7, s2  }
0x1e: {  	s7 =	smul.u32 @!p0 $0xF7A, s2;
	p2 =	seq.s32 @!p0 s5, $0x0  }
0x1f: {  	s9 =	smul.u32 $0xF7A, s1;
	s8 =	simm.s32 @!p0 $0x1BF5;
	p2 =	por !p2, p0  }
0x20: {  	[sflag:s8] =	ssyncset.s32 @!p0 $0xFFFFF086;
	s6 =	sadd.s32 @!p0 s3, s7;
	s7 =	simm.s32 @!p0 $0x108  }
0x21: {  	s3 =	sadd.s32 s3, s9;
	s6 =	sadd.s32 @!p0 $0x88, s6;
	s7 =	simm.s32 @p2 $0x1082  }
0x22: {  	[simem:s7], [sflag:s8] =	dma.local @!p0 [hbm:s6], $0xF7A  }
0x23: {  	s9 =	sor.u32 $0xD0000000, s2;
	s6 =	simm.s32 $0x108;
	_ =	swait.ge @!p0 [sflag:s8], $0x0  }
0x24: {  	s3 =	sadd.s32 $0x88, s3;
	s6 =	simm.s32 @!p1 $0x1082;
	[sflag:s4] =	ssyncset.s32 $0xFFFFF086  }
0x25: {  	[simem:s6], [sflag:s4] =	dma.local [hbm:s3], $0xF7A  }
0x26: {  	[smem:$0x3F99] =	sst s1;
	(tag) =	ssettag s2;
	_ =	strace s9  }
0x27: {  	s1 =	sld [smem:$0x3FA9]  }
0x28: {  	s2 =	sld [smem:$0x3FAA]  }
0x29: {  	s4 =	sld [smem:$0x3FAC]  }
0x2a: {  	p0 =	seq.s32 s5, $0x0;
	s5 =	sld [smem:$0x3FAD]  }
0x2b: {  	s6 =	sld [smem:$0x3FAE]  }
0x2c: {  	s7 =	sld [smem:$0x3FAF]  }
0x2d: {  	s3 =	simm.s32 $0x108;
	s8 =	sld [smem:$0x3FB0]  }
0x2e: {  	s3 =	simm.s32 @!p0 $0x1082;
	s9 =	sld [smem:$0x3FB1]  }
0x2f: {  	lr =	sadd.s32 s0, s3;
	s0 =	sld [smem:$0x3FA8]  }
0x30: {  	s3 =	sld [smem:$0x3FAB]  }
0x31: {  	[smem:$0x3FB4] =	sst s10  }
0x32: {  	s10 =	sld [smem:$0x3FB2];
	_ =	sdelay $0x3  }
0x33: {  	p0 =	seq.s32 s10, $0x1;
	s10 =	sld [smem:$0x3FB4];
	_ =	sdelay $0x3  }
0x34: {  	[smem:$0x3FB4] =	sst s10  }
0x35: {  	s10 =	sld [smem:$0x3FB3];
	_ =	sdelay $0x3  }
0x36: {  	p1 =	seq.s32 s10, $0x1;
	s10 =	sld [smem:$0x3FB4];
	_ =	sdelay $0x3  }
0x37: {  	[smem:$0x3FB4] =	sst s10  }
0x38: {  	s10 =	sld [smem:$0x3FB5]  }
0x39: {  	_ = 	snop;
	(pc) =	sbr.ind lr, $3  }
0x3a: {  	_ = 	snop  }
0x3b: {  	_ = 	snop  }
0x3c: {  	p2 =	seq.s32 s10, $0x1;
	s10 =	sld [smem:$0x3FB4]  }
0x3d: {  	_ =	shalt  }
0x3e: {  	_ =	shalt  }
0x3f: {  	_ =	shalt  }
0x40: {  	_ =	shalt  }
0x41: {  	_ =	shalt  }
0x42: {  	_ =	shalt  }
0x43: {  	_ =	shalt  }
0x44: {  	_ =	shalt  }
0x45: {  	_ =	shalt  }
0x46: {  	_ =	shalt  }
0x47: {  	_ =	shalt  }
0x48: {  	_ =	shalt  }
0x49: {  	_ =	shalt  }
0x4a: {  	_ =	shalt  }
0x4b: {  	_ =	shalt  }
0x4c: {  	_ =	shalt  }
0x4d: {  	_ =	shalt  }
0x4e: {  	_ =	shalt  }
0x4f: {  	_ =	shalt  }
0x50: {  	_ =	shalt  }
0x51: {  	_ =	shalt  }
0x52: {  	_ =	shalt  }
0x53: {  	_ =	shalt  }
0x54: {  	_ =	shalt  }
0x55: {  	_ =	shalt  }
0x56: {  	_ =	shalt  }
0x57: {  	_ =	shalt  }
0x58: {  	_ =	shalt  }
0x59: {  	_ =	shalt  }
0x5a: {  	_ =	shalt  }
0x5b: {  	_ =	shalt  }
0x5c: {  	_ =	shalt  }
0x5d: {  	_ =	shalt  }
0x5e: {  	_ =	shalt  }
0x5f: {  	_ =	shalt  }
0x60: {  	_ =	shalt  }
0x61: {  	_ =	shalt  }
0x62: {  	_ =	shalt  }
0x63: {  	_ =	shalt  }
0x64: {  	_ =	shalt  }
0x65: {  	_ =	shalt  }
0x66: {  	_ =	shalt  }
0x67: {  	_ =	shalt  }
0x68: {  	_ =	shalt  }
0x69: {  	_ =	shalt  }
0x6a: {  	_ =	shalt  }
0x6b: {  	_ =	shalt  }
0x6c: {  	_ =	shalt  }
0x6d: {  	_ =	shalt  }
0x6e: {  	_ =	shalt  }
0x6f: {  	_ =	shalt  }
0x70: {  	_ =	shalt  }
0x71: {  	_ =	shalt  }
0x72: {  	_ =	shalt  }
0x73: {  	_ =	shalt  }
0x74: {  	_ =	shalt  }
0x75: {  	_ =	shalt  }
0x76: {  	_ =	shalt  }
0x77: {  	_ =	shalt  }
0x78: {  	_ =	shalt  }
0x79: {  	_ =	shalt  }
0x7a: {  	_ =	shalt  }
0x7b: {  	_ =	shalt  }
0x7c: {  	_ =	shalt  }
0x7d: {  	_ =	shalt  }
0x7e: {  	_ =	shalt  }
0x7f: {  	_ =	shalt  }
0x80: {  	_ =	shalt  }
0x81: {  	_ =	shalt  }
0x82: {  	_ =	shalt  }
0x83: {  	_ =	shalt  }
0x84: {  	_ =	shalt  }
0x85: {  	_ =	shalt  }
0x86: {  	_ =	shalt  }
0x87: {  	_ =	shalt  }
.Lfunc_end0:
.L_simem_size_0:
called_computation.2_lowered:
.L_overlay_start_0:
0x88: {  	s2 =	sld [smem:$0x3FD9]  }
0x89: {  	s3 =	sld [smem:$0x3FFE];
	_ =	sdelay $0x1  }
0x8a: {  	s1 =	srdreg.scid  }
0x8b: {  	s0 =	sand.u32 $0x1, s1  }
0x8c: {  	s16 =	sshll.u32 s0, $0xA;
	s2 =	sadd.s32 s3, s2  }
0x8d: {  	s2 =	sadd.s32 s2, s16  }
0x8e: {  	[smem:$0x3FC0] =	sst s2  }
0x8f: {  	_ = 	snop  }
0x90: {  	(tm) =	ssettm $0x1  }
0x91: {  	s17 =	sld [smem:$0x3FFB];
	_ =	sdelay $0x3  }
0x92: {  	_ =	strace s17  }
0x93: {  	s2 =	sld [smem:$0x3FFC];
	_ =	sdelay $0x3  }
0x94: {  	_ =	strace s2  }
0x95: {  	s2 =	sld [smem:$0x3FFD];
	_ =	sdelay $0x3  }
0x96: {  	_ =	strace s2  }
0x97: {  	_ =	strace $0x8FFFFFFF  }
0x98: {  	s18 =	sld [smem:$0x3FDB];
	_ =	sdelay $0x1  }
0x99: {  	s19 =	simm.s32 $_scs_section_size  }
0x9a: {  	s4 =	simm.s32 $_size__tile_overlayer_lowered;
	s5 =	simm.s32 $_tile_overlayer_lowered  }
0x9b: {  	s22 =	simm.s32 $0x1BFF;
	s21 =	sshll.u32 s5, $0x1;
	s2 =	sadd.s32 s19, s18  }
0x9c: {  	s6 =	simm.s32 $0x0;
	s20 =	sshll.u32 s4, $0x1;
	s4 =	sadd.s32 s21, s2  }
0x9d: {  	[timem:s6], [sflag:s22] =	dma.local [hbm:s4], s20  }
0x9e: {  	_ =	swait.ge [sflag:s22], s20  }
0x9f: {  	s3 =	ssub.s32 $0x0, s20;
	[sflag:s22] =	ssyncset.done $0x0  }
0xa0: {  	[sflag:s22] =	ssyncadd.s32 s3;
	_ =	sdelay $0x1  }
0xa1: {  	s23 =	simm.s32 $0x1B8B  }
0xa2: {  	_ =	swait.ge [sflag:s23], $0x1  }
0xa3: {  	[sflag:s23] =	ssyncset.done $0x0  }
0xa4: {  	s25 =	simm.s32 $0x1B8E;
	s24 =	sld [smem:$0x3FFE];
	[sflag:s23] =	ssyncadd.s32 $0xFFFFFFFF  }
0xa5: {  	s26 =	simm.s32 $execute0_lowered;
	[smem:$0x3FD2] =	sst s25  }
0xa6: {  	s4 =	sshll.u32 s26, $0x1;
	_ =	strace $0x8000004C;
	[dreg:$0x1] =	wrdreg $0xFFFFFFFF  }
0xa7: {  	s28 =	simm.s32 $_size_execute0_lowered;
	s2 =	sadd.s32 s2, s4;
	[dreg:$0x0] =	wrdreg $0x0  }
0xa8: {  	s4 =	sshll.u32 s28, $0x1;
	[dreg:$0x2] =	wrdreg s2  }
0xa9: {  	[dreg:$0x3] =	wrdreg s4  }
0xaa: {  	[dreg:$0x4] =	wrdreg $0xC0  }
0xab: {  	_ =	task [dreg:s6], $0x5FFFF  }
0xac: {  	[dreg:$0x1] =	wrdreg $0xFFFFFFFF  }
0xad: {  	[dreg:$0x0] =	wrdreg $0x60  }
0xae: {  	[dreg:$0x2] =	wrdreg s24  }
0xaf: {  	[dreg:$0x3] =	wrdreg $0x0  }
0xb0: {  	[dreg:$0x4] =	wrdreg $0x9  }
0xb1: {  	_ =	task.clear_ibuf [dreg:s6], $0x5FFFF;
	_ =	strace $0x9000004C  }
0xb2: {  	s29 =	simm.s32 $0x9;
	_ =	strace $0x8000004E  }
0xb3: {  	_ =	swait.ge [sflag:s29], $0x1  }
0xb4: {  	[sflag:s29] =	ssyncadd.s32 $0xFFFFFFFF  }
0xb5: {  	_ =	strace $0x9000004E  }
0xb6: {  	_ =	sfence  }
0xb7: {  	s30 =	sld [smem:$0x0];
	_ =	sdelay $0x2  }
0xb8: {  	s31 =	sshll.u32 s1, $0xD;
	s1 =	sshrl.u32 s1, $0x2  }
0xb9: {  	s3 =	sand.u32 $0x4000, s31;
	s1 =	sadd.s32 s1, s30  }
0xba: {  	s0 =	sor.u32 s3, s0;
	s1 =	sshll.u32 s1, $0x11  }
0xbb: {  	s0 =	sor.u32 s1, s0  }
0xbc: {  	s0 =	sadd.s32 $0x8F2B, s0  }
0xbd: {  	[sflag:s0] =	ssyncadd.remote.s32 $0x1  }
0xbe: {  	_ =	sfence.sel $0xFFFF  }
0xbf: {  	[dreg:$0x0] =	wrdreg $0xFFFFFFFF;
	(pc) =	sbr.abs _section_cstart, $3  }
0xc0: {  	[dreg:$0x1] =	wrdreg $0xFFFFFFFF  }
0xc1: {  	_ =	task.clear_ibuf [dreg:s6], $0x2FFFF;
	_ =	strace $0x9FFFFFFF  }
0xc2: {  	(tm) =	ssettm $0x7FFFFFFF  }
0xc3: {  	_ =	shalt  }
tec
execute0_lowered:
.L_overlay_start_1:
0x0: {  	(tag) =	ssettag $0x1  }
0x1: {  	s1 =	srdreg.scid  }
0x2: {  	s0 =	stileid.u32;
	s5 =	rddreg [dreg:$0x0]  }
0x3: {  	s2 =	rddreg [dreg:$0x1];
	s3 =	simm.s32 $0x0;
	s14 =	simm.s32 $0x80  }
0x4: {  	s15 =	simm.s32 $0x16400;
	s16 =	simm.s32 $0x16600;
	s17 =	simm.s32 $0x1  }
0x5: {  	s18 =	simm.s32 $0x16480;
	s19 =	simm.s32 $0x1A600;
	s20 =	simm.s32 $0x16500  }
0x6: {  	s21 =	simm.s32 $0x16580;
	s6 =	sand.u32 $0x1, s1;
	s1 =	rddreg [dreg:$0x2]  }
0x7: {  	s26 =	sshll.u32 s0, $0x1;
	[smem:$0x7FF] =	sst s3;
	s22 =	smul.u32 $0x2780, s0  }
0x8: {  	s28 =	smul.u32 $0x4F000, s0;
	s31 =	sshll.u32 s0, $0x6;
	s4 =	sor.u32 s6, s26  }
0x9: {  	_ =	strace $0x8000004D;
	s8 =	smul.u32 $0x27800, s6;
	s6 =	ssub.s32 $0x2, s6  }
0xa: {  	s7 =	smul.u32 $0x280, s4;
	s4 =	sadd.s32 $0x2A400, s5;
	s10 =	sadd.s32 s22, s5  }
0xb: {  	s29 =	sshrl.u32 s6, $0x1;
	s30 =	sshrl.u32 s28, $0x2;
	s11 =	sadd.s32 s8, s5  }
0xc: {  	s12 =	ssub.s32 s6, s29;
	s13 =	sadd.s32 s30, s2;
	s6 =	sor.u32 $0x1C03, s31  }
0xd: {  	s9 =	sadd.s32 s7, s5;
	s5 =	sadd.s32 $0x2C00, s10;
	s23 =	sadd.s32 $0x83C00, s11  }
0xe: {  	s10 =	sshrl.u32 s13, $0x3;
	s11 =	simm.s32 $0x3;
	s13 =	simm.s32 $0x15000  }
0xf: {  	s7 =	sadd.s32 $0x7EC00, s9;
	s8 =	sadd.s32 $0x79C00, s9;
	s9 =	smax.u32 s12, $0x1  }
0x10: {  	s12 =	simm.s32 $0x13C00;
	s22 =	sadd.s32 s22, s23;
	s23 =	simm.s32 $0x0  }
.LBB2_1:
0x11: {  	[spmem:s10], [sflag:s6] =	dma.local [hbm:s5], $0x2780  }
0x12: {  	_ =	swait.ge [sflag:s11], $0x2780  }
0x13: {  	[sflag:s11] =	ssyncset.done $0x0  }
0x14: {  	[sflag:s11] =	ssyncadd.s32 $0xFFFFD880  }
0x15: {  	[tilespmem:s12], [sflag:$0x3] =	stream.linear.gather [hbm4b:s7+s3], $0x1400, $0x38;
	[tilespmem:$0x1E600] =	vst v63  }
0x16: {  	_ =	swait.ge [sflag:s11], $0x1400  }
0x17: {  	[sflag:s11] =	ssyncset.done $0x0  }
0x18: {  	[sflag:s11] =	ssyncadd.s32 $0xFFFFEC00  }
0x19: {  	[tilespmem:s13], [sflag:$0x3] =	stream.linear.gather [hbm4b:s8+s3], $0x1400, $0x38;
	[tilespmem:$0x1E600] =	vst v63  }
0x1a: {  	_ =	swait.ge [sflag:s11], $0x1400  }
0x1b: {  	[sflag:s11] =	ssyncset.done $0x0  }
0x1c: {  	[sflag:s11] =	ssyncadd.s32 $0xFFFFEC00  }
0x1d: {  	[bflag:$0x0] =	sbarrier.arrive $0xFFFF  }
0x1e: {  	v0 =	vld [tilespmem:$0x13C00];
	_ =	sdelay $0x1  }
0x1f: {  	v1 =	vld [tilespmem:$0x15000];
	_ =	sdelay $0x1  }
0x20: {  	v2 =	vld [tilespmem:$0x13C10]  }
0x21: {  	v3 =	vand.u32 $0xFFFF, v0  }
0x22: {  	v0 =	vshrl.u32 v0, $0x10;
	[tilespmem:$0x16400] =	vst v3;
	v3 =	vld [tilespmem:$0x15010]  }
0x23: {  	[tilespmem:$0x16410] =	vst v0;
	v0 =	vand.u32 $0xFFFF, v1  }
0x24: {  	[tilespmem:$0x16500] =	vst v0;
	v0 =	vshrl.u32 v1, $0x10;
	v1 =	vld [tilespmem:$0x13C20]  }
0x25: {  	[tilespmem:$0x16510] =	vst v0;
	v0 =	vand.u32 $0xFFFF, v2  }
0x26: {  	[tilespmem:$0x16420] =	vst v0;
	v0 =	vshrl.u32 v2, $0x10;
	v2 =	vld [tilespmem:$0x15020]  }
0x27: {  	[tilespmem:$0x16430] =	vst v0;
	v0 =	vand.u32 $0xFFFF, v3  }
0x28: {  	[tilespmem:$0x16520] =	vst v0;
	v0 =	vshrl.u32 v3, $0x10;
	v3 =	vld [tilespmem:$0x13C30]  }
0x29: {  	[tilespmem:$0x16530] =	vst v0;
	v0 =	vand.u32 $0xFFFF, v1  }
0x2a: {  	[tilespmem:$0x16440] =	vst v0;
	v0 =	vshrl.u32 v1, $0x10;
	v1 =	vld [tilespmem:$0x15030]  }
0x2b: {  	[tilespmem:$0x16450] =	vst v0;
	v0 =	vand.u32 $0xFFFF, v2  }
0x2c: {  	[tilespmem:$0x16540] =	vst v0;
	v0 =	vshrl.u32 v2, $0x10  }
0x2d: {  	[tilespmem:$0x16550] =	vst v0;
	v0 =	vand.u32 $0xFFFF, v3  }
0x2e: {  	[tilespmem:$0x16460] =	vst v0;
	v0 =	vshrl.u32 v3, $0x10  }
0x2f: {  	[tilespmem:$0x16470] =	vst v0;
	v0 =	vand.u32 $0xFFFF, v1  }
0x30: {  	[tilespmem:$0x16560] =	vst v0;
	v0 =	vshrl.u32 v1, $0x10  }
0x31: {  	s24 =	simm.s32 $0x0;
	[tilespmem:$0x16570] =	vst v0  }
0x32: {  	[tilespmem:s16], [sflag:$0x1] =	stream.indirect.gather [hbm4b:s4+s14], $0x80, s15, s14, $0xb8;
	[tilespmem:$0x1E600] =	vst v63  }
0x33: {  	v0 =	vld [tilespmem:s24+$0x13C40];
	_ =	sdelay $0x1  }
0x34: {  	v1 =	vld [tilespmem:s24+$0x15040];
	_ =	sdelay $0x2  }
0x35: {  	v2 =	vand.u32 $0xFFFF, v0  }
0x36: {  	v0 =	vshrl.u32 v0, $0x10;
	[tilespmem:$0x16480] =	vst v2  }
0x37: {  	v2 =	vand.u32 $0xFFFF, v1;
	[tilespmem:$0x16490] =	vst v0  }
0x38: {  	v0 =	vshrl.u32 v1, $0x10;
	[tilespmem:$0x16580] =	vst v2  }
0x39: {  	[tilespmem:$0x16590] =	vst v0  }
0x3a: {  	v0 =	vld [tilespmem:s24+$0x13C50];
	_ =	sdelay $0x1  }
0x3b: {  	v1 =	vld [tilespmem:s24+$0x15050];
	_ =	sdelay $0x2  }
0x3c: {  	v2 =	vand.u32 $0xFFFF, v0  }
0x3d: {  	v0 =	vshrl.u32 v0, $0x10;
	[tilespmem:$0x164A0] =	vst v2  }
0x3e: {  	v2 =	vand.u32 $0xFFFF, v1;
	[tilespmem:$0x164B0] =	vst v0  }
0x3f: {  	v1 =	vshrl.u32 v1, $0x10;
	[tilespmem:$0x165A0] =	vst v2  }
0x40: {  	[tilespmem:$0x165B0] =	vst v1  }
0x41: {  	v0 =	vld [tilespmem:s24+$0x13C60];
	_ =	sdelay $0x1  }
0x42: {  	v1 =	vld [tilespmem:s24+$0x15060];
	_ =	sdelay $0x2  }
0x43: {  	v2 =	vand.u32 $0xFFFF, v0  }
0x44: {  	v0 =	vshrl.u32 v0, $0x10;
	[tilespmem:$0x164C0] =	vst v2  }
0x45: {  	v2 =	vand.u32 $0xFFFF, v1;
	[tilespmem:$0x164D0] =	vst v0  }
0x46: {  	v1 =	vshrl.u32 v1, $0x10;
	[tilespmem:$0x165C0] =	vst v2  }
0x47: {  	[tilespmem:$0x165D0] =	vst v1  }
0x48: {  	v0 =	vld [tilespmem:s24+$0x13C70];
	_ =	sdelay $0x1  }
0x49: {  	v1 =	vld [tilespmem:s24+$0x15070];
	_ =	sdelay $0x2  }
0x4a: {  	v2 =	vshrl.u32 v0, $0x10  }
0x4b: {  	v0 =	vand.u32 $0xFFFF, v0;
	[tilespmem:$0x164F0] =	vst v2  }
0x4c: {  	v2 =	vand.u32 $0xFFFF, v1;
	[tilespmem:$0x164E0] =	vst v0  }
0x4d: {  	v1 =	vshrl.u32 v1, $0x10;
	[tilespmem:$0x165E0] =	vst v2  }
0x4e: {  	[tilespmem:$0x165F0] =	vst v1  }
0x4f: {  	_ =	swait.ge [sflag:s17], $0x4000  }
0x50: {  	[sflag:s17] =	ssyncset.done $0x0  }
0x51: {  	[sflag:s17] =	ssyncadd.s32 $0xFFFFC000  }
0x52: {  	[tilespmem:s19], [sflag:$0x2] =	stream.indirect.gather [hbm4b:s4+s14], $0x80, s18, s14, $0xb8;
	[tilespmem:$0x1E600] =	vst v63  }
0x53: {  	_ = 	snop  }
0x54: {  	[spmem:s2] =	stream.indirect.scatter.add.f32 [tilespmem:s16], [sflag:$0x3], $0x80, s20, s14, $0xb8;
	[tilespmem:$0x1E600] =	vst v63  }
0x55: {  	_ =	swait.ge [sflag:s11], $0x4000  }
0x56: {  	p1 =	por $0x0, $0x0;
	[sflag:s11] =	ssyncset.done $0x0  }
0x57: {  	s24 =	simm.s32 @p1 $0x2;
	[sflag:s11] =	ssyncadd.s32 $0xFFFFC000  }
0x58: {  	_ =	swait.ge @p1 [sflag:s24], $0x4000  }
0x59: {  	[sflag:s24] =	ssyncset.done @p1 $0x0  }
0x5a: {  	s26 =	simm.s32 @!p1 $0x0;
	[sflag:s24] =	ssyncadd.s32 @p1 $0xFFFFC000  }
0x5b: {  	v0 =	vld @!p1 [tilespmem:s26+$0x13C80];
	_ =	sdelay $0x1  }
0x5c: {  	v1 =	vld @!p1 [tilespmem:s26+$0x15080];
	_ =	sdelay $0x2  }
0x5d: {  	v2 =	vand.u32 @!p1 $0xFFFF, v0  }
0x5e: {  	v0 =	vshrl.u32 @!p1 v0, $0x10;
	[tilespmem:$0x16400] =	vst @!p1 v2  }
0x5f: {  	v2 =	vshrl.u32 @!p1 v1, $0x10;
	[tilespmem:$0x16410] =	vst @!p1 v0  }
0x60: {  	v0 =	vand.u32 @!p1 $0xFFFF, v1;
	[tilespmem:$0x16510] =	vst @!p1 v2  }
0x61: {  	[tilespmem:$0x16500] =	vst @!p1 v0  }
0x62: {  	v0 =	vld @!p1 [tilespmem:s26+$0x13C90];
	_ =	sdelay $0x1  }
0x63: {  	v1 =	vld @!p1 [tilespmem:s26+$0x15090];
	_ =	sdelay $0x2  }
0x64: {  	v2 =	vand.u32 @!p1 $0xFFFF, v0  }
0x65: {  	v0 =	vshrl.u32 @!p1 v0, $0x10;
	[tilespmem:$0x16420] =	vst @!p1 v2  }
0x66: {  	v2 =	vand.u32 @!p1 $0xFFFF, v1;
	[tilespmem:$0x16430] =	vst @!p1 v0  }
0x67: {  	v0 =	vshrl.u32 @!p1 v1, $0x10;
	[tilespmem:$0x16520] =	vst @!p1 v2  }
0x68: {  	[tilespmem:$0x16530] =	vst @!p1 v0  }
0x69: {  	v1 =	vld @!p1 [tilespmem:s26+$0x13CA0]  }
0x6a: {  	s24 =	simm.s32 $0x200;
	v0 =	vld @!p1 [tilespmem:s26+$0x150A0]  }
.LBB2_2:
0x6b: {  	_ =	sdelay $0x1  }
0x6c: {  	s25 =	smov.u32 s24;
	s24 =	sadd.s32 $0x200, s24  }
0x6d: {  	p0 =	sne.s32 s24, $0x5000;
	v2 =	vand.u32 @!p1 $0xFFFF, v1;
	v1 =	vshrl.u32 @!p1 v1, $0x10  }
0x6e: {  	[tilespmem:$0x16440] =	vst @!p1 v2;
	v2 =	vand.u32 @!p1 $0xFFFF, v0;
	v0 =	vshrl.u32 @!p1 v0, $0x10  }
0x6f: {  	[tilespmem:$0x16450] =	vst @!p1 v1  }
0x70: {  	[tilespmem:$0x16550] =	vst @!p1 v0  }
0x71: {  	[tilespmem:$0x16540] =	vst @!p1 v2  }
0x72: {  	v0 =	vld @!p1 [tilespmem:s26+$0x13CB0]  }
0x73: {  	v1 =	vld @!p1 [tilespmem:s26+$0x150B0];
	_ =	sdelay $0x3  }
0x74: {  	v2 =	vand.u32 @!p1 $0xFFFF, v0;
	v0 =	vshrl.u32 @!p1 v0, $0x10  }
0x75: {  	[tilespmem:$0x16460] =	vst @!p1 v2;
	v2 =	vand.u32 @!p1 $0xFFFF, v1;
	v1 =	vshrl.u32 @!p1 v1, $0x10  }
0x76: {  	[tilespmem:$0x16470] =	vst @!p1 v0  }
0x77: {  	s26 =	simm.s32 @!p1 $0x2;
	[tilespmem:$0x16560] =	vst @!p1 v2  }
0x78: {  	[tilespmem:$0x16570] =	vst @!p1 v1  }
0x79: {  	s28 =	simm.s32 @!p1 $0x16600;
	_ =	swait.ge @!p1 [sflag:s26], $0x4000  }
0x7a: {  	s29 =	simm.s32 @!p1 $0x80;
	s30 =	simm.s32 @!p1 $0x16400;
	[sflag:s26] =	ssyncset.done @!p1 $0x0  }
0x7b: {  	[sflag:s26] =	ssyncadd.s32 @!p1 $0xFFFFC000  }
0x7c: {  	[tilespmem:s28], [sflag:$0x1] =	stream.indirect.gather @!p1 [hbm4b:s4+s29], $0x80, s30, s29, $0xb8;
	[tilespmem:$0x1E600] =	vst v63  }
0x7d: {  	_ = 	snop  }
0x7e: {  	[spmem:s2] =	stream.indirect.scatter.add.f32 [tilespmem:s19], [sflag:$0x3], $0x80, s21, s14, $0xb8;
	[tilespmem:$0x1E600] =	vst v63  }
0x7f: {  	_ =	swait.ge [sflag:s11], $0x4000  }
0x80: {  	[sflag:s11] =	ssyncset.done $0x0  }
0x81: {  	s26 =	sshra.s32 s25, $0x2;
	[sflag:s11] =	ssyncadd.s32 $0xFFFFC000  }
0x82: {  	v0 =	vld [tilespmem:s26+$0x13C40]  }
0x83: {  	v1 =	vld [tilespmem:s26+$0x15040];
	_ =	sdelay $0x3  }
0x84: {  	v2 =	vand.u32 $0xFFFF, v0;
	v0 =	vshrl.u32 v0, $0x10  }
0x85: {  	[tilespmem:$0x16480] =	vst v2;
	v2 =	vand.u32 $0xFFFF, v1;
	v1 =	vshrl.u32 v1, $0x10  }
0x86: {  	[tilespmem:$0x16490] =	vst v0  }
0x87: {  	[tilespmem:$0x16580] =	vst v2  }
0x88: {  	[tilespmem:$0x16590] =	vst v1  }
0x89: {  	v0 =	vld [tilespmem:s26+$0x13C50]  }
0x8a: {  	v1 =	vld [tilespmem:s26+$0x15050];
	_ =	sdelay $0x3  }
0x8b: {  	v2 =	vand.u32 $0xFFFF, v0;
	v0 =	vshrl.u32 v0, $0x10  }
0x8c: {  	[tilespmem:$0x164A0] =	vst v2;
	v2 =	vand.u32 $0xFFFF, v1;
	v1 =	vshrl.u32 v1, $0x10  }
0x8d: {  	[tilespmem:$0x165A0] =	vst v2  }
0x8e: {  	[tilespmem:$0x164B0] =	vst v0  }
0x8f: {  	[tilespmem:$0x165B0] =	vst v1  }
0x90: {  	v0 =	vld [tilespmem:s26+$0x13C60]  }
0x91: {  	v1 =	vld [tilespmem:s26+$0x15060];
	_ =	sdelay $0x3  }
0x92: {  	v2 =	vand.u32 $0xFFFF, v0;
	v0 =	vshrl.u32 v0, $0x10  }
0x93: {  	[tilespmem:$0x164C0] =	vst v2;
	v2 =	vand.u32 $0xFFFF, v1;
	v1 =	vshrl.u32 v1, $0x10  }
0x94: {  	[tilespmem:$0x165C0] =	vst v2  }
0x95: {  	[tilespmem:$0x164D0] =	vst v0  }
0x96: {  	[tilespmem:$0x165D0] =	vst v1  }
0x97: {  	v0 =	vld [tilespmem:s26+$0x13C70]  }
0x98: {  	v1 =	vld [tilespmem:s26+$0x15070];
	_ =	sdelay $0x3  }
0x99: {  	v2 =	vand.u32 $0xFFFF, v0;
	v0 =	vshrl.u32 v0, $0x10  }
0x9a: {  	[tilespmem:$0x164F0] =	vst v0;
	v0 =	vand.u32 $0xFFFF, v1;
	v1 =	vshrl.u32 v1, $0x10  }
0x9b: {  	[tilespmem:$0x165E0] =	vst v0  }
0x9c: {  	[tilespmem:$0x164E0] =	vst v2  }
0x9d: {  	[tilespmem:$0x165F0] =	vst v1  }
0x9e: {  	_ =	swait.ge [sflag:s17], $0x4000  }
0x9f: {  	[sflag:s17] =	ssyncset.done $0x0  }
0xa0: {  	[sflag:s17] =	ssyncadd.s32 $0xFFFFC000  }
0xa1: {  	[tilespmem:s19], [sflag:$0x2] =	stream.indirect.gather [hbm4b:s4+s14], $0x80, s18, s14, $0xb8;
	[tilespmem:$0x1E600] =	vst v63  }
0xa2: {  	_ = 	snop  }
0xa3: {  	[spmem:s2] =	stream.indirect.scatter.add.f32 [tilespmem:s16], [sflag:$0x3], $0x80, s20, s14, $0xb8;
	[tilespmem:$0x1E600] =	vst v63  }
0xa4: {  	_ =	swait.ge [sflag:s11], $0x4000  }
0xa5: {  	p1 =	seq.s32 s25, $0x4E00;
	[sflag:s11] =	ssyncset.done $0x0  }
0xa6: {  	s26 =	simm.s32 @p1 $0x2;
	[sflag:s11] =	ssyncadd.s32 $0xFFFFC000  }
0xa7: {  	_ =	swait.ge @p1 [sflag:s26], $0x4000  }
0xa8: {  	[sflag:s26] =	ssyncset.done @p1 $0x0  }
0xa9: {  	[sflag:s26] =	ssyncadd.s32 @p1 $0xFFFFC000;
	s26 =	sshra.s32 @!p1 s25, $0x2  }
0xaa: {  	v0 =	vld @!p1 [tilespmem:s26+$0x13C80]  }
0xab: {  	v1 =	vld @!p1 [tilespmem:s26+$0x15080];
	_ =	sdelay $0x3  }
0xac: {  	v2 =	vand.u32 @!p1 $0xFFFF, v0;
	v0 =	vshrl.u32 @!p1 v0, $0x10  }
0xad: {  	[tilespmem:$0x16400] =	vst @!p1 v2;
	v2 =	vand.u32 @!p1 $0xFFFF, v1;
	v1 =	vshrl.u32 @!p1 v1, $0x10  }
0xae: {  	[tilespmem:$0x16410] =	vst @!p1 v0  }
0xaf: {  	[tilespmem:$0x16510] =	vst @!p1 v1  }
0xb0: {  	[tilespmem:$0x16500] =	vst @!p1 v2  }
0xb1: {  	v0 =	vld @!p1 [tilespmem:s26+$0x13C90]  }
0xb2: {  	v1 =	vld @!p1 [tilespmem:s26+$0x15090];
	_ =	sdelay $0x3  }
0xb3: {  	v2 =	vand.u32 @!p1 $0xFFFF, v0;
	v0 =	vshrl.u32 @!p1 v0, $0x10  }
0xb4: {  	[tilespmem:$0x16420] =	vst @!p1 v2;
	v2 =	vand.u32 @!p1 $0xFFFF, v1;
	v1 =	vshrl.u32 @!p1 v1, $0x10  }
.Ltmp0:
0xb5: {  	[tilespmem:$0x16430] =	vst @!p1 v0;
	(pc) =	sbr.rel @p0 .LBB2_2-.Ltmp0, $4  }
0xb6: {  	[tilespmem:$0x16520] =	vst @!p1 v2  }
0xb7: {  	[tilespmem:$0x16530] =	vst @!p1 v1  }
0xb8: {  	v1 =	vld @!p1 [tilespmem:s26+$0x13CA0]  }
0xb9: {  	v0 =	vld @!p1 [tilespmem:s26+$0x150A0]  }
0xba: {  	_ =	sdelay $0x2  }
0xbb: {  	v2 =	vand.u32 @!p1 $0xFFFF, v1  }
0xbc: {  	v1 =	vshrl.u32 @!p1 v1, $0x10;
	[tilespmem:$0x16440] =	vst @!p1 v2  }
0xbd: {  	v2 =	vshrl.u32 @!p1 v0, $0x10;
	[tilespmem:$0x16450] =	vst @!p1 v1  }
0xbe: {  	v0 =	vand.u32 @!p1 $0xFFFF, v0;
	[tilespmem:$0x16550] =	vst @!p1 v2  }
0xbf: {  	[tilespmem:$0x16540] =	vst @!p1 v0  }
0xc0: {  	v0 =	vld @!p1 [tilespmem:s26+$0x13CB0];
	_ =	sdelay $0x1  }
0xc1: {  	v1 =	vld @!p1 [tilespmem:s26+$0x150B0];
	_ =	sdelay $0x2  }
0xc2: {  	v2 =	vand.u32 @!p1 $0xFFFF, v0  }
0xc3: {  	v0 =	vshrl.u32 @!p1 v0, $0x10;
	[tilespmem:$0x16460] =	vst @!p1 v2  }
0xc4: {  	v2 =	vand.u32 @!p1 $0xFFFF, v1;
	[tilespmem:$0x16470] =	vst @!p1 v0  }
0xc5: {  	v0 =	vshrl.u32 @!p1 v1, $0x10;
	[tilespmem:$0x16560] =	vst @!p1 v2  }
0xc6: {  	s24 =	simm.s32 @!p1 $0x2;
	[tilespmem:$0x16570] =	vst @!p1 v0  }
0xc7: {  	_ =	swait.ge @!p1 [sflag:s24], $0x4000  }
0xc8: {  	s25 =	simm.s32 @!p1 $0x16600;
	[sflag:s24] =	ssyncset.done @!p1 $0x0  }
0xc9: {  	s28 =	simm.s32 @!p1 $0x16400;
	s26 =	simm.s32 @!p1 $0x80;
	[sflag:s24] =	ssyncadd.s32 @!p1 $0xFFFFC000  }
0xca: {  	[tilespmem:s25], [sflag:$0x1] =	stream.indirect.gather @!p1 [hbm4b:s4+s26], $0x80, s28, s26, $0xb8;
	[tilespmem:$0x1E600] =	vst v63  }
0xcb: {  	_ = 	snop  }
0xcc: {  	[spmem:s2] =	stream.indirect.scatter.add.f32 [tilespmem:s19], [sflag:$0x3], $0x80, s21, s14, $0xb8;
	[tilespmem:$0x1E600] =	vst v63  }
0xcd: {  	_ =	swait.ge [sflag:s11], $0x4000  }
0xce: {  	s23 =	sadd.s32 $0x1, s23;
	[sflag:s11] =	ssyncset.done $0x0  }
0xcf: {  	p0 =	sne.s32 s23, s9;
	[sflag:s11] =	ssyncadd.s32 $0xFFFFC000  }
.Ltmp1:
0xd0: {  	[bflag:$0x0] =	sbarrier.arrive $0xFFFF;
	(pc) =	sbr.rel @p0 .LBB2_1-.Ltmp1, $4  }
0xd1: {  	[hbm:s22], [sflag:s6] =	dma.local [spmem:s10], $0x2780  }
0xd2: {  	_ =	swait.ge [sflag:s11], $0x2780  }
0xd3: {  	[sflag:s11] =	ssyncset.done $0x0  }
0xd4: {  	[sflag:s11] =	ssyncadd.s32 $0xFFFFD880  }
0xd5: {  	_ =	sfence.sel $0x180000  }
0xd6: {  	[bflag:$0x0] =	sbarrier.arrive $0xFFFF  }
0xd7: {  	p0 =	sne.s32 s0, $0x0;
	_ =	strace $0x9000004D  }
0xd8: {  	s0 =	sadd.s32 @!p0 $0x100000, s1;
	[bflag:$0x2] =	sbarrier.arrive $0xFFFF  }
0xd9: {  	[sflag:s0] =	ssyncadd.tile.s32 @!p0 $0x1;
	_ =	shalt  }
.Lfunc_end2:
_tile_overlayer_lowered:
.L_overlay_start_2:
0xda: {  	(tag) =	ssettag $0x2  }
0xdb: {  	s0 =	rddreg [dreg:$0x0];
	s2 =	stileid.u32  }
0xdc: {  	s1 =	rddreg [dreg:$0x1];
	p0 =	sne.s32 s2, $0x0  }
0xdd: {  	s3 =	rddreg [dreg:$0x2];
	[bflag:$0x3] =	sbarrier.arrive $0xFFFF;
	s2 =	simm.s32 @!p0 $0x1C03  }
0xde: {  	[timem:s3], [sflag:s2] =	dma.local @!p0 [hbm:s0], s1  }
0xdf: {  	s0 =	simm.s32 @!p0 $0x3  }
0xe0: {  	_ =	swait.ge @!p0 [sflag:s0], s1  }
0xe1: {  	s1 =	ssub.s32 @!p0 $0x0, s1;
	[sflag:s0] =	ssyncset.done @!p0 $0x0  }
0xe2: {  	[sflag:s0] =	ssyncadd.s32 @!p0 s1  }
0xe3: {  	[bflag:$0x3] =	sbarrier.arrive $0xFFFF  }
0xe4: {  	_ =	shalt  }

// kernel: kernel.8.cloned.1.call-start
scs
__scs_entry_jumppad:
0x0: {  	(pc) =	sbr.rel $0x88, $3  }
0x1: {  	(tag) =	ssettag $0x0;
	lr =	simm.s32 $0x1  }
0x2: {  	[smem:$0x3F99] =	sst lr;
	_ =	strace $0xD0000000  }
0x3: {  	_ = 	snop  }
0x4: {  	_ = 	snop  }
0x5: {  	_ = 	snop  }
0x6: {  	_ = 	snop  }
0x7: {  	_ = 	snop  }
__scs_overlays_trampoline_lowered:
0x8: {  	[smem:$0x3FA8] =	sst s0  }
0x9: {  	[smem:$0x3FA9] =	sst s1  }
0xa: {  	[smem:$0x3FAA] =	sst s2  }
0xb: {  	[smem:$0x3FAB] =	sst s3  }
0xc: {  	[smem:$0x3FAC] =	sst s4  }
0xd: {  	[smem:$0x3FAD] =	sst s5  }
0xe: {  	[smem:$0x3FAE] =	sst s6  }
0xf: {  	[smem:$0x3FAF] =	sst s7  }
0x10: {  	[smem:$0x3FB0] =	sst s8  }
0x11: {  	[smem:$0x3FB1] =	sst s9;
	s0 =	simm.s32 @!p0 $0x0  }
0x12: {  	s1 =	sld [smem:$0x3F97];
	s0 =	simm.s32 @p0 $0x1  }
0x13: {  	[smem:$0x3FB2] =	sst s0;
	s0 =	simm.s32 @!p1 $0x0  }
0x14: {  	s2 =	sld [smem:$0x3F96];
	s0 =	simm.s32 @p1 $0x1  }
0x15: {  	[smem:$0x3FB3] =	sst s0;
	s0 =	simm.s32 @!p2 $0x0  }
0x16: {  	s3 =	sld [smem:$0x3FDB];
	s0 =	simm.s32 @p2 $0x1  }
0x17: {  	s4 =	simm.s32 $0x1BF5;
	[smem:$0x3FB5] =	sst s0  }
0x18: {  	s0 =	sld [smem:$0x3F98];
	_ =	swait.ge [sflag:s4], $0x0  }
0x19: {  	s7 =	sld [smem:$0x3F99]  }
0x1a: {  	s8 =	sadd.s32 $0xFFFFE003, lr  }
0x1b: {  	s9 =	sadd.s32 $0xFFFFFEF7, lr;
	s5 =	simm.s32 $0xFFFFFFFF;
	p2 =	slt.u32 s8, $0xFFFFF086  }
0x1c: {  	p1 =	slt.u32 s9, $0xF7A;
	s5 =	simm.s32 @!p2 $0x0  }
0x1d: {  	s5 =	simm.s32 @p1 $0x1;
	p0 =	seq.s32 s7, s2  }
0x1e: {  	s7 =	smul.u32 @!p0 $0xF7A, s2;
	p2 =	seq.s32 @!p0 s5, $0x0  }
0x1f: {  	s9 =	smul.u32 $0xF7A, s1;
	s8 =	simm.s32 @!p0 $0x1BF5;
	p2 =	por !p2, p0  }
0x20: {  	[sflag:s8] =	ssyncset.s32 @!p0 $0xFFFFF086;
	s6 =	sadd.s32 @!p0 s3, s7;
	s7 =	simm.s32 @!p0 $0x108  }
0x21: {  	s3 =	sadd.s32 s3, s9;
	s6 =	sadd.s32 @!p0 $0x88, s6;
	s7 =	simm.s32 @p2 $0x1082  }
0x22: {  	[simem:s7], [sflag:s8] =	dma.local @!p0 [hbm:s6], $0xF7A  }
0x23: {  	s9 =	sor.u32 $0xD0000000, s2;
	s6 =	simm.s32 $0x108;
	_ =	swait.ge @!p0 [sflag:s8], $0x0  }
0x24: {  	s3 =	sadd.s32 $0x88, s3;
	s6 =	simm.s32 @!p1 $0x1082;
	[sflag:s4] =	ssyncset.s32 $0xFFFFF086  }
0x25: {  	[simem:s6], [sflag:s4] =	dma.local [hbm:s3], $0xF7A  }
0x26: {  	[smem:$0x3F99] =	sst s1;
	(tag) =	ssettag s2;
	_ =	strace s9  }
0x27: {  	s1 =	sld [smem:$0x3FA9]  }
0x28: {  	s2 =	sld [smem:$0x3FAA]  }
0x29: {  	s4 =	sld [smem:$0x3FAC]  }
0x2a: {  	p0 =	seq.s32 s5, $0x0;
	s5 =	sld [smem:$0x3FAD]  }
0x2b: {  	s6 =	sld [smem:$0x3FAE]  }
0x2c: {  	s7 =	sld [smem:$0x3FAF]  }
0x2d: {  	s3 =	simm.s32 $0x108;
	s8 =	sld [smem:$0x3FB0]  }
0x2e: {  	s3 =	simm.s32 @!p0 $0x1082;
	s9 =	sld [smem:$0x3FB1]  }
0x2f: {  	lr =	sadd.s32 s0, s3;
	s0 =	sld [smem:$0x3FA8]  }
0x30: {  	s3 =	sld [smem:$0x3FAB]  }
0x31: {  	[smem:$0x3FB4] =	sst s10  }
0x32: {  	s10 =	sld [smem:$0x3FB2];
	_ =	sdelay $0x3  }
0x33: {  	p0 =	seq.s32 s10, $0x1;
	s10 =	sld [smem:$0x3FB4];
	_ =	sdelay $0x3  }
0x34: {  	[smem:$0x3FB4] =	sst s10  }
0x35: {  	s10 =	sld [smem:$0x3FB3];
	_ =	sdelay $0x3  }
0x36: {  	p1 =	seq.s32 s10, $0x1;
	s10 =	sld [smem:$0x3FB4];
	_ =	sdelay $0x3  }
0x37: {  	[smem:$0x3FB4] =	sst s10  }
0x38: {  	s10 =	sld [smem:$0x3FB5]  }
0x39: {  	_ = 	snop;
	(pc) =	sbr.ind lr, $3  }
0x3a: {  	_ = 	snop  }
0x3b: {  	_ = 	snop  }
0x3c: {  	p2 =	seq.s32 s10, $0x1;
	s10 =	sld [smem:$0x3FB4]  }
0x3d: {  	_ =	shalt  }
0x3e: {  	_ =	shalt  }
0x3f: {  	_ =	shalt  }
0x40: {  	_ =	shalt  }
0x41: {  	_ =	shalt  }
0x42: {  	_ =	shalt  }
0x43: {  	_ =	shalt  }
0x44: {  	_ =	shalt  }
0x45: {  	_ =	shalt  }
0x46: {  	_ =	shalt  }
0x47: {  	_ =	shalt  }
0x48: {  	_ =	shalt  }
0x49: {  	_ =	shalt  }
0x4a: {  	_ =	shalt  }
0x4b: {  	_ =	shalt  }
0x4c: {  	_ =	shalt  }
0x4d: {  	_ =	shalt  }
0x4e: {  	_ =	shalt  }
0x4f: {  	_ =	shalt  }
0x50: {  	_ =	shalt  }
0x51: {  	_ =	shalt  }
0x52: {  	_ =	shalt  }
0x53: {  	_ =	shalt  }
0x54: {  	_ =	shalt  }
0x55: {  	_ =	shalt  }
0x56: {  	_ =	shalt  }
0x57: {  	_ =	shalt  }
0x58: {  	_ =	shalt  }
0x59: {  	_ =	shalt  }
0x5a: {  	_ =	shalt  }
0x5b: {  	_ =	shalt  }
0x5c: {  	_ =	shalt  }
0x5d: {  	_ =	shalt  }
0x5e: {  	_ =	shalt  }
0x5f: {  	_ =	shalt  }
0x60: {  	_ =	shalt  }
0x61: {  	_ =	shalt  }
0x62: {  	_ =	shalt  }
0x63: {  	_ =	shalt  }
0x64: {  	_ =	shalt  }
0x65: {  	_ =	shalt  }
0x66: {  	_ =	shalt  }
0x67: {  	_ =	shalt  }
0x68: {  	_ =	shalt  }
0x69: {  	_ =	shalt  }
0x6a: {  	_ =	shalt  }
0x6b: {  	_ =	shalt  }
0x6c: {  	_ =	shalt  }
0x6d: {  	_ =	shalt  }
0x6e: {  	_ =	shalt  }
0x6f: {  	_ =	shalt  }
0x70: {  	_ =	shalt  }
0x71: {  	_ =	shalt  }
0x72: {  	_ =	shalt  }
0x73: {  	_ =	shalt  }
0x74: {  	_ =	shalt  }
0x75: {  	_ =	shalt  }
0x76: {  	_ =	shalt  }
0x77: {  	_ =	shalt  }
0x78: {  	_ =	shalt  }
0x79: {  	_ =	shalt  }
0x7a: {  	_ =	shalt  }
0x7b: {  	_ =	shalt  }
0x7c: {  	_ =	shalt  }
0x7d: {  	_ =	shalt  }
0x7e: {  	_ =	shalt  }
0x7f: {  	_ =	shalt  }
0x80: {  	_ =	shalt  }
0x81: {  	_ =	shalt  }
0x82: {  	_ =	shalt  }
0x83: {  	_ =	shalt  }
0x84: {  	_ =	shalt  }
0x85: {  	_ =	shalt  }
0x86: {  	_ =	shalt  }
0x87: {  	_ =	shalt  }
.Lfunc_end0:
.L_simem_size_0:
called_computation_lowered:
.L_overlay_start_0:
0x88: {  	s2 =	sld [smem:$0x3FD9]  }
0x89: {  	s3 =	sld [smem:$0x3FFE];
	_ =	sdelay $0x1  }
0x8a: {  	s1 =	srdreg.scid  }
0x8b: {  	s0 =	sand.u32 $0x1, s1  }
0x8c: {  	s17 =	sshll.u32 s0, $0xA;
	s2 =	sadd.s32 s3, s2  }
0x8d: {  	s2 =	sadd.s32 s2, s17  }
0x8e: {  	[smem:$0x3FC0] =	sst s2  }
0x8f: {  	_ = 	snop  }
0x90: {  	s2 =	sld [smem:$0x3FD0];
	(tm) =	ssettm $0x1  }
0x91: {  	s18 =	sld [smem:$0x3FFB];
	_ =	sdelay $0x3  }
0x92: {  	_ =	strace s18  }
0x93: {  	s3 =	sld [smem:$0x3FFC];
	_ =	sdelay $0x3  }
0x94: {  	_ =	strace s3  }
0x95: {  	s3 =	sld [smem:$0x3FFD];
	_ =	sdelay $0x3  }
0x96: {  	_ =	strace s3  }
0x97: {  	_ =	strace $0x8FFFFFFF  }
0x98: {  	s19 =	sld [smem:$0x3FDB];
	_ =	sdelay $0x1  }
0x99: {  	s4 =	simm.s32 $_scs_section_size  }
0x9a: {  	s5 =	simm.s32 $_size__tile_overlayer_lowered;
	s6 =	simm.s32 $_tile_overlayer_lowered  }
0x9b: {  	s22 =	simm.s32 $0x1BFF;
	s21 =	sshll.u32 s6, $0x1;
	s3 =	sadd.s32 s4, s19  }
0x9c: {  	s7 =	simm.s32 $0x0;
	s20 =	sshll.u32 s5, $0x1;
	s5 =	sadd.s32 s21, s3  }
0x9d: {  	[timem:s7], [sflag:s22] =	dma.local [hbm:s5], s20  }
0x9e: {  	_ =	swait.ge [sflag:s22], s20  }
0x9f: {  	s4 =	ssub.s32 $0x0, s20;
	[sflag:s22] =	ssyncset.done $0x0  }
0xa0: {  	[sflag:s22] =	ssyncadd.s32 s4;
	_ =	sdelay $0x1  }
0xa1: {  	s23 =	simm.s32 $0x1B8B  }
0xa2: {  	_ =	swait.ge [sflag:s23], $0x1  }
0xa3: {  	[sflag:s23] =	ssyncset.done $0x0  }
0xa4: {  	s25 =	simm.s32 $0x1B8E;
	s24 =	sld [smem:$0x3FFE];
	[sflag:s23] =	ssyncadd.s32 $0xFFFFFFFF  }
0xa5: {  	s26 =	simm.s32 $execute0_lowered;
	[smem:$0x3FD2] =	sst s25  }
0xa6: {  	s5 =	sshll.u32 s26, $0x1;
	_ =	strace $0x80000046;
	[dreg:$0x1] =	wrdreg $0xFFFFFFFF  }
0xa7: {  	s28 =	simm.s32 $_size_execute0_lowered;
	s3 =	sadd.s32 s3, s5;
	[dreg:$0x0] =	wrdreg $0x0  }
0xa8: {  	s5 =	sshll.u32 s28, $0x1;
	[dreg:$0x2] =	wrdreg s3  }
0xa9: {  	[dreg:$0x3] =	wrdreg s5  }
0xaa: {  	[dreg:$0x4] =	wrdreg $0xC0  }
0xab: {  	_ =	task [dreg:s7], $0x5FFFF  }
0xac: {  	[dreg:$0x1] =	wrdreg $0xFFFFFFFF  }
0xad: {  	[dreg:$0x0] =	wrdreg $0x60  }
0xae: {  	[dreg:$0x2] =	wrdreg s2  }
0xaf: {  	[dreg:$0x3] =	wrdreg s24  }
0xb0: {  	[dreg:$0x4] =	wrdreg $0x0  }
0xb1: {  	[dreg:$0x5] =	wrdreg $0x9  }
0xb2: {  	_ =	task.clear_ibuf [dreg:s7], $0x6FFFF;
	_ =	strace $0x90000046  }
0xb3: {  	s29 =	simm.s32 $0x9;
	_ =	strace $0x80000048  }
0xb4: {  	_ =	swait.ge [sflag:s29], $0x1  }
0xb5: {  	[sflag:s29] =	ssyncadd.s32 $0xFFFFFFFF  }
0xb6: {  	_ =	strace $0x90000048  }
0xb7: {  	_ =	sfence  }
0xb8: {  	s30 =	sld [smem:$0x0];
	_ =	sdelay $0x2  }
0xb9: {  	s31 =	sshll.u32 s1, $0xD;
	s1 =	sshrl.u32 s1, $0x2  }
0xba: {  	s3 =	sand.u32 $0x4000, s31;
	s1 =	sadd.s32 s1, s30  }
0xbb: {  	s0 =	sor.u32 s3, s0;
	s1 =	sshll.u32 s1, $0x11  }
0xbc: {  	s0 =	sor.u32 s1, s0  }
0xbd: {  	s0 =	sadd.s32 $0x8F2B, s0  }
0xbe: {  	[sflag:s0] =	ssyncadd.remote.s32 $0x1  }
0xbf: {  	_ =	sfence.sel $0xFFFF  }
0xc0: {  	[dreg:$0x0] =	wrdreg $0xFFFFFFFF;
	(pc) =	sbr.abs _section_cstart, $3  }
0xc1: {  	[dreg:$0x1] =	wrdreg $0xFFFFFFFF  }
0xc2: {  	_ =	task.clear_ibuf [dreg:s7], $0x2FFFF;
	_ =	strace $0x9FFFFFFF  }
0xc3: {  	(tm) =	ssettm $0x7FFFFFFF  }
tec
execute0_lowered:
.L_overlay_start_1:
0x0: {  	(tag) =	ssettag $0x1  }
0x1: {  	s7 =	rddreg [dreg:$0x0]  }
0x2: {  	s5 =	rddreg [dreg:$0x1]  }
0x3: {  	s2 =	rddreg [dreg:$0x2]  }
0x4: {  	s0 =	rddreg [dreg:$0x3];
	s3 =	simm.s32 $0x0  }
0x5: {  	s1 =	stileid.u32;
	s4 =	srdreg.scid;
	s13 =	simm.s32 $0x80  }
0x6: {  	s14 =	simm.s32 $0x1;
	[smem:$0x7FF] =	sst s3;
	s15 =	smul.u32 $0x2780, s1  }
0x7: {  	s6 =	sand.u32 $0x1, s4;
	s4 =	sadd.s32 $0x2A400, s5;
	s11 =	smul.u32 $0x4F000, s1  }
0x8: {  	s12 =	sshll.u32 s1, $0x1;
	s31 =	sshll.u32 s1, $0x6;
	_ =	strace $0x80000047  }
0x9: {  	s9 =	smul.u32 $0x27800, s6;
	s10 =	ssub.s32 $0x2, s6;
	s6 =	sor.u32 s6, s12  }
0xa: {  	s12 =	simm.s32 $0x16400;
	s8 =	sadd.s32 s15, s5;
	s26 =	sshrl.u32 s10, $0x1  }
0xb: {  	s28 =	sshrl.u32 s11, $0x2;
	s29 =	smul.u32 $0x500, s6;
	s6 =	sor.u32 $0x1C02, s31  }
0xc: {  	s11 =	simm.s32 $0x13C00;
	s9 =	sadd.s32 s9, s5;
	s10 =	ssub.s32 s10, s26  }
0xd: {  	s30 =	sadd.s32 s28, s2;
	s5 =	sadd.s32 $0x2C00, s8;
	s7 =	sadd.s32 s7, s29  }
0xe: {  	s16 =	sadd.s32 $0x2AC00, s9;
	s8 =	smax.u32 s10, $0x1;
	s9 =	sshrl.u32 s30, $0x3  }
0xf: {  	s10 =	simm.s32 $0x2;
	s15 =	sadd.s32 s15, s16;
	s16 =	simm.s32 $0x0  }
.LBB2_1:
0x10: {  	[spmem:s9], [sflag:s6] =	dma.local [hbm:s5], $0x2780  }
0x11: {  	_ =	swait.ge [sflag:s10], $0x2780  }
0x12: {  	[sflag:s10] =	ssyncset.done $0x0  }
0x13: {  	[sflag:s10] =	ssyncadd.s32 $0xFFFFD880  }
0x14: {  	[tilespmem:s11], [sflag:$0x2] =	stream.linear.gather [hbm4b:s7+s3], $0x2800, $0x38;
	[tilespmem:$0x1A400] =	vst v63  }
0x15: {  	_ =	swait.ge [sflag:s10], $0x2800  }
0x16: {  	[sflag:s10] =	ssyncset.done $0x0  }
0x17: {  	[sflag:s10] =	ssyncadd.s32 $0xFFFFD800  }
0x18: {  	[tilespmem:s12], [sflag:$0x2] =	stream.linear.gather [hbm4b:s4+s3], $0x4000, $0x38;
	[tilespmem:$0x1A400] =	vst v63  }
0x19: {  	_ =	swait.ge [sflag:s10], $0x4000  }
0x1a: {  	[sflag:s10] =	ssyncset.done $0x0  }
0x1b: {  	[sflag:s10] =	ssyncadd.s32 $0xFFFFC000  }
0x1c: {  	s17 =	simm.s32 $0x13C00;
	[bflag:$0x0] =	sbarrier.arrive $0xFFFF  }
0x1d: {  	[spmem:s2] =	stream.indirect.scatter.add.f32 [tilespmem:s12], [sflag:$0x1], $0x80, s17, s13, $0xb8;
	[tilespmem:$0x1A400] =	vst v63  }
0x1e: {  	s24 =	simm.s32 $0x13C80  }
0x1f: {  	[spmem:s2] =	stream.indirect.scatter.add.f32 [tilespmem:s12], [sflag:$0x1], $0x80, s24, s13, $0xb8;
	[tilespmem:$0x1A400] =	vst v63  }
0x20: {  	s25 =	simm.s32 $0x13D00  }
0x21: {  	[spmem:s2] =	stream.indirect.scatter.add.f32 [tilespmem:s12], [sflag:$0x1], $0x80, s25, s13, $0xb8;
	[tilespmem:$0x1A400] =	vst v63  }
0x22: {  	s26 =	simm.s32 $0x13D80  }
0x23: {  	[spmem:s2] =	stream.indirect.scatter.add.f32 [tilespmem:s12], [sflag:$0x1], $0x80, s26, s13, $0xb8;
	[tilespmem:$0x1A400] =	vst v63  }
0x24: {  	s28 =	simm.s32 $0x13E00  }
0x25: {  	[spmem:s2] =	stream.indirect.scatter.add.f32 [tilespmem:s12], [sflag:$0x1], $0x80, s28, s13, $0xb8;
	[tilespmem:$0x1A400] =	vst v63  }
0x26: {  	s29 =	simm.s32 $0x13E80  }
0x27: {  	[spmem:s2] =	stream.indirect.scatter.add.f32 [tilespmem:s12], [sflag:$0x1], $0x80, s29, s13, $0xb8;
	[tilespmem:$0x1A400] =	vst v63  }
0x28: {  	s30 =	simm.s32 $0x13F00  }
0x29: {  	[spmem:s2] =	stream.indirect.scatter.add.f32 [tilespmem:s12], [sflag:$0x1], $0x80, s30, s13, $0xb8;
	[tilespmem:$0x1A400] =	vst v63  }
0x2a: {  	s31 =	simm.s32 $0x13F80  }
0x2b: {  	[spmem:s2] =	stream.indirect.scatter.add.f32 [tilespmem:s12], [sflag:$0x1], $0x80, s31, s13, $0xb8;
	[tilespmem:$0x1A400] =	vst v63  }
0x2c: {  	_ =	swait.ge [sflag:s14], $0x4000  }
0x2d: {  	[sflag:s14] =	ssyncset.done $0x0  }
0x2e: {  	[sflag:s14] =	ssyncadd.s32 $0xFFFFC000  }
0x2f: {  	_ =	swait.ge [sflag:s14], $0x4000  }
0x30: {  	[sflag:s14] =	ssyncset.done $0x0  }
0x31: {  	[sflag:s14] =	ssyncadd.s32 $0xFFFFC000  }
0x32: {  	_ =	swait.ge [sflag:s14], $0x4000  }
0x33: {  	[sflag:s14] =	ssyncset.done $0x0  }
0x34: {  	[sflag:s14] =	ssyncadd.s32 $0xFFFFC000  }
0x35: {  	_ =	swait.ge [sflag:s14], $0x4000  }
0x36: {  	[sflag:s14] =	ssyncset.done $0x0  }
0x37: {  	[sflag:s14] =	ssyncadd.s32 $0xFFFFC000  }
0x38: {  	_ =	swait.ge [sflag:s14], $0x4000  }
0x39: {  	[sflag:s14] =	ssyncset.done $0x0  }
0x3a: {  	[sflag:s14] =	ssyncadd.s32 $0xFFFFC000  }
0x3b: {  	_ =	swait.ge [sflag:s14], $0x4000  }
0x3c: {  	[sflag:s14] =	ssyncset.done $0x0  }
0x3d: {  	[sflag:s14] =	ssyncadd.s32 $0xFFFFC000  }
0x3e: {  	_ =	swait.ge [sflag:s14], $0x4000  }
0x3f: {  	[sflag:s14] =	ssyncset.done $0x0  }
0x40: {  	[sflag:s14] =	ssyncadd.s32 $0xFFFFC000  }
0x41: {  	_ =	swait.ge [sflag:s14], $0x4000  }
0x42: {  	s20 =	simm.s32 $0x2000;
	s19 =	simm.s32 $0x400;
	[sflag:s14] =	ssyncset.done $0x0  }
.LBB2_2:
0x43: {  	s21 =	sadd.s32 $0x13C00, s19  }
0x44: {  	[sflag:s14] =	ssyncadd.s32 $0xFFFFC000;
	s18 =	smov.u32 s20;
	s17 =	sadd.s32 $0x1000, s20  }
0x45: {  	[spmem:s2] =	stream.indirect.scatter.add.f32 [tilespmem:s12], [sflag:$0x1], $0x80, s21, s13, $0xb8;
	[tilespmem:$0x1A400] =	vst v63  }
0x46: {  	p0 =	sne.s32 s20, $0x9000;
	s20 =	sadd.s32 $0x13C80, s19  }
0x47: {  	[spmem:s2] =	stream.indirect.scatter.add.f32 [tilespmem:s12], [sflag:$0x1], $0x80, s20, s13, $0xb8;
	[tilespmem:$0x1A400] =	vst v63  }
0x48: {  	s20 =	sadd.s32 $0x13D00, s19  }
0x49: {  	[spmem:s2] =	stream.indirect.scatter.add.f32 [tilespmem:s12], [sflag:$0x1], $0x80, s20, s13, $0xb8;
	[tilespmem:$0x1A400] =	vst v63  }
0x4a: {  	s20 =	sadd.s32 $0x13D80, s19  }
0x4b: {  	[spmem:s2] =	stream.indirect.scatter.add.f32 [tilespmem:s12], [sflag:$0x1], $0x80, s20, s13, $0xb8;
	[tilespmem:$0x1A400] =	vst v63  }
0x4c: {  	s20 =	sadd.s32 $0x13E00, s19  }
0x4d: {  	[spmem:s2] =	stream.indirect.scatter.add.f32 [tilespmem:s12], [sflag:$0x1], $0x80, s20, s13, $0xb8;
	[tilespmem:$0x1A400] =	vst v63  }
0x4e: {  	s20 =	sadd.s32 $0x13E80, s19  }
0x4f: {  	[spmem:s2] =	stream.indirect.scatter.add.f32 [tilespmem:s12], [sflag:$0x1], $0x80, s20, s13, $0xb8;
	[tilespmem:$0x1A400] =	vst v63  }
0x50: {  	s20 =	sadd.s32 $0x13F00, s19  }
0x51: {  	[spmem:s2] =	stream.indirect.scatter.add.f32 [tilespmem:s12], [sflag:$0x1], $0x80, s20, s13, $0xb8;
	[tilespmem:$0x1A400] =	vst v63  }
0x52: {  	s19 =	sadd.s32 $0x13F80, s19  }
0x53: {  	[spmem:s2] =	stream.indirect.scatter.add.f32 [tilespmem:s12], [sflag:$0x1], $0x80, s19, s13, $0xb8;
	[tilespmem:$0x1A400] =	vst v63  }
0x54: {  	_ =	swait.ge [sflag:s14], $0x4000  }
0x55: {  	[sflag:s14] =	ssyncset.done $0x0  }
0x56: {  	[sflag:s14] =	ssyncadd.s32 $0xFFFFC000  }
0x57: {  	_ =	swait.ge [sflag:s14], $0x4000  }
0x58: {  	[sflag:s14] =	ssyncset.done $0x0  }
0x59: {  	[sflag:s14] =	ssyncadd.s32 $0xFFFFC000  }
0x5a: {  	_ =	swait.ge [sflag:s14], $0x4000  }
0x5b: {  	[sflag:s14] =	ssyncset.done $0x0  }
0x5c: {  	[sflag:s14] =	ssyncadd.s32 $0xFFFFC000  }
0x5d: {  	_ =	swait.ge [sflag:s14], $0x4000  }
0x5e: {  	[sflag:s14] =	ssyncset.done $0x0  }
0x5f: {  	[sflag:s14] =	ssyncadd.s32 $0xFFFFC000  }
0x60: {  	_ =	swait.ge [sflag:s14], $0x4000  }
0x61: {  	[sflag:s14] =	ssyncset.done $0x0  }
0x62: {  	[sflag:s14] =	ssyncadd.s32 $0xFFFFC000  }
0x63: {  	_ =	swait.ge [sflag:s14], $0x4000  }
0x64: {  	[sflag:s14] =	ssyncset.done $0x0  }
0x65: {  	[sflag:s14] =	ssyncadd.s32 $0xFFFFC000  }
.Ltmp0:
0x66: {  	_ =	swait.ge [sflag:s14], $0x4000;
	(pc) =	sbr.rel @p0 .LBB2_2-.Ltmp0, $4  }
0x67: {  	[sflag:s14] =	ssyncset.done $0x0  }
0x68: {  	[sflag:s14] =	ssyncadd.s32 $0xFFFFC000  }
0x69: {  	_ =	swait.ge [sflag:s14], $0x4000  }
0x6a: {  	s20 =	smov.u32 s17;
	s19 =	sshra.s32 s18, $0x2;
	[sflag:s14] =	ssyncset.done $0x0  }
0x6b: {  	s17 =	sadd.s32 $0x13C00, s19;
	[sflag:s14] =	ssyncadd.s32 $0xFFFFC000  }
0x6c: {  	[spmem:s2] =	stream.indirect.scatter.add.f32 [tilespmem:s12], [sflag:$0x1], $0x80, s17, s13, $0xb8;
	[tilespmem:$0x1A400] =	vst v63  }
0x6d: {  	s24 =	sadd.s32 $0x13C80, s19  }
0x6e: {  	[spmem:s2] =	stream.indirect.scatter.add.f32 [tilespmem:s12], [sflag:$0x1], $0x80, s24, s13, $0xb8;
	[tilespmem:$0x1A400] =	vst v63  }
0x6f: {  	s25 =	sadd.s32 $0x13D00, s19  }
0x70: {  	[spmem:s2] =	stream.indirect.scatter.add.f32 [tilespmem:s12], [sflag:$0x1], $0x80, s25, s13, $0xb8;
	[tilespmem:$0x1A400] =	vst v63  }
0x71: {  	s26 =	sadd.s32 $0x13D80, s19  }
0x72: {  	[spmem:s2] =	stream.indirect.scatter.add.f32 [tilespmem:s12], [sflag:$0x1], $0x80, s26, s13, $0xb8;
	[tilespmem:$0x1A400] =	vst v63  }
0x73: {  	s28 =	sadd.s32 $0x13E00, s19  }
0x74: {  	[spmem:s2] =	stream.indirect.scatter.add.f32 [tilespmem:s12], [sflag:$0x1], $0x80, s28, s13, $0xb8;
	[tilespmem:$0x1A400] =	vst v63  }
0x75: {  	s29 =	sadd.s32 $0x13E80, s19  }
0x76: {  	[spmem:s2] =	stream.indirect.scatter.add.f32 [tilespmem:s12], [sflag:$0x1], $0x80, s29, s13, $0xb8;
	[tilespmem:$0x1A400] =	vst v63  }
0x77: {  	s30 =	sadd.s32 $0x13F00, s19  }
0x78: {  	[spmem:s2] =	stream.indirect.scatter.add.f32 [tilespmem:s12], [sflag:$0x1], $0x80, s30, s13, $0xb8;
	[tilespmem:$0x1A400] =	vst v63  }
0x79: {  	s31 =	sadd.s32 $0x13F80, s19  }
0x7a: {  	[spmem:s2] =	stream.indirect.scatter.add.f32 [tilespmem:s12], [sflag:$0x1], $0x80, s31, s13, $0xb8;
	[tilespmem:$0x1A400] =	vst v63  }
0x7b: {  	_ =	swait.ge [sflag:s14], $0x4000  }
0x7c: {  	[sflag:s14] =	ssyncset.done $0x0  }
0x7d: {  	[sflag:s14] =	ssyncadd.s32 $0xFFFFC000  }
0x7e: {  	_ =	swait.ge [sflag:s14], $0x4000  }
0x7f: {  	[sflag:s14] =	ssyncset.done $0x0  }
0x80: {  	[sflag:s14] =	ssyncadd.s32 $0xFFFFC000  }
0x81: {  	_ =	swait.ge [sflag:s14], $0x4000  }
0x82: {  	[sflag:s14] =	ssyncset.done $0x0  }
0x83: {  	[sflag:s14] =	ssyncadd.s32 $0xFFFFC000  }
0x84: {  	_ =	swait.ge [sflag:s14], $0x4000  }
0x85: {  	[sflag:s14] =	ssyncset.done $0x0  }
0x86: {  	[sflag:s14] =	ssyncadd.s32 $0xFFFFC000  }
0x87: {  	_ =	swait.ge [sflag:s14], $0x4000  }
0x88: {  	[sflag:s14] =	ssyncset.done $0x0  }
0x89: {  	[sflag:s14] =	ssyncadd.s32 $0xFFFFC000  }
0x8a: {  	_ =	swait.ge [sflag:s14], $0x4000  }
0x8b: {  	[sflag:s14] =	ssyncset.done $0x0  }
0x8c: {  	[sflag:s14] =	ssyncadd.s32 $0xFFFFC000  }
0x8d: {  	_ =	swait.ge [sflag:s14], $0x4000  }
0x8e: {  	[sflag:s14] =	ssyncset.done $0x0  }
0x8f: {  	[sflag:s14] =	ssyncadd.s32 $0xFFFFC000  }
0x90: {  	_ =	swait.ge [sflag:s14], $0x4000  }
0x91: {  	s16 =	sadd.s32 $0x1, s16;
	[sflag:s14] =	ssyncset.done $0x0  }
0x92: {  	p0 =	sne.s32 s16, s8;
	[sflag:s14] =	ssyncadd.s32 $0xFFFFC000  }
.Ltmp1:
0x93: {  	[bflag:$0x0] =	sbarrier.arrive $0xFFFF;
	(pc) =	sbr.rel @p0 .LBB2_1-.Ltmp1, $4  }
0x94: {  	[hbm:s15], [sflag:s6] =	dma.local [spmem:s9], $0x2780  }
0x95: {  	_ =	swait.ge [sflag:s10], $0x2780  }
0x96: {  	[sflag:s10] =	ssyncset.done $0x0  }
0x97: {  	[sflag:s10] =	ssyncadd.s32 $0xFFFFD880  }
0x98: {  	_ =	sfence.sel $0x180000  }
0x99: {  	[bflag:$0x0] =	sbarrier.arrive $0xFFFF  }
0x9a: {  	p0 =	sne.s32 s1, $0x0;
	_ =	strace $0x90000047  }
0x9b: {  	s0 =	sadd.s32 @!p0 $0x100000, s0;
	[bflag:$0x2] =	sbarrier.arrive $0xFFFF  }
0x9c: {  	[sflag:s0] =	ssyncadd.tile.s32 @!p0 $0x1;
	_ =	shalt  }
.Lfunc_end2:
_tile_overlayer_lowered:
.L_overlay_start_2:
0x9d: {  	(tag) =	ssettag $0x2  }
0x9e: {  	s0 =	rddreg [dreg:$0x0];
	s2 =	stileid.u32  }
0x9f: {  	s1 =	rddreg [dreg:$0x1];
	p0 =	sne.s32 s2, $0x0  }
0xa0: {  	s3 =	rddreg [dreg:$0x2];
	[bflag:$0x3] =	sbarrier.arrive $0xFFFF;
	s2 =	simm.s32 @!p0 $0x1C02  }
0xa1: {  	[timem:s3], [sflag:s2] =	dma.local @!p0 [hbm:s0], s1  }
0xa2: {  	s0 =	simm.s32 @!p0 $0x2  }
0xa3: {  	_ =	swait.ge @!p0 [sflag:s0], s1  }
0xa4: {  	s1 =	ssub.s32 @!p0 $0x0, s1;
	[sflag:s0] =	ssyncset.done @!p0 $0x0  }
0xa5: {  	[sflag:s0] =	ssyncadd.s32 @!p0 s1  }
0xa6: {  	[bflag:$0x3] =	sbarrier.arrive $0xFFFF  }
0xa7: {  	_ =	shalt  }

</sc_bundles>
